<compile_context>
chip_gen: v7x
topology: tpu7x:2x2x1
jax: 0.10.2.dev20260603
libtpu: 0.0.44.dev20260713+nightly
codegen_flags: <defaults>
</compile_context>

<pallas_src>
import functools

import jax
import jax.numpy as jnp
import numpy as np
from jax import lax
from jax.experimental import pallas as pl
from jax.experimental.pallas import tpu as pltpu
from jax.experimental.pallas import tpu_sc as plsc

_F = 26
_D = 16
_B = 16384
_NC, _NS = 2, 16
_NW = _NC * _NS
_E = _B * _F
_EPW = _E // _NW
_CHUNK = 128
_NCH = _EPW // _CHUNK

_OFFSETS = np.array([0] + list(np.cumsum([100000] * _F)[:-1]), dtype=np.int32)


_K = 8
_NG = _NCH // _K
_CPW = _EPW // _CHUNK


def _sc_gather_body(idx_hbm, emb_hbm, fc_hbm, emb_out, fc_out,
                    idx_v, ebuf, fbuf,
                    sge0, sgf0, swe0, swf0, sge1, sgf1, swe1, swf1):
    c = lax.axis_index("c")
    s = lax.axis_index("s")
    wid = s * _NC + c
    pltpu.sync_copy(idx_hbm.at[wid], idx_v)
    crow = wid * _CPW

    banks = (
        (ebuf.at[0], fbuf.at[0], sge0, sgf0, swe0, swf0),
        (ebuf.at[1], fbuf.at[1], sge1, sgf1, swe1, swf1),
    )

    def issue_gathers(tg, bank):
        eb, fb, sge, sgf = bank[0], bank[1], bank[2], bank[3]
        for b in range(_K):
            g = tg * _K + b
            pltpu.async_copy(emb_hbm.at[idx_v.at[g]], eb.at[b], sge)
            pltpu.async_copy(fc_hbm.at[idx_v.at[g]], fb.at[b], sgf)

    def wait_gathers(tg, bank):
        eb, fb, sge, sgf = bank[0], bank[1], bank[2], bank[3]
        for b in range(_K):
            g = tg * _K + b
            pltpu.make_async_copy(emb_hbm.at[idx_v.at[g]], eb.at[b], sge).wait()
            pltpu.make_async_copy(fc_hbm.at[idx_v.at[g]], fb.at[b], sgf).wait()

    def issue_writes(tg, bank):
        eb, fb, swe, swf = bank[0], bank[1], bank[4], bank[5]
        row = crow + tg * _K
        pltpu.async_copy(eb, emb_out.at[pl.ds(row, _K)], swe)
        pltpu.async_copy(fb, fc_out.at[pl.ds(row, _K)], swf)

    def wait_writes(tg, bank):
        eb, fb, swe, swf = bank[0], bank[1], bank[4], bank[5]
        row = crow + tg * _K
        pltpu.make_async_copy(eb, emb_out.at[pl.ds(row, _K)], swe).wait()
        pltpu.make_async_copy(fb, fc_out.at[pl.ds(row, _K)], swf).wait()

    issue_gathers(0, banks[0])

    def body(t, carry):
        def do(bank, obank):
            @pl.when(t + 1 < _NG)
            def _():
                @pl.when(t >= 1)
                def _():
                    wait_writes(t - 1, obank)
                issue_gathers(t + 1, obank)
            wait_gathers(t, bank)
            issue_writes(t, bank)

        @pl.when(t % 2 == 0)
        def _():
            do(banks[0], banks[1])

        @pl.when(t % 2 == 1)
        def _():
            do(banks[1], banks[0])

        return carry

    lax.fori_loop(0, _NG, body, 0)
    wait_writes(_NG - 2, banks[(_NG - 2) % 2])
    wait_writes(_NG - 1, banks[(_NG - 1) % 2])


@functools.partial(jax.jit, static_argnums=())
def _sc_gather(idx, emb_table, fc_table):
    mesh = plsc.VectorSubcoreMesh(core_axis_name="c", subcore_axis_name="s",
                                  num_cores=_NC, num_subcores=_NS)
    k = pl.kernel(
        _sc_gather_body,
        out_type=(jax.ShapeDtypeStruct((_E // _CHUNK, _CHUNK, _D), jnp.float32),
                  jax.ShapeDtypeStruct((_E // _CHUNK, _CHUNK), jnp.float32)),
        mesh=mesh,
        scratch_types=[
            pltpu.VMEM((_NCH, _CHUNK), jnp.int32),
            pltpu.VMEM((2, _K, _CHUNK, _D), jnp.float32),
            pltpu.VMEM((2, _K, _CHUNK), jnp.float32),
        ] + [pltpu.SemaphoreType.DMA] * 8,
        compiler_params=pltpu.CompilerParams(use_tc_tiling_on_sc=False),
    )
    return k(idx, emb_table, fc_table.reshape(-1))


def _tc_mlp_body(e_ref, fc_ref, w1_ref, b1_ref, w2_ref, b2_ref, w3_ref,
                 s_ref, bias_ref, o_ref):
    e = e_ref[...]
    f32 = jnp.float32
    h1 = jnp.maximum(
        jnp.dot(e, w1_ref[...], preferred_element_type=f32) + b1_ref[...], 0.0)
    h2 = jnp.maximum(
        jnp.dot(h1, w2_ref[...], preferred_element_type=f32) + b2_ref[...], 0.0)
    deep = jnp.dot(h2, w3_ref[...], preferred_element_type=f32)
    sf = jnp.dot(e, s_ref[...], preferred_element_type=f32)
    second = 0.5 * (jnp.sum(sf * sf, axis=1, keepdims=True)
                    - jnp.sum(e * e, axis=1, keepdims=True))
    first = jnp.sum(fc_ref[...], axis=1, keepdims=True)
    logit = first + second + deep + bias_ref[0, 0]
    o_ref[...] = jax.nn.sigmoid(logit)


def _tc_mlp(emb_flat, fc_mat, W1, b1, W2, b2, W3, smat, bias_tot):
    BB = 2048
    grid = (_B // BB,)
    return pl.pallas_call(
        _tc_mlp_body,
        grid=grid,
        in_specs=[
            pl.BlockSpec((BB, _F * _D), lambda i: (i, 0)),
            pl.BlockSpec((BB, _F), lambda i: (i, 0)),
            pl.BlockSpec((_F * _D, 128), lambda i: (0, 0)),
            pl.BlockSpec((1, 128), lambda i: (0, 0)),
            pl.BlockSpec((128, 64), lambda i: (0, 0)),
            pl.BlockSpec((1, 64), lambda i: (0, 0)),
            pl.BlockSpec((64, 1), lambda i: (0, 0)),
            pl.BlockSpec((_F * _D, _D), lambda i: (0, 0)),
            pl.BlockSpec((1, 1), lambda i: (0, 0)),
        ],
        out_specs=pl.BlockSpec((BB, 1), lambda i: (i, 0)),
        out_shape=jax.ShapeDtypeStruct((_B, 1), jnp.float32),
        compiler_params=pltpu.CompilerParams(
            dimension_semantics=("arbitrary",),
        ),
    )(emb_flat, fc_mat, W1, b1, W2, b2, W3, smat, bias_tot)


def kernel(x, emb_table, fc_table, bias, W1, b1, W2, b2, W3, b3):
    idx = (x.astype(jnp.int32) + jnp.asarray(_OFFSETS)[None, :])
    idx = idx.reshape(_NW, _NCH, _CHUNK)
    emb_rows, fc_rows = _sc_gather(idx, emb_table, fc_table)
    emb_flat = emb_rows.reshape(_B, _F * _D)
    fc_mat = fc_rows.reshape(_B, _F)
    smat = jnp.tile(jnp.eye(_D, dtype=jnp.float32), (_F, 1))
    bias_tot = (bias + b3).reshape(1, 1)
    out = _tc_mlp(emb_flat, fc_mat, W1, b1.reshape(1, -1), W2,
                  b2.reshape(1, -1), W3, smat, bias_tot)
    return out

# --- scband reference (transcript-rebuilt; emitter-appended) ---
"""Pipeline reference for scband-deep-fmmodel-88270167868112 (READ-ONLY COPY).

The authoritative reference and input builder live on the scoring server;
editing this copy changes nothing except your own understanding.
"""

import jax, jax.numpy as jnp
import numpy as np

FIELD_DIMS = [100000] * 26
EMBED_DIM = 16
MLP_DIMS = [128, 64]
BATCH = 16384


def setup_inputs(seed: int = 0) -> dict:
    key = jax.random.key(seed)
    ks = jax.random.split(key, 10)
    n_fields = len(FIELD_DIMS)
    total_rows = sum(FIELD_DIMS)
    x = jax.random.randint(ks[0], (BATCH, n_fields), 0, 100000)
    emb_table = jax.random.normal(ks[1], (total_rows, EMBED_DIM), dtype=jnp.float32) * 0.01
    fc_table = jax.random.normal(ks[2], (total_rows, 1), dtype=jnp.float32) * 0.01
    bias = jnp.zeros((1,), dtype=jnp.float32)
    in_dim = n_fields * EMBED_DIM
    W1 = jax.random.normal(ks[3], (in_dim, MLP_DIMS[0]), dtype=jnp.float32) * (1.0 / np.sqrt(in_dim))
    b1 = jnp.zeros((MLP_DIMS[0],), dtype=jnp.float32)
    W2 = jax.random.normal(ks[4], (MLP_DIMS[0], MLP_DIMS[1]), dtype=jnp.float32) * (1.0 / np.sqrt(MLP_DIMS[0]))
    b2 = jnp.zeros((MLP_DIMS[1],), dtype=jnp.float32)
    W3 = jax.random.normal(ks[5], (MLP_DIMS[1], 1), dtype=jnp.float32) * (1.0 / np.sqrt(MLP_DIMS[1]))
    b3 = jnp.zeros((1,), dtype=jnp.float32)
    return {"x": x, "emb_table": emb_table, "fc_table": fc_table, "bias": bias,
            "W1": W1, "b1": b1, "W2": W2, "b2": b2, "W3": W3, "b3": b3}


def reference(x, emb_table, fc_table, bias, W1, b1, W2, b2, W3, b3):
    offsets = jnp.asarray(np.array((0, *np.cumsum(FIELD_DIMS)[:-1]), dtype=np.int32))
    idx = x + offsets[None, :]
    # FeaturesLinear: first-order term
    first_order = jnp.take(fc_table, idx, axis=0).sum(axis=1) + bias  # (B, 1)
    # FeaturesEmbedding: gather embeddings
    emb = jnp.take(emb_table, idx, axis=0)  # (B, F, D)
    # FM second-order term
    square_of_sum = jnp.sum(emb, axis=1) ** 2
    sum_of_square = jnp.sum(emb ** 2, axis=1)
    second_order = 0.5 * jnp.sum(square_of_sum - sum_of_square, axis=1, keepdims=True)  # (B, 1)
    fm_out = first_order + second_order
    # Deep part: MLP over flattened embeddings
    h = emb.reshape(emb.shape[0], -1)
    h = jax.nn.relu(h @ W1 + b1)
    h = jax.nn.relu(h @ W2 + b2)
    deep_out = h @ W3 + b3  # (B, 1)
    return jax.nn.sigmoid(fm_out + deep_out)

if __name__ == "__main__":
    import jax
    _d = setup_inputs()
    print(jax.jit(kernel)(*tuple(_d.values())))

</pallas_src>

<mosaic_0001>
#map = affine_map<(d0, d1) -> (0, 0, 0)>
#map1 = affine_map<(d0, d1) -> (0, 0)>
#map2 = affine_map<(d0, d1) -> (0)>
module attributes {stable_mosaic.version = 14 : i64} {
  func.func @_sc_gather_body(%arg0: i32, %arg1: i32, %arg2: memref<32x104x128xi32, #tpu.memory_space<hbm>>, %arg3: memref<2600000x16xf32, #tpu.memory_space<hbm>>, %arg4: memref<2600000xf32, #tpu.memory_space<hbm>>, %arg5: memref<3328x128x16xf32, #tpu.memory_space<hbm>>, %arg6: memref<3328x128xf32, #tpu.memory_space<hbm>>, %arg7: memref<104x128xi32, #tpu.memory_space<vmem>>, %arg8: memref<2x8x128x16xf32, #tpu.memory_space<vmem>>, %arg9: memref<2x8x128xf32, #tpu.memory_space<vmem>>, %arg10: memref<!tpu.dma_semaphore, #tpu.memory_space<semaphore_mem>>, %arg11: memref<!tpu.dma_semaphore, #tpu.memory_space<semaphore_mem>>, %arg12: memref<!tpu.dma_semaphore, #tpu.memory_space<semaphore_mem>>, %arg13: memref<!tpu.dma_semaphore, #tpu.memory_space<semaphore_mem>>, %arg14: memref<!tpu.dma_semaphore, #tpu.memory_space<semaphore_mem>>, %arg15: memref<!tpu.dma_semaphore, #tpu.memory_space<semaphore_mem>>, %arg16: memref<!tpu.dma_semaphore, #tpu.memory_space<semaphore_mem>>, %arg17: memref<!tpu.dma_semaphore, #tpu.memory_space<semaphore_mem>>) attributes {dimension_semantics = [#tpu.dimension_semantics<core_parallel>, #tpu.dimension_semantics<subcore_parallel>], iteration_bounds = array<i64: 2, 16>, scalar_prefetch = 0 : i64, scratch_operands = 11 : i64, tpu.core_type = #tpu.core_type<sc_vector_subcore>, window_params = [{transform_indices = #map}, {transform_indices = #map1}, {transform_indices = #map2}, {transform_indices = #map}, {transform_indices = #map1}]} {
    %mul3A = arith.constant 2 : i32
    %mul3A_0 = arith.muli %arg1, %mul3A : i32
    %add3A = arith.addi %mul3A_0, %arg0 : i32
    "tpu.region"() ({
      %run_scoped3A = tpu.sem_alloc : memref<!tpu.dma_semaphore, #tpu.memory_space<semaphore_mem>>
      %dma_start3A_338 = arith.constant 0 : i32
      %dma_start3A_339 = arith.constant 0 : i32
      %dma_start3A_340 = tpu.memref_slice %arg2[%add3A, %dma_start3A_338, %dma_start3A_339] : memref<32x104x128xi32, #tpu.memory_space<hbm>> -> memref<1x104x128xi32, #tpu.memory_space<hbm>>
      %dma_start3A_341 = tpu.memref_squeeze %dma_start3A_340 : memref<1x104x128xi32, #tpu.memory_space<hbm>> -> memref<104x128xi32, #tpu.memory_space<hbm>>
      %dma_start3A_342 = arith.constant 0 : i32
      %dma_start3A_343 = arith.constant 0 : i32
      %dma_start3A_344 = tpu.memref_slice %arg2[%add3A, %dma_start3A_342, %dma_start3A_343] : memref<32x104x128xi32, #tpu.memory_space<hbm>> -> memref<1x104x128xi32, #tpu.memory_space<hbm>>
      %dma_start3A_345 = tpu.memref_squeeze %dma_start3A_344 : memref<1x104x128xi32, #tpu.memory_space<hbm>> -> memref<104x128xi32, #tpu.memory_space<hbm>>
      tpu.enqueue_dma source(%dma_start3A_345 : memref<104x128xi32, #tpu.memory_space<hbm>>) target(%arg7 : memref<104x128xi32, #tpu.memory_space<vmem>>) target_semaphore(%run_scoped3A : memref<!tpu.dma_semaphore, #tpu.memory_space<semaphore_mem>>)
      %dma_wait3A_346 = arith.constant 0 : i32
      %dma_wait3A_347 = arith.constant 0 : i32
      %dma_wait3A_348 = tpu.memref_slice %arg2[%add3A, %dma_wait3A_346, %dma_wait3A_347] : memref<32x104x128xi32, #tpu.memory_space<hbm>> -> memref<1x104x128xi32, #tpu.memory_space<hbm>>
      %dma_wait3A_349 = tpu.memref_squeeze %dma_wait3A_348 : memref<1x104x128xi32, #tpu.memory_space<hbm>> -> memref<104x128xi32, #tpu.memory_space<hbm>>
      %dma_wait3A_350 = arith.constant 0 : i32
      %dma_wait3A_351 = arith.constant 0 : i32
      %dma_wait3A_352 = tpu.memref_slice %arg2[%add3A, %dma_wait3A_350, %dma_wait3A_351] : memref<32x104x128xi32, #tpu.memory_space<hbm>> -> memref<1x104x128xi32, #tpu.memory_space<hbm>>
      %dma_wait3A_353 = tpu.memref_squeeze %dma_wait3A_352 : memref<1x104x128xi32, #tpu.memory_space<hbm>> -> memref<104x128xi32, #tpu.memory_space<hbm>>
      tpu.wait_dma2 semaphore(%run_scoped3A : memref<!tpu.dma_semaphore, #tpu.memory_space<semaphore_mem>>) src(%dma_wait3A_353 : memref<104x128xi32, #tpu.memory_space<hbm>>) dst(%arg7 : memref<104x128xi32, #tpu.memory_space<vmem>>)
      tpu.yield
    }) : () -> ()
    %mul3A_1 = arith.constant 104 : i32
    %mul3A_2 = arith.muli %add3A, %mul3A_1 : i32
    %dma_start3A = arith.constant 0 : i32
    %dma_start3A_3 = arith.constant 0 : i32
    %dma_start3A_4 = arith.constant 0 : i32
    %dma_start3A_5 = arith.constant 0 : i32
    %dma_start3A_6 = arith.constant 0 : i32
    %dma_start3A_7 = arith.constant 0 : i32
    %dma_start3A_8 = tpu.memref_slice %arg8[%dma_start3A_3, %dma_start3A_5, %dma_start3A_6, %dma_start3A_7] : memref<2x8x128x16xf32, #tpu.memory_space<vmem>> -> memref<1x8x128x16xf32, #tpu.memory_space<vmem>>
    %dma_start3A_9 = tpu.memref_squeeze %dma_start3A_8 : memref<1x8x128x16xf32, #tpu.memory_space<vmem>> -> memref<8x128x16xf32, #tpu.memory_space<vmem>>
    %dma_start3A_10 = arith.constant 0 : i32
    %dma_start3A_11 = arith.constant 0 : i32
    %dma_start3A_12 = tpu.memref_slice %dma_start3A_9[%dma_start3A_4, %dma_start3A_10, %dma_start3A_11] : memref<8x128x16xf32, #tpu.memory_space<vmem>> -> memref<1x128x16xf32, #tpu.memory_space<vmem>>
    %dma_start3A_13 = tpu.memref_squeeze %dma_start3A_12 : memref<1x128x16xf32, #tpu.memory_space<vmem>> -> memref<128x16xf32, #tpu.memory_space<vmem>>
    %dma_start3A_14 = arith.constant 0 : i32
    %dma_start3A_15 = tpu.memref_slice %arg7[%dma_start3A, %dma_start3A_14] : memref<104x128xi32, #tpu.memory_space<vmem>> -> memref<1x128xi32, #tpu.memory_space<vmem>>
    %dma_start3A_16 = tpu.memref_squeeze %dma_start3A_15 : memref<1x128xi32, #tpu.memory_space<vmem>> -> memref<128xi32, #tpu.memory_space<vmem>>
    %dma_start3A_17 = arith.constant 0 : i32
    %dma_start3A_18 = arith.constant 0 : i32
    %dma_start3A_19 = tpu.memref_slice %arg3[%dma_start3A_17, %dma_start3A_18] : memref<2600000x16xf32, #tpu.memory_space<hbm>> -> memref<2600000x16xf32, #tpu.memory_space<hbm>>
    tpu.enqueue_indirect_dma source(%dma_start3A_19 : memref<2600000x16xf32, #tpu.memory_space<hbm>>) target(%dma_start3A_13 : memref<128x16xf32, #tpu.memory_space<vmem>>) offsets(%dma_start3A_16 : memref<128xi32, #tpu.memory_space<vmem>>) semaphore(%arg10 : memref<!tpu.dma_semaphore, #tpu.memory_space<semaphore_mem>>)
    %dma_start3A_20 = arith.constant 0 : i32
    %dma_start3A_21 = arith.constant 0 : i32
    %dma_start3A_22 = arith.constant 0 : i32
    %dma_start3A_23 = arith.constant 0 : i32
    %dma_start3A_24 = arith.constant 0 : i32
    %dma_start3A_25 = tpu.memref_slice %arg9[%dma_start3A_21, %dma_start3A_23, %dma_start3A_24] : memref<2x8x128xf32, #tpu.memory_space<vmem>> -> memref<1x8x128xf32, #tpu.memory_space<vmem>>
    %dma_start3A_26 = tpu.memref_squeeze %dma_start3A_25 : memref<1x8x128xf32, #tpu.memory_space<vmem>> -> memref<8x128xf32, #tpu.memory_space<vmem>>
    %dma_start3A_27 = arith.constant 0 : i32
    %dma_start3A_28 = tpu.memref_slice %dma_start3A_26[%dma_start3A_22, %dma_start3A_27] : memref<8x128xf32, #tpu.memory_space<vmem>> -> memref<1x128xf32, #tpu.memory_space<vmem>>
    %dma_start3A_29 = tpu.memref_squeeze %dma_start3A_28 : memref<1x128xf32, #tpu.memory_space<vmem>> -> memref<128xf32, #tpu.memory_space<vmem>>
    %dma_start3A_30 = arith.constant 0 : i32
    %dma_start3A_31 = tpu.memref_slice %arg7[%dma_start3A_20, %dma_start3A_30] : memref<104x128xi32, #tpu.memory_space<vmem>> -> memref<1x128xi32, #tpu.memory_space<vmem>>
    %dma_start3A_32 = tpu.memref_squeeze %dma_start3A_31 : memref<1x128xi32, #tpu.memory_space<vmem>> -> memref<128xi32, #tpu.memory_space<vmem>>
    %dma_start3A_33 = arith.constant 0 : i32
    %dma_start3A_34 = tpu.memref_slice %arg4[%dma_start3A_33] : memref<2600000xf32, #tpu.memory_space<hbm>> -> memref<2600000xf32, #tpu.memory_space<hbm>>
    tpu.enqueue_indirect_dma source(%dma_start3A_34 : memref<2600000xf32, #tpu.memory_space<hbm>>) target(%dma_start3A_29 : memref<128xf32, #tpu.memory_space<vmem>>) offsets(%dma_start3A_32 : memref<128xi32, #tpu.memory_space<vmem>>) semaphore(%arg11 : memref<!tpu.dma_semaphore, #tpu.memory_space<semaphore_mem>>)
    %dma_start3A_35 = arith.constant 1 : i32
    %dma_start3A_36 = arith.constant 0 : i32
    %dma_start3A_37 = arith.constant 1 : i32
    %dma_start3A_38 = arith.constant 0 : i32
    %dma_start3A_39 = arith.constant 0 : i32
    %dma_start3A_40 = arith.constant 0 : i32
    %dma_start3A_41 = tpu.memref_slice %arg8[%dma_start3A_36, %dma_start3A_38, %dma_start3A_39, %dma_start3A_40] : memref<2x8x128x16xf32, #tpu.memory_space<vmem>> -> memref<1x8x128x16xf32, #tpu.memory_space<vmem>>
    %dma_start3A_42 = tpu.memref_squeeze %dma_start3A_41 : memref<1x8x128x16xf32, #tpu.memory_space<vmem>> -> memref<8x128x16xf32, #tpu.memory_space<vmem>>
    %dma_start3A_43 = arith.constant 0 : i32
    %dma_start3A_44 = arith.constant 0 : i32
    %dma_start3A_45 = tpu.memref_slice %dma_start3A_42[%dma_start3A_37, %dma_start3A_43, %dma_start3A_44] : memref<8x128x16xf32, #tpu.memory_space<vmem>> -> memref<1x128x16xf32, #tpu.memory_space<vmem>>
    %dma_start3A_46 = tpu.memref_squeeze %dma_start3A_45 : memref<1x128x16xf32, #tpu.memory_space<vmem>> -> memref<128x16xf32, #tpu.memory_space<vmem>>
    %dma_start3A_47 = arith.constant 0 : i32
    %dma_start3A_48 = tpu.memref_slice %arg7[%dma_start3A_35, %dma_start3A_47] : memref<104x128xi32, #tpu.memory_space<vmem>> -> memref<1x128xi32, #tpu.memory_space<vmem>>
    %dma_start3A_49 = tpu.memref_squeeze %dma_start3A_48 : memref<1x128xi32, #tpu.memory_space<vmem>> -> memref<128xi32, #tpu.memory_space<vmem>>
    %dma_start3A_50 = arith.constant 0 : i32
    %dma_start3A_51 = arith.constant 0 : i32
    %dma_start3A_52 = tpu.memref_slice %arg3[%dma_start3A_50, %dma_start3A_51] : memref<2600000x16xf32, #tpu.memory_space<hbm>> -> memref<2600000x16xf32, #tpu.memory_space<hbm>>
    tpu.enqueue_indirect_dma source(%dma_start3A_52 : memref<2600000x16xf32, #tpu.memory_space<hbm>>) target(%dma_start3A_46 : memref<128x16xf32, #tpu.memory_space<vmem>>) offsets(%dma_start3A_49 : memref<128xi32, #tpu.memory_space<vmem>>) semaphore(%arg10 : memref<!tpu.dma_semaphore, #tpu.memory_space<semaphore_mem>>)
    %dma_start3A_53 = arith.constant 1 : i32
    %dma_start3A_54 = arith.constant 0 : i32
    %dma_start3A_55 = arith.constant 1 : i32
    %dma_start3A_56 = arith.constant 0 : i32
    %dma_start3A_57 = arith.constant 0 : i32
    %dma_start3A_58 = tpu.memref_slice %arg9[%dma_start3A_54, %dma_start3A_56, %dma_start3A_57] : memref<2x8x128xf32, #tpu.memory_space<vmem>> -> memref<1x8x128xf32, #tpu.memory_space<vmem>>
    %dma_start3A_59 = tpu.memref_squeeze %dma_start3A_58 : memref<1x8x128xf32, #tpu.memory_space<vmem>> -> memref<8x128xf32, #tpu.memory_space<vmem>>
    %dma_start3A_60 = arith.constant 0 : i32
    %dma_start3A_61 = tpu.memref_slice %dma_start3A_59[%dma_start3A_55, %dma_start3A_60] : memref<8x128xf32, #tpu.memory_space<vmem>> -> memref<1x128xf32, #tpu.memory_space<vmem>>
    %dma_start3A_62 = tpu.memref_squeeze %dma_start3A_61 : memref<1x128xf32, #tpu.memory_space<vmem>> -> memref<128xf32, #tpu.memory_space<vmem>>
    %dma_start3A_63 = arith.constant 0 : i32
    %dma_start3A_64 = tpu.memref_slice %arg7[%dma_start3A_53, %dma_start3A_63] : memref<104x128xi32, #tpu.memory_space<vmem>> -> memref<1x128xi32, #tpu.memory_space<vmem>>
    %dma_start3A_65 = tpu.memref_squeeze %dma_start3A_64 : memref<1x128xi32, #tpu.memory_space<vmem>> -> memref<128xi32, #tpu.memory_space<vmem>>
    %dma_start3A_66 = arith.constant 0 : i32
    %dma_start3A_67 = tpu.memref_slice %arg4[%dma_start3A_66] : memref<2600000xf32, #tpu.memory_space<hbm>> -> memref<2600000xf32, #tpu.memory_space<hbm>>
    tpu.enqueue_indirect_dma source(%dma_start3A_67 : memref<2600000xf32, #tpu.memory_space<hbm>>) target(%dma_start3A_62 : memref<128xf32, #tpu.memory_space<vmem>>) offsets(%dma_start3A_65 : memref<128xi32, #tpu.memory_space<vmem>>) semaphore(%arg11 : memref<!tpu.dma_semaphore, #tpu.memory_space<semaphore_mem>>)
    %dma_start3A_68 = arith.constant 2 : i32
    %dma_start3A_69 = arith.constant 0 : i32
    %dma_start3A_70 = arith.constant 2 : i32
    %dma_start3A_71 = arith.constant 0 : i32
    %dma_start3A_72 = arith.constant 0 : i32
    %dma_start3A_73 = arith.constant 0 : i32
    %dma_start3A_74 = tpu.memref_slice %arg8[%dma_start3A_69, %dma_start3A_71, %dma_start3A_72, %dma_start3A_73] : memref<2x8x128x16xf32, #tpu.memory_space<vmem>> -> memref<1x8x128x16xf32, #tpu.memory_space<vmem>>
    %dma_start3A_75 = tpu.memref_squeeze %dma_start3A_74 : memref<1x8x128x16xf32, #tpu.memory_space<vmem>> -> memref<8x128x16xf32, #tpu.memory_space<vmem>>
    %dma_start3A_76 = arith.constant 0 : i32
    %dma_start3A_77 = arith.constant 0 : i32
    %dma_start3A_78 = tpu.memref_slice %dma_start3A_75[%dma_start3A_70, %dma_start3A_76, %dma_start3A_77] : memref<8x128x16xf32, #tpu.memory_space<vmem>> -> memref<1x128x16xf32, #tpu.memory_space<vmem>>
    %dma_start3A_79 = tpu.memref_squeeze %dma_start3A_78 : memref<1x128x16xf32, #tpu.memory_space<vmem>> -> memref<128x16xf32, #tpu.memory_space<vmem>>
    %dma_start3A_80 = arith.constant 0 : i32
    %dma_start3A_81 = tpu.memref_slice %arg7[%dma_start3A_68, %dma_start3A_80] : memref<104x128xi32, #tpu.memory_space<vmem>> -> memref<1x128xi32, #tpu.memory_space<vmem>>
    %dma_start3A_82 = tpu.memref_squeeze %dma_start3A_81 : memref<1x128xi32, #tpu.memory_space<vmem>> -> memref<128xi32, #tpu.memory_space<vmem>>
    %dma_start3A_83 = arith.constant 0 : i32
    %dma_start3A_84 = arith.constant 0 : i32
    %dma_start3A_85 = tpu.memref_slice %arg3[%dma_start3A_83, %dma_start3A_84] : memref<2600000x16xf32, #tpu.memory_space<hbm>> -> memref<2600000x16xf32, #tpu.memory_space<hbm>>
    tpu.enqueue_indirect_dma source(%dma_start3A_85 : memref<2600000x16xf32, #tpu.memory_space<hbm>>) target(%dma_start3A_79 : memref<128x16xf32, #tpu.memory_space<vmem>>) offsets(%dma_start3A_82 : memref<128xi32, #tpu.memory_space<vmem>>) semaphore(%arg10 : memref<!tpu.dma_semaphore, #tpu.memory_space<semaphore_mem>>)
    %dma_start3A_86 = arith.constant 2 : i32
    %dma_start3A_87 = arith.constant 0 : i32
    %dma_start3A_88 = arith.constant 2 : i32
    %dma_start3A_89 = arith.constant 0 : i32
    %dma_start3A_90 = arith.constant 0 : i32
    %dma_start3A_91 = tpu.memref_slice %arg9[%dma_start3A_87, %dma_start3A_89, %dma_start3A_90] : memref<2x8x128xf32, #tpu.memory_space<vmem>> -> memref<1x8x128xf32, #tpu.memory_space<vmem>>
    %dma_start3A_92 = tpu.memref_squeeze %dma_start3A_91 : memref<1x8x128xf32, #tpu.memory_space<vmem>> -> memref<8x128xf32, #tpu.memory_space<vmem>>
    %dma_start3A_93 = arith.constant 0 : i32
    %dma_start3A_94 = tpu.memref_slice %dma_start3A_92[%dma_start3A_88, %dma_start3A_93] : memref<8x128xf32, #tpu.memory_space<vmem>> -> memref<1x128xf32, #tpu.memory_space<vmem>>
    %dma_start3A_95 = tpu.memref_squeeze %dma_start3A_94 : memref<1x128xf32, #tpu.memory_space<vmem>> -> memref<128xf32, #tpu.memory_space<vmem>>
    %dma_start3A_96 = arith.constant 0 : i32
    %dma_start3A_97 = tpu.memref_slice %arg7[%dma_start3A_86, %dma_start3A_96] : memref<104x128xi32, #tpu.memory_space<vmem>> -> memref<1x128xi32, #tpu.memory_space<vmem>>
    %dma_start3A_98 = tpu.memref_squeeze %dma_start3A_97 : memref<1x128xi32, #tpu.memory_space<vmem>> -> memref<128xi32, #tpu.memory_space<vmem>>
    %dma_start3A_99 = arith.constant 0 : i32
    %dma_start3A_100 = tpu.memref_slice %arg4[%dma_start3A_99] : memref<2600000xf32, #tpu.memory_space<hbm>> -> memref<2600000xf32, #tpu.memory_space<hbm>>
    tpu.enqueue_indirect_dma source(%dma_start3A_100 : memref<2600000xf32, #tpu.memory_space<hbm>>) target(%dma_start3A_95 : memref<128xf32, #tpu.memory_space<vmem>>) offsets(%dma_start3A_98 : memref<128xi32, #tpu.memory_space<vmem>>) semaphore(%arg11 : memref<!tpu.dma_semaphore, #tpu.memory_space<semaphore_mem>>)
    %dma_start3A_101 = arith.constant 3 : i32
    %dma_start3A_102 = arith.constant 0 : i32
    %dma_start3A_103 = arith.constant 3 : i32
    %dma_start3A_104 = arith.constant 0 : i32
    %dma_start3A_105 = arith.constant 0 : i32
    %dma_start3A_106 = arith.constant 0 : i32
    %dma_start3A_107 = tpu.memref_slice %arg8[%dma_start3A_102, %dma_start3A_104, %dma_start3A_105, %dma_start3A_106] : memref<2x8x128x16xf32, #tpu.memory_space<vmem>> -> memref<1x8x128x16xf32, #tpu.memory_space<vmem>>
    %dma_start3A_108 = tpu.memref_squeeze %dma_start3A_107 : memref<1x8x128x16xf32, #tpu.memory_space<vmem>> -> memref<8x128x16xf32, #tpu.memory_space<vmem>>
    %dma_start3A_109 = arith.constant 0 : i32
    %dma_start3A_110 = arith.constant 0 : i32
    %dma_start3A_111 = tpu.memref_slice %dma_start3A_108[%dma_start3A_103, %dma_start3A_109, %dma_start3A_110] : memref<8x128x16xf32, #tpu.memory_space<vmem>> -> memref<1x128x16xf32, #tpu.memory_space<vmem>>
    %dma_start3A_112 = tpu.memref_squeeze %dma_start3A_111 : memref<1x128x16xf32, #tpu.memory_space<vmem>> -> memref<128x16xf32, #tpu.memory_space<vmem>>
    %dma_start3A_113 = arith.constant 0 : i32
    %dma_start3A_114 = tpu.memref_slice %arg7[%dma_start3A_101, %dma_start3A_113] : memref<104x128xi32, #tpu.memory_space<vmem>> -> memref<1x128xi32, #tpu.memory_space<vmem>>
    %dma_start3A_115 = tpu.memref_squeeze %dma_start3A_114 : memref<1x128xi32, #tpu.memory_space<vmem>> -> memref<128xi32, #tpu.memory_space<vmem>>
    %dma_start3A_116 = arith.constant 0 : i32
    %dma_start3A_117 = arith.constant 0 : i32
    %dma_start3A_118 = tpu.memref_slice %arg3[%dma_start3A_116, %dma_start3A_117] : memref<2600000x16xf32, #tpu.memory_space<hbm>> -> memref<2600000x16xf32, #tpu.memory_space<hbm>>
    tpu.enqueue_indirect_dma source(%dma_start3A_118 : memref<2600000x16xf32, #tpu.memory_space<hbm>>) target(%dma_start3A_112 : memref<128x16xf32, #tpu.memory_space<vmem>>) offsets(%dma_start3A_115 : memref<128xi32, #tpu.memory_space<vmem>>) semaphore(%arg10 : memref<!tpu.dma_semaphore, #tpu.memory_space<semaphore_mem>>)
    %dma_start3A_119 = arith.constant 3 : i32
    %dma_start3A_120 = arith.constant 0 : i32
    %dma_start3A_121 = arith.constant 3 : i32
    %dma_start3A_122 = arith.constant 0 : i32
    %dma_start3A_123 = arith.constant 0 : i32
    %dma_start3A_124 = tpu.memref_slice %arg9[%dma_start3A_120, %dma_start3A_122, %dma_start3A_123] : memref<2x8x128xf32, #tpu.memory_space<vmem>> -> memref<1x8x128xf32, #tpu.memory_space<vmem>>
    %dma_start3A_125 = tpu.memref_squeeze %dma_start3A_124 : memref<1x8x128xf32, #tpu.memory_space<vmem>> -> memref<8x128xf32, #tpu.memory_space<vmem>>
    %dma_start3A_126 = arith.constant 0 : i32
    %dma_start3A_127 = tpu.memref_slice %dma_start3A_125[%dma_start3A_121, %dma_start3A_126] : memref<8x128xf32, #tpu.memory_space<vmem>> -> memref<1x128xf32, #tpu.memory_space<vmem>>
    %dma_start3A_128 = tpu.memref_squeeze %dma_start3A_127 : memref<1x128xf32, #tpu.memory_space<vmem>> -> memref<128xf32, #tpu.memory_space<vmem>>
    %dma_start3A_129 = arith.constant 0 : i32
    %dma_start3A_130 = tpu.memref_slice %arg7[%dma_start3A_119, %dma_start3A_129] : memref<104x128xi32, #tpu.memory_space<vmem>> -> memref<1x128xi32, #tpu.memory_space<vmem>>
    %dma_start3A_131 = tpu.memref_squeeze %dma_start3A_130 : memref<1x128xi32, #tpu.memory_space<vmem>> -> memref<128xi32, #tpu.memory_space<vmem>>
    %dma_start3A_132 = arith.constant 0 : i32
    %dma_start3A_133 = tpu.memref_slice %arg4[%dma_start3A_132] : memref<2600000xf32, #tpu.memory_space<hbm>> -> memref<2600000xf32, #tpu.memory_space<hbm>>
    tpu.enqueue_indirect_dma source(%dma_start3A_133 : memref<2600000xf32, #tpu.memory_space<hbm>>) target(%dma_start3A_128 : memref<128xf32, #tpu.memory_space<vmem>>) offsets(%dma_start3A_131 : memref<128xi32, #tpu.memory_space<vmem>>) semaphore(%arg11 : memref<!tpu.dma_semaphore, #tpu.memory_space<semaphore_mem>>)
    %dma_start3A_134 = arith.constant 4 : i32
    %dma_start3A_135 = arith.constant 0 : i32
    %dma_start3A_136 = arith.constant 4 : i32
    %dma_start3A_137 = arith.constant 0 : i32
    %dma_start3A_138 = arith.constant 0 : i32
    %dma_start3A_139 = arith.constant 0 : i32
    %dma_start3A_140 = tpu.memref_slice %arg8[%dma_start3A_135, %dma_start3A_137, %dma_start3A_138, %dma_start3A_139] : memref<2x8x128x16xf32, #tpu.memory_space<vmem>> -> memref<1x8x128x16xf32, #tpu.memory_space<vmem>>
    %dma_start3A_141 = tpu.memref_squeeze %dma_start3A_140 : memref<1x8x128x16xf32, #tpu.memory_space<vmem>> -> memref<8x128x16xf32, #tpu.memory_space<vmem>>
    %dma_start3A_142 = arith.constant 0 : i32
    %dma_start3A_143 = arith.constant 0 : i32
    %dma_start3A_144 = tpu.memref_slice %dma_start3A_141[%dma_start3A_136, %dma_start3A_142, %dma_start3A_143] : memref<8x128x16xf32, #tpu.memory_space<vmem>> -> memref<1x128x16xf32, #tpu.memory_space<vmem>>
    %dma_start3A_145 = tpu.memref_squeeze %dma_start3A_144 : memref<1x128x16xf32, #tpu.memory_space<vmem>> -> memref<128x16xf32, #tpu.memory_space<vmem>>
    %dma_start3A_146 = arith.constant 0 : i32
    %dma_start3A_147 = tpu.memref_slice %arg7[%dma_start3A_134, %dma_start3A_146] : memref<104x128xi32, #tpu.memory_space<vmem>> -> memref<1x128xi32, #tpu.memory_space<vmem>>
    %dma_start3A_148 = tpu.memref_squeeze %dma_start3A_147 : memref<1x128xi32, #tpu.memory_space<vmem>> -> memref<128xi32, #tpu.memory_space<vmem>>
    %dma_start3A_149 = arith.constant 0 : i32
    %dma_start3A_150 = arith.constant 0 : i32
    %dma_start3A_151 = tpu.memref_slice %arg3[%dma_start3A_149, %dma_start3A_150] : memref<2600000x16xf32, #tpu.memory_space<hbm>> -> memref<2600000x16xf32, #tpu.memory_space<hbm>>
    tpu.enqueue_indirect_dma source(%dma_start3A_151 : memref<2600000x16xf32, #tpu.memory_space<hbm>>) target(%dma_start3A_145 : memref<128x16xf32, #tpu.memory_space<vmem>>) offsets(%dma_start3A_148 : memref<128xi32, #tpu.memory_space<vmem>>) semaphore(%arg10 : memref<!tpu.dma_semaphore, #tpu.memory_space<semaphore_mem>>)
    %dma_start3A_152 = arith.constant 4 : i32
    %dma_start3A_153 = arith.constant 0 : i32
    %dma_start3A_154 = arith.constant 4 : i32
    %dma_start3A_155 = arith.constant 0 : i32
    %dma_start3A_156 = arith.constant 0 : i32
    %dma_start3A_157 = tpu.memref_slice %arg9[%dma_start3A_153, %dma_start3A_155, %dma_start3A_156] : memref<2x8x128xf32, #tpu.memory_space<vmem>> -> memref<1x8x128xf32, #tpu.memory_space<vmem>>
    %dma_start3A_158 = tpu.memref_squeeze %dma_start3A_157 : memref<1x8x128xf32, #tpu.memory_space<vmem>> -> memref<8x128xf32, #tpu.memory_space<vmem>>
    %dma_start3A_159 = arith.constant 0 : i32
    %dma_start3A_160 = tpu.memref_slice %dma_start3A_158[%dma_start3A_154, %dma_start3A_159] : memref<8x128xf32, #tpu.memory_space<vmem>> -> memref<1x128xf32, #tpu.memory_space<vmem>>
    %dma_start3A_161 = tpu.memref_squeeze %dma_start3A_160 : memref<1x128xf32, #tpu.memory_space<vmem>> -> memref<128xf32, #tpu.memory_space<vmem>>
    %dma_start3A_162 = arith.constant 0 : i32
    %dma_start3A_163 = tpu.memref_slice %arg7[%dma_start3A_152, %dma_start3A_162] : memref<104x128xi32, #tpu.memory_space<vmem>> -> memref<1x128xi32, #tpu.memory_space<vmem>>
    %dma_start3A_164 = tpu.memref_squeeze %dma_start3A_163 : memref<1x128xi32, #tpu.memory_space<vmem>> -> memref<128xi32, #tpu.memory_space<vmem>>
    %dma_start3A_165 = arith.constant 0 : i32
    %dma_start3A_166 = tpu.memref_slice %arg4[%dma_start3A_165] : memref<2600000xf32, #tpu.memory_space<hbm>> -> memref<2600000xf32, #tpu.memory_space<hbm>>
    tpu.enqueue_indirect_dma source(%dma_start3A_166 : memref<2600000xf32, #tpu.memory_space<hbm>>) target(%dma_start3A_161 : memref<128xf32, #tpu.memory_space<vmem>>) offsets(%dma_start3A_164 : memref<128xi32, #tpu.memory_space<vmem>>) semaphore(%arg11 : memref<!tpu.dma_semaphore, #tpu.memory_space<semaphore_mem>>)
    %dma_start3A_167 = arith.constant 5 : i32
    %dma_start3A_168 = arith.constant 0 : i32
    %dma_start3A_169 = arith.constant 5 : i32
    %dma_start3A_170 = arith.constant 0 : i32
    %dma_start3A_171 = arith.constant 0 : i32
    %dma_start3A_172 = arith.constant 0 : i32
    %dma_start3A_173 = tpu.memref_slice %arg8[%dma_start3A_168, %dma_start3A_170, %dma_start3A_171, %dma_start3A_172] : memref<2x8x128x16xf32, #tpu.memory_space<vmem>> -> memref<1x8x128x16xf32, #tpu.memory_space<vmem>>
    %dma_start3A_174 = tpu.memref_squeeze %dma_start3A_173 : memref<1x8x128x16xf32, #tpu.memory_space<vmem>> -> memref<8x128x16xf32, #tpu.memory_space<vmem>>
    %dma_start3A_175 = arith.constant 0 : i32
    %dma_start3A_176 = arith.constant 0 : i32
    %dma_start3A_177 = tpu.memref_slice %dma_start3A_174[%dma_start3A_169, %dma_start3A_175, %dma_start3A_176] : memref<8x128x16xf32, #tpu.memory_space<vmem>> -> memref<1x128x16xf32, #tpu.memory_space<vmem>>
    %dma_start3A_178 = tpu.memref_squeeze %dma_start3A_177 : memref<1x128x16xf32, #tpu.memory_space<vmem>> -> memref<128x16xf32, #tpu.memory_space<vmem>>
    %dma_start3A_179 = arith.constant 0 : i32
    %dma_start3A_180 = tpu.memref_slice %arg7[%dma_start3A_167, %dma_start3A_179] : memref<104x128xi32, #tpu.memory_space<vmem>> -> memref<1x128xi32, #tpu.memory_space<vmem>>
    %dma_start3A_181 = tpu.memref_squeeze %dma_start3A_180 : memref<1x128xi32, #tpu.memory_space<vmem>> -> memref<128xi32, #tpu.memory_space<vmem>>
    %dma_start3A_182 = arith.constant 0 : i32
    %dma_start3A_183 = arith.constant 0 : i32
    %dma_start3A_184 = tpu.memref_slice %arg3[%dma_start3A_182, %dma_start3A_183] : memref<2600000x16xf32, #tpu.memory_space<hbm>> -> memref<2600000x16xf32, #tpu.memory_space<hbm>>
    tpu.enqueue_indirect_dma source(%dma_start3A_184 : memref<2600000x16xf32, #tpu.memory_space<hbm>>) target(%dma_start3A_178 : memref<128x16xf32, #tpu.memory_space<vmem>>) offsets(%dma_start3A_181 : memref<128xi32, #tpu.memory_space<vmem>>) semaphore(%arg10 : memref<!tpu.dma_semaphore, #tpu.memory_space<semaphore_mem>>)
    %dma_start3A_185 = arith.constant 5 : i32
    %dma_start3A_186 = arith.constant 0 : i32
    %dma_start3A_187 = arith.constant 5 : i32
    %dma_start3A_188 = arith.constant 0 : i32
    %dma_start3A_189 = arith.constant 0 : i32
    %dma_start3A_190 = tpu.memref_slice %arg9[%dma_start3A_186, %dma_start3A_188, %dma_start3A_189] : memref<2x8x128xf32, #tpu.memory_space<vmem>> -> memref<1x8x128xf32, #tpu.memory_space<vmem>>
    %dma_start3A_191 = tpu.memref_squeeze %dma_start3A_190 : memref<1x8x128xf32, #tpu.memory_space<vmem>> -> memref<8x128xf32, #tpu.memory_space<vmem>>
    %dma_start3A_192 = arith.constant 0 : i32
    %dma_start3A_193 = tpu.memref_slice %dma_start3A_191[%dma_start3A_187, %dma_start3A_192] : memref<8x128xf32, #tpu.memory_space<vmem>> -> memref<1x128xf32, #tpu.memory_space<vmem>>
    %dma_start3A_194 = tpu.memref_squeeze %dma_start3A_193 : memref<1x128xf32, #tpu.memory_space<vmem>> -> memref<128xf32, #tpu.memory_space<vmem>>
    %dma_start3A_195 = arith.constant 0 : i32
    %dma_start3A_196 = tpu.memref_slice %arg7[%dma_start3A_185, %dma_start3A_195] : memref<104x128xi32, #tpu.memory_space<vmem>> -> memref<1x128xi32, #tpu.memory_space<vmem>>
    %dma_start3A_197 = tpu.memref_squeeze %dma_start3A_196 : memref<1x128xi32, #tpu.memory_space<vmem>> -> memref<128xi32, #tpu.memory_space<vmem>>
    %dma_start3A_198 = arith.constant 0 : i32
    %dma_start3A_199 = tpu.memref_slice %arg4[%dma_start3A_198] : memref<2600000xf32, #tpu.memory_space<hbm>> -> memref<2600000xf32, #tpu.memory_space<hbm>>
    tpu.enqueue_indirect_dma source(%dma_start3A_199 : memref<2600000xf32, #tpu.memory_space<hbm>>) target(%dma_start3A_194 : memref<128xf32, #tpu.memory_space<vmem>>) offsets(%dma_start3A_197 : memref<128xi32, #tpu.memory_space<vmem>>) semaphore(%arg11 : memref<!tpu.dma_semaphore, #tpu.memory_space<semaphore_mem>>)
    %dma_start3A_200 = arith.constant 6 : i32
    %dma_start3A_201 = arith.constant 0 : i32
    %dma_start3A_202 = arith.constant 6 : i32
    %dma_start3A_203 = arith.constant 0 : i32
    %dma_start3A_204 = arith.constant 0 : i32
    %dma_start3A_205 = arith.constant 0 : i32
    %dma_start3A_206 = tpu.memref_slice %arg8[%dma_start3A_201, %dma_start3A_203, %dma_start3A_204, %dma_start3A_205] : memref<2x8x128x16xf32, #tpu.memory_space<vmem>> -> memref<1x8x128x16xf32, #tpu.memory_space<vmem>>
    %dma_start3A_207 = tpu.memref_squeeze %dma_start3A_206 : memref<1x8x128x16xf32, #tpu.memory_space<vmem>> -> memref<8x128x16xf32, #tpu.memory_space<vmem>>
    %dma_start3A_208 = arith.constant 0 : i32
    %dma_start3A_209 = arith.constant 0 : i32
    %dma_start3A_210 = tpu.memref_slice %dma_start3A_207[%dma_start3A_202, %dma_start3A_208, %dma_start3A_209] : memref<8x128x16xf32, #tpu.memory_space<vmem>> -> memref<1x128x16xf32, #tpu.memory_space<vmem>>
    %dma_start3A_211 = tpu.memref_squeeze %dma_start3A_210 : memref<1x128x16xf32, #tpu.memory_space<vmem>> -> memref<128x16xf32, #tpu.memory_space<vmem>>
    %dma_start3A_212 = arith.constant 0 : i32
    %dma_start3A_213 = tpu.memref_slice %arg7[%dma_start3A_200, %dma_start3A_212] : memref<104x128xi32, #tpu.memory_space<vmem>> -> memref<1x128xi32, #tpu.memory_space<vmem>>
    %dma_start3A_214 = tpu.memref_squeeze %dma_start3A_213 : memref<1x128xi32, #tpu.memory_space<vmem>> -> memref<128xi32, #tpu.memory_space<vmem>>
    %dma_start3A_215 = arith.constant 0 : i32
    %dma_start3A_216 = arith.constant 0 : i32
    %dma_start3A_217 = tpu.memref_slice %arg3[%dma_start3A_215, %dma_start3A_216] : memref<2600000x16xf32, #tpu.memory_space<hbm>> -> memref<2600000x16xf32, #tpu.memory_space<hbm>>
    tpu.enqueue_indirect_dma source(%dma_start3A_217 : memref<2600000x16xf32, #tpu.memory_space<hbm>>) target(%dma_start3A_211 : memref<128x16xf32, #tpu.memory_space<vmem>>) offsets(%dma_start3A_214 : memref<128xi32, #tpu.memory_space<vmem>>) semaphore(%arg10 : memref<!tpu.dma_semaphore, #tpu.memory_space<semaphore_mem>>)
    %dma_start3A_218 = arith.constant 6 : i32
    %dma_start3A_219 = arith.constant 0 : i32
    %dma_start3A_220 = arith.constant 6 : i32
    %dma_start3A_221 = arith.constant 0 : i32
    %dma_start3A_222 = arith.constant 0 : i32
    %dma_start3A_223 = tpu.memref_slice %arg9[%dma_start3A_219, %dma_start3A_221, %dma_start3A_222] : memref<2x8x128xf32, #tpu.memory_space<vmem>> -> memref<1x8x128xf32, #tpu.memory_space<vmem>>
    %dma_start3A_224 = tpu.memref_squeeze %dma_start3A_223 : memref<1x8x128xf32, #tpu.memory_space<vmem>> -> memref<8x128xf32, #tpu.memory_space<vmem>>
    %dma_start3A_225 = arith.constant 0 : i32
    %dma_start3A_226 = tpu.memref_slice %dma_start3A_224[%dma_start3A_220, %dma_start3A_225] : memref<8x128xf32, #tpu.memory_space<vmem>> -> memref<1x128xf32, #tpu.memory_space<vmem>>
    %dma_start3A_227 = tpu.memref_squeeze %dma_start3A_226 : memref<1x128xf32, #tpu.memory_space<vmem>> -> memref<128xf32, #tpu.memory_space<vmem>>
    %dma_start3A_228 = arith.constant 0 : i32
    %dma_start3A_229 = tpu.memref_slice %arg7[%dma_start3A_218, %dma_start3A_228] : memref<104x128xi32, #tpu.memory_space<vmem>> -> memref<1x128xi32, #tpu.memory_space<vmem>>
    %dma_start3A_230 = tpu.memref_squeeze %dma_start3A_229 : memref<1x128xi32, #tpu.memory_space<vmem>> -> memref<128xi32, #tpu.memory_space<vmem>>
    %dma_start3A_231 = arith.constant 0 : i32
    %dma_start3A_232 = tpu.memref_slice %arg4[%dma_start3A_231] : memref<2600000xf32, #tpu.memory_space<hbm>> -> memref<2600000xf32, #tpu.memory_space<hbm>>
    tpu.enqueue_indirect_dma source(%dma_start3A_232 : memref<2600000xf32, #tpu.memory_space<hbm>>) target(%dma_start3A_227 : memref<128xf32, #tpu.memory_space<vmem>>) offsets(%dma_start3A_230 : memref<128xi32, #tpu.memory_space<vmem>>) semaphore(%arg11 : memref<!tpu.dma_semaphore, #tpu.memory_space<semaphore_mem>>)
    %dma_start3A_233 = arith.constant 7 : i32
    %dma_start3A_234 = arith.constant 0 : i32
    %dma_start3A_235 = arith.constant 7 : i32
    %dma_start3A_236 = arith.constant 0 : i32
    %dma_start3A_237 = arith.constant 0 : i32
    %dma_start3A_238 = arith.constant 0 : i32
    %dma_start3A_239 = tpu.memref_slice %arg8[%dma_start3A_234, %dma_start3A_236, %dma_start3A_237, %dma_start3A_238] : memref<2x8x128x16xf32, #tpu.memory_space<vmem>> -> memref<1x8x128x16xf32, #tpu.memory_space<vmem>>
    %dma_start3A_240 = tpu.memref_squeeze %dma_start3A_239 : memref<1x8x128x16xf32, #tpu.memory_space<vmem>> -> memref<8x128x16xf32, #tpu.memory_space<vmem>>
    %dma_start3A_241 = arith.constant 0 : i32
    %dma_start3A_242 = arith.constant 0 : i32
    %dma_start3A_243 = tpu.memref_slice %dma_start3A_240[%dma_start3A_235, %dma_start3A_241, %dma_start3A_242] : memref<8x128x16xf32, #tpu.memory_space<vmem>> -> memref<1x128x16xf32, #tpu.memory_space<vmem>>
    %dma_start3A_244 = tpu.memref_squeeze %dma_start3A_243 : memref<1x128x16xf32, #tpu.memory_space<vmem>> -> memref<128x16xf32, #tpu.memory_space<vmem>>
    %dma_start3A_245 = arith.constant 0 : i32
    %dma_start3A_246 = tpu.memref_slice %arg7[%dma_start3A_233, %dma_start3A_245] : memref<104x128xi32, #tpu.memory_space<vmem>> -> memref<1x128xi32, #tpu.memory_space<vmem>>
    %dma_start3A_247 = tpu.memref_squeeze %dma_start3A_246 : memref<1x128xi32, #tpu.memory_space<vmem>> -> memref<128xi32, #tpu.memory_space<vmem>>
    %dma_start3A_248 = arith.constant 0 : i32
    %dma_start3A_249 = arith.constant 0 : i32
    %dma_start3A_250 = tpu.memref_slice %arg3[%dma_start3A_248, %dma_start3A_249] : memref<2600000x16xf32, #tpu.memory_space<hbm>> -> memref<2600000x16xf32, #tpu.memory_space<hbm>>
    tpu.enqueue_indirect_dma source(%dma_start3A_250 : memref<2600000x16xf32, #tpu.memory_space<hbm>>) target(%dma_start3A_244 : memref<128x16xf32, #tpu.memory_space<vmem>>) offsets(%dma_start3A_247 : memref<128xi32, #tpu.memory_space<vmem>>) semaphore(%arg10 : memref<!tpu.dma_semaphore, #tpu.memory_space<semaphore_mem>>)
    %dma_start3A_251 = arith.constant 7 : i32
    %dma_start3A_252 = arith.constant 0 : i32
    %dma_start3A_253 = arith.constant 7 : i32
    %dma_start3A_254 = arith.constant 0 : i32
    %dma_start3A_255 = arith.constant 0 : i32
    %dma_start3A_256 = tpu.memref_slice %arg9[%dma_start3A_252, %dma_start3A_254, %dma_start3A_255] : memref<2x8x128xf32, #tpu.memory_space<vmem>> -> memref<1x8x128xf32, #tpu.memory_space<vmem>>
    %dma_start3A_257 = tpu.memref_squeeze %dma_start3A_256 : memref<1x8x128xf32, #tpu.memory_space<vmem>> -> memref<8x128xf32, #tpu.memory_space<vmem>>
    %dma_start3A_258 = arith.constant 0 : i32
    %dma_start3A_259 = tpu.memref_slice %dma_start3A_257[%dma_start3A_253, %dma_start3A_258] : memref<8x128xf32, #tpu.memory_space<vmem>> -> memref<1x128xf32, #tpu.memory_space<vmem>>
    %dma_start3A_260 = tpu.memref_squeeze %dma_start3A_259 : memref<1x128xf32, #tpu.memory_space<vmem>> -> memref<128xf32, #tpu.memory_space<vmem>>
    %dma_start3A_261 = arith.constant 0 : i32
    %dma_start3A_262 = tpu.memref_slice %arg7[%dma_start3A_251, %dma_start3A_261] : memref<104x128xi32, #tpu.memory_space<vmem>> -> memref<1x128xi32, #tpu.memory_space<vmem>>
    %dma_start3A_263 = tpu.memref_squeeze %dma_start3A_262 : memref<1x128xi32, #tpu.memory_space<vmem>> -> memref<128xi32, #tpu.memory_space<vmem>>
    %dma_start3A_264 = arith.constant 0 : i32
    %dma_start3A_265 = tpu.memref_slice %arg4[%dma_start3A_264] : memref<2600000xf32, #tpu.memory_space<hbm>> -> memref<2600000xf32, #tpu.memory_space<hbm>>
    tpu.enqueue_indirect_dma source(%dma_start3A_265 : memref<2600000xf32, #tpu.memory_space<hbm>>) target(%dma_start3A_260 : memref<128xf32, #tpu.memory_space<vmem>>) offsets(%dma_start3A_263 : memref<128xi32, #tpu.memory_space<vmem>>) semaphore(%arg11 : memref<!tpu.dma_semaphore, #tpu.memory_space<semaphore_mem>>)
    %scan3A = arith.constant 0 : i32
    %scan3A_266 = arith.constant 1 : i32
    %scan3A_267 = arith.constant 1 : i32
    %scan3A_268 = arith.constant 0 : i32
    %scan3A_269 = arith.constant 0 : i32
    %scan3A_270 = arith.constant 0 : i32
    %scan3A_271 = arith.constant 13 : i32
    %scan3A_272 = arith.addi %scan3A_270, %scan3A_271 : i32
    %scan3A_273 = arith.constant 1 : i32
    scf.for %scan3A_338 = %scan3A_270 to %scan3A_272 step %scan3A_273  : i32 {
      %jit3A = arith.constant 2 : i32
      %eq3A = arith.constant 0 : i32
      %eq3A_339 = arith.cmpi eq, %jit3A, %eq3A : i32
      %jit3A_340 = arith.constant 1 : i32
      %select_n3A = arith.select %eq3A_339, %jit3A_340, %jit3A : i32
      %rem3A = arith.remsi %scan3A_338, %select_n3A : i32
      %ne3A = arith.constant 0 : i32
      %ne3A_341 = arith.cmpi ne, %rem3A, %ne3A : i32
      %lt3A = arith.constant 0 : i32
      %lt3A_342 = arith.cmpi slt, %rem3A, %lt3A : i32
      %lt3A_343 = arith.constant 0 : i32
      %lt3A_344 = arith.cmpi slt, %select_n3A, %lt3A_343 : i32
      %ne3A_345 = arith.xori %lt3A_342, %lt3A_344 : i1
      %and3A = arith.andi %ne3A_345, %ne3A_341 : i1
      %add3A_346 = arith.addi %rem3A, %select_n3A : i32
      %select_n3A_347 = arith.select %and3A, %add3A_346, %rem3A : i32
      %eq3A_348 = arith.constant 0 : i32
      %eq3A_349 = arith.cmpi eq, %select_n3A_347, %eq3A_348 : i32
      %convert_element_type3A = arith.extui %eq3A_349 : i1 to i32
      %cond3A = arith.constant 0 : i32
      %cond3A_350 = arith.cmpi ne, %convert_element_type3A, %cond3A : i32
      scf.if %cond3A_350 {
        %add3A_372 = arith.constant 1 : i32
        %add3A_373 = arith.addi %scan3A_338, %add3A_372 : i32
        %lt3A_374 = arith.constant 13 : i32
        %lt3A_375 = arith.cmpi slt, %add3A_373, %lt3A_374 : i32
        %convert_element_type3A_376 = arith.extui %lt3A_375 : i1 to i32
        %cond3A_377 = arith.constant 0 : i32
        %cond3A_378 = arith.cmpi ne, %convert_element_type3A_376, %cond3A_377 : i32
        scf.if %cond3A_378 {
          %ge3A = arith.constant 1 : i32
          %ge3A_674 = arith.cmpi sge, %scan3A_338, %ge3A : i32
          %convert_element_type3A_675 = arith.extui %ge3A_674 : i1 to i32
          %cond3A_676 = arith.constant 0 : i32
          %cond3A_677 = arith.cmpi ne, %convert_element_type3A_675, %cond3A_676 : i32
          scf.if %cond3A_677 {
            %sub3A = arith.constant 1 : i32
            %sub3A_944 = arith.subi %scan3A_338, %sub3A : i32
            %mul3A_945 = arith.constant 8 : i32
            %mul3A_946 = arith.muli %sub3A_944, %mul3A_945 : i32
            %add3A_947 = arith.addi %mul3A_2, %mul3A_946 : i32
            %dma_wait3A_948 = arith.constant 0 : i32
            %dma_wait3A_949 = arith.constant 0 : i32
            %dma_wait3A_950 = arith.constant 0 : i32
            %dma_wait3A_951 = tpu.memref_slice %arg8[%scan3A_266, %dma_wait3A_948, %dma_wait3A_949, %dma_wait3A_950] : memref<2x8x128x16xf32, #tpu.memory_space<vmem>> -> memref<1x8x128x16xf32, #tpu.memory_space<vmem>>
            %dma_wait3A_952 = tpu.memref_squeeze %dma_wait3A_951 : memref<1x8x128x16xf32, #tpu.memory_space<vmem>> -> memref<8x128x16xf32, #tpu.memory_space<vmem>>
            %dma_wait3A_953 = arith.constant 0 : i32
            %dma_wait3A_954 = arith.constant 0 : i32
            %dma_wait3A_955 = tpu.memref_slice %arg5[%add3A_947, %dma_wait3A_953, %dma_wait3A_954] : memref<3328x128x16xf32, #tpu.memory_space<hbm>> -> memref<8x128x16xf32, #tpu.memory_space<hbm>>
            %dma_wait3A_956 = arith.constant 0 : i32
            %dma_wait3A_957 = arith.constant 0 : i32
            %dma_wait3A_958 = tpu.memref_slice %arg5[%add3A_947, %dma_wait3A_956, %dma_wait3A_957] : memref<3328x128x16xf32, #tpu.memory_space<hbm>> -> memref<8x128x16xf32, #tpu.memory_space<hbm>>
            %dma_wait3A_959 = arith.constant 0 : i32
            %dma_wait3A_960 = arith.constant 0 : i32
            %dma_wait3A_961 = arith.constant 0 : i32
            %dma_wait3A_962 = tpu.memref_slice %arg8[%scan3A_266, %dma_wait3A_959, %dma_wait3A_960, %dma_wait3A_961] : memref<2x8x128x16xf32, #tpu.memory_space<vmem>> -> memref<1x8x128x16xf32, #tpu.memory_space<vmem>>
            %dma_wait3A_963 = tpu.memref_squeeze %dma_wait3A_962 : memref<1x8x128x16xf32, #tpu.memory_space<vmem>> -> memref<8x128x16xf32, #tpu.memory_space<vmem>>
            tpu.wait_dma2 semaphore(%arg16 : memref<!tpu.dma_semaphore, #tpu.memory_space<semaphore_mem>>) src(%dma_wait3A_963 : memref<8x128x16xf32, #tpu.memory_space<vmem>>) dst(%dma_wait3A_958 : memref<8x128x16xf32, #tpu.memory_space<hbm>>)
            %dma_wait3A_964 = arith.constant 0 : i32
            %dma_wait3A_965 = arith.constant 0 : i32
            %dma_wait3A_966 = tpu.memref_slice %arg9[%scan3A_267, %dma_wait3A_964, %dma_wait3A_965] : memref<2x8x128xf32, #tpu.memory_space<vmem>> -> memref<1x8x128xf32, #tpu.memory_space<vmem>>
            %dma_wait3A_967 = tpu.memref_squeeze %dma_wait3A_966 : memref<1x8x128xf32, #tpu.memory_space<vmem>> -> memref<8x128xf32, #tpu.memory_space<vmem>>
            %dma_wait3A_968 = arith.constant 0 : i32
            %dma_wait3A_969 = tpu.memref_slice %arg6[%add3A_947, %dma_wait3A_968] : memref<3328x128xf32, #tpu.memory_space<hbm>> -> memref<8x128xf32, #tpu.memory_space<hbm>>
            %dma_wait3A_970 = arith.constant 0 : i32
            %dma_wait3A_971 = tpu.memref_slice %arg6[%add3A_947, %dma_wait3A_970] : memref<3328x128xf32, #tpu.memory_space<hbm>> -> memref<8x128xf32, #tpu.memory_space<hbm>>
            %dma_wait3A_972 = arith.constant 0 : i32
            %dma_wait3A_973 = arith.constant 0 : i32
            %dma_wait3A_974 = tpu.memref_slice %arg9[%scan3A_267, %dma_wait3A_972, %dma_wait3A_973] : memref<2x8x128xf32, #tpu.memory_space<vmem>> -> memref<1x8x128xf32, #tpu.memory_space<vmem>>
            %dma_wait3A_975 = tpu.memref_squeeze %dma_wait3A_974 : memref<1x8x128xf32, #tpu.memory_space<vmem>> -> memref<8x128xf32, #tpu.memory_space<vmem>>
            tpu.wait_dma2 semaphore(%arg17 : memref<!tpu.dma_semaphore, #tpu.memory_space<semaphore_mem>>) src(%dma_wait3A_975 : memref<8x128xf32, #tpu.memory_space<vmem>>) dst(%dma_wait3A_971 : memref<8x128xf32, #tpu.memory_space<hbm>>)
          } else {
          }
          %add3A_678 = arith.constant 1 : i32
          %add3A_679 = arith.addi %scan3A_338, %add3A_678 : i32
          %mul3A_680 = arith.constant 8 : i32
          %mul3A_681 = arith.muli %add3A_679, %mul3A_680 : i32
          %add3A_682 = arith.constant 0 : i32
          %add3A_683 = arith.addi %mul3A_681, %add3A_682 : i32
          %dma_start3A_684 = arith.constant 0 : i32
          %dma_start3A_685 = arith.constant 0 : i32
          %dma_start3A_686 = arith.constant 0 : i32
          %dma_start3A_687 = arith.constant 0 : i32
          %dma_start3A_688 = tpu.memref_slice %arg8[%scan3A_266, %dma_start3A_685, %dma_start3A_686, %dma_start3A_687] : memref<2x8x128x16xf32, #tpu.memory_space<vmem>> -> memref<1x8x128x16xf32, #tpu.memory_space<vmem>>
          %dma_start3A_689 = tpu.memref_squeeze %dma_start3A_688 : memref<1x8x128x16xf32, #tpu.memory_space<vmem>> -> memref<8x128x16xf32, #tpu.memory_space<vmem>>
          %dma_start3A_690 = arith.constant 0 : i32
          %dma_start3A_691 = arith.constant 0 : i32
          %dma_start3A_692 = tpu.memref_slice %dma_start3A_689[%dma_start3A_684, %dma_start3A_690, %dma_start3A_691] : memref<8x128x16xf32, #tpu.memory_space<vmem>> -> memref<1x128x16xf32, #tpu.memory_space<vmem>>
          %dma_start3A_693 = tpu.memref_squeeze %dma_start3A_692 : memref<1x128x16xf32, #tpu.memory_space<vmem>> -> memref<128x16xf32, #tpu.memory_space<vmem>>
          %dma_start3A_694 = arith.constant 0 : i32
          %dma_start3A_695 = tpu.memref_slice %arg7[%add3A_683, %dma_start3A_694] : memref<104x128xi32, #tpu.memory_space<vmem>> -> memref<1x128xi32, #tpu.memory_space<vmem>>
          %dma_start3A_696 = tpu.memref_squeeze %dma_start3A_695 : memref<1x128xi32, #tpu.memory_space<vmem>> -> memref<128xi32, #tpu.memory_space<vmem>>
          %dma_start3A_697 = arith.constant 0 : i32
          %dma_start3A_698 = arith.constant 0 : i32
          %dma_start3A_699 = tpu.memref_slice %arg3[%dma_start3A_697, %dma_start3A_698] : memref<2600000x16xf32, #tpu.memory_space<hbm>> -> memref<2600000x16xf32, #tpu.memory_space<hbm>>
          tpu.enqueue_indirect_dma source(%dma_start3A_699 : memref<2600000x16xf32, #tpu.memory_space<hbm>>) target(%dma_start3A_693 : memref<128x16xf32, #tpu.memory_space<vmem>>) offsets(%dma_start3A_696 : memref<128xi32, #tpu.memory_space<vmem>>) semaphore(%arg14 : memref<!tpu.dma_semaphore, #tpu.memory_space<semaphore_mem>>)
          %dma_start3A_700 = arith.constant 0 : i32
          %dma_start3A_701 = arith.constant 0 : i32
          %dma_start3A_702 = arith.constant 0 : i32
          %dma_start3A_703 = tpu.memref_slice %arg9[%scan3A_267, %dma_start3A_701, %dma_start3A_702] : memref<2x8x128xf32, #tpu.memory_space<vmem>> -> memref<1x8x128xf32, #tpu.memory_space<vmem>>
          %dma_start3A_704 = tpu.memref_squeeze %dma_start3A_703 : memref<1x8x128xf32, #tpu.memory_space<vmem>> -> memref<8x128xf32, #tpu.memory_space<vmem>>
          %dma_start3A_705 = arith.constant 0 : i32
          %dma_start3A_706 = tpu.memref_slice %dma_start3A_704[%dma_start3A_700, %dma_start3A_705] : memref<8x128xf32, #tpu.memory_space<vmem>> -> memref<1x128xf32, #tpu.memory_space<vmem>>
          %dma_start3A_707 = tpu.memref_squeeze %dma_start3A_706 : memref<1x128xf32, #tpu.memory_space<vmem>> -> memref<128xf32, #tpu.memory_space<vmem>>
          %dma_start3A_708 = arith.constant 0 : i32
          %dma_start3A_709 = tpu.memref_slice %arg7[%add3A_683, %dma_start3A_708] : memref<104x128xi32, #tpu.memory_space<vmem>> -> memref<1x128xi32, #tpu.memory_space<vmem>>
          %dma_start3A_710 = tpu.memref_squeeze %dma_start3A_709 : memref<1x128xi32, #tpu.memory_space<vmem>> -> memref<128xi32, #tpu.memory_space<vmem>>
          %dma_start3A_711 = arith.constant 0 : i32
          %dma_start3A_712 = tpu.memref_slice %arg4[%dma_start3A_711] : memref<2600000xf32, #tpu.memory_space<hbm>> -> memref<2600000xf32, #tpu.memory_space<hbm>>
          tpu.enqueue_indirect_dma source(%dma_start3A_712 : memref<2600000xf32, #tpu.memory_space<hbm>>) target(%dma_start3A_707 : memref<128xf32, #tpu.memory_space<vmem>>) offsets(%dma_start3A_710 : memref<128xi32, #tpu.memory_space<vmem>>) semaphore(%arg15 : memref<!tpu.dma_semaphore, #tpu.memory_space<semaphore_mem>>)
          %mul3A_713 = arith.constant 8 : i32
          %mul3A_714 = arith.muli %add3A_679, %mul3A_713 : i32
          %add3A_715 = arith.constant 1 : i32
          %add3A_716 = arith.addi %mul3A_714, %add3A_715 : i32
          %dma_start3A_717 = arith.constant 1 : i32
          %dma_start3A_718 = arith.constant 0 : i32
          %dma_start3A_719 = arith.constant 0 : i32
          %dma_start3A_720 = arith.constant 0 : i32
          %dma_start3A_721 = tpu.memref_slice %arg8[%scan3A_266, %dma_start3A_718, %dma_start3A_719, %dma_start3A_720] : memref<2x8x128x16xf32, #tpu.memory_space<vmem>> -> memref<1x8x128x16xf32, #tpu.memory_space<vmem>>
          %dma_start3A_722 = tpu.memref_squeeze %dma_start3A_721 : memref<1x8x128x16xf32, #tpu.memory_space<vmem>> -> memref<8x128x16xf32, #tpu.memory_space<vmem>>
          %dma_start3A_723 = arith.constant 0 : i32
          %dma_start3A_724 = arith.constant 0 : i32
          %dma_start3A_725 = tpu.memref_slice %dma_start3A_722[%dma_start3A_717, %dma_start3A_723, %dma_start3A_724] : memref<8x128x16xf32, #tpu.memory_space<vmem>> -> memref<1x128x16xf32, #tpu.memory_space<vmem>>
          %dma_start3A_726 = tpu.memref_squeeze %dma_start3A_725 : memref<1x128x16xf32, #tpu.memory_space<vmem>> -> memref<128x16xf32, #tpu.memory_space<vmem>>
          %dma_start3A_727 = arith.constant 0 : i32
          %dma_start3A_728 = tpu.memref_slice %arg7[%add3A_716, %dma_start3A_727] : memref<104x128xi32, #tpu.memory_space<vmem>> -> memref<1x128xi32, #tpu.memory_space<vmem>>
          %dma_start3A_729 = tpu.memref_squeeze %dma_start3A_728 : memref<1x128xi32, #tpu.memory_space<vmem>> -> memref<128xi32, #tpu.memory_space<vmem>>
          %dma_start3A_730 = arith.constant 0 : i32
          %dma_start3A_731 = arith.constant 0 : i32
          %dma_start3A_732 = tpu.memref_slice %arg3[%dma_start3A_730, %dma_start3A_731] : memref<2600000x16xf32, #tpu.memory_space<hbm>> -> memref<2600000x16xf32, #tpu.memory_space<hbm>>
          tpu.enqueue_indirect_dma source(%dma_start3A_732 : memref<2600000x16xf32, #tpu.memory_space<hbm>>) target(%dma_start3A_726 : memref<128x16xf32, #tpu.memory_space<vmem>>) offsets(%dma_start3A_729 : memref<128xi32, #tpu.memory_space<vmem>>) semaphore(%arg14 : memref<!tpu.dma_semaphore, #tpu.memory_space<semaphore_mem>>)
          %dma_start3A_733 = arith.constant 1 : i32
          %dma_start3A_734 = arith.constant 0 : i32
          %dma_start3A_735 = arith.constant 0 : i32
          %dma_start3A_736 = tpu.memref_slice %arg9[%scan3A_267, %dma_start3A_734, %dma_start3A_735] : memref<2x8x128xf32, #tpu.memory_space<vmem>> -> memref<1x8x128xf32, #tpu.memory_space<vmem>>
          %dma_start3A_737 = tpu.memref_squeeze %dma_start3A_736 : memref<1x8x128xf32, #tpu.memory_space<vmem>> -> memref<8x128xf32, #tpu.memory_space<vmem>>
          %dma_start3A_738 = arith.constant 0 : i32
          %dma_start3A_739 = tpu.memref_slice %dma_start3A_737[%dma_start3A_733, %dma_start3A_738] : memref<8x128xf32, #tpu.memory_space<vmem>> -> memref<1x128xf32, #tpu.memory_space<vmem>>
          %dma_start3A_740 = tpu.memref_squeeze %dma_start3A_739 : memref<1x128xf32, #tpu.memory_space<vmem>> -> memref<128xf32, #tpu.memory_space<vmem>>
          %dma_start3A_741 = arith.constant 0 : i32
          %dma_start3A_742 = tpu.memref_slice %arg7[%add3A_716, %dma_start3A_741] : memref<104x128xi32, #tpu.memory_space<vmem>> -> memref<1x128xi32, #tpu.memory_space<vmem>>
          %dma_start3A_743 = tpu.memref_squeeze %dma_start3A_742 : memref<1x128xi32, #tpu.memory_space<vmem>> -> memref<128xi32, #tpu.memory_space<vmem>>
          %dma_start3A_744 = arith.constant 0 : i32
          %dma_start3A_745 = tpu.memref_slice %arg4[%dma_start3A_744] : memref<2600000xf32, #tpu.memory_space<hbm>> -> memref<2600000xf32, #tpu.memory_space<hbm>>
          tpu.enqueue_indirect_dma source(%dma_start3A_745 : memref<2600000xf32, #tpu.memory_space<hbm>>) target(%dma_start3A_740 : memref<128xf32, #tpu.memory_space<vmem>>) offsets(%dma_start3A_743 : memref<128xi32, #tpu.memory_space<vmem>>) semaphore(%arg15 : memref<!tpu.dma_semaphore, #tpu.memory_space<semaphore_mem>>)
          %mul3A_746 = arith.constant 8 : i32
          %mul3A_747 = arith.muli %add3A_679, %mul3A_746 : i32
          %add3A_748 = arith.constant 2 : i32
          %add3A_749 = arith.addi %mul3A_747, %add3A_748 : i32
          %dma_start3A_750 = arith.constant 2 : i32
          %dma_start3A_751 = arith.constant 0 : i32
          %dma_start3A_752 = arith.constant 0 : i32
          %dma_start3A_753 = arith.constant 0 : i32
          %dma_start3A_754 = tpu.memref_slice %arg8[%scan3A_266, %dma_start3A_751, %dma_start3A_752, %dma_start3A_753] : memref<2x8x128x16xf32, #tpu.memory_space<vmem>> -> memref<1x8x128x16xf32, #tpu.memory_space<vmem>>
          %dma_start3A_755 = tpu.memref_squeeze %dma_start3A_754 : memref<1x8x128x16xf32, #tpu.memory_space<vmem>> -> memref<8x128x16xf32, #tpu.memory_space<vmem>>
          %dma_start3A_756 = arith.constant 0 : i32
          %dma_start3A_757 = arith.constant 0 : i32
          %dma_start3A_758 = tpu.memref_slice %dma_start3A_755[%dma_start3A_750, %dma_start3A_756, %dma_start3A_757] : memref<8x128x16xf32, #tpu.memory_space<vmem>> -> memref<1x128x16xf32, #tpu.memory_space<vmem>>
          %dma_start3A_759 = tpu.memref_squeeze %dma_start3A_758 : memref<1x128x16xf32, #tpu.memory_space<vmem>> -> memref<128x16xf32, #tpu.memory_space<vmem>>
          %dma_start3A_760 = arith.constant 0 : i32
          %dma_start3A_761 = tpu.memref_slice %arg7[%add3A_749, %dma_start3A_760] : memref<104x128xi32, #tpu.memory_space<vmem>> -> memref<1x128xi32, #tpu.memory_space<vmem>>
          %dma_start3A_762 = tpu.memref_squeeze %dma_start3A_761 : memref<1x128xi32, #tpu.memory_space<vmem>> -> memref<128xi32, #tpu.memory_space<vmem>>
          %dma_start3A_763 = arith.constant 0 : i32
          %dma_start3A_764 = arith.constant 0 : i32
          %dma_start3A_765 = tpu.memref_slice %arg3[%dma_start3A_763, %dma_start3A_764] : memref<2600000x16xf32, #tpu.memory_space<hbm>> -> memref<2600000x16xf32, #tpu.memory_space<hbm>>
          tpu.enqueue_indirect_dma source(%dma_start3A_765 : memref<2600000x16xf32, #tpu.memory_space<hbm>>) target(%dma_start3A_759 : memref<128x16xf32, #tpu.memory_space<vmem>>) offsets(%dma_start3A_762 : memref<128xi32, #tpu.memory_space<vmem>>) semaphore(%arg14 : memref<!tpu.dma_semaphore, #tpu.memory_space<semaphore_mem>>)
          %dma_start3A_766 = arith.constant 2 : i32
          %dma_start3A_767 = arith.constant 0 : i32
          %dma_start3A_768 = arith.constant 0 : i32
          %dma_start3A_769 = tpu.memref_slice %arg9[%scan3A_267, %dma_start3A_767, %dma_start3A_768] : memref<2x8x128xf32, #tpu.memory_space<vmem>> -> memref<1x8x128xf32, #tpu.memory_space<vmem>>
          %dma_start3A_770 = tpu.memref_squeeze %dma_start3A_769 : memref<1x8x128xf32, #tpu.memory_space<vmem>> -> memref<8x128xf32, #tpu.memory_space<vmem>>
          %dma_start3A_771 = arith.constant 0 : i32
          %dma_start3A_772 = tpu.memref_slice %dma_start3A_770[%dma_start3A_766, %dma_start3A_771] : memref<8x128xf32, #tpu.memory_space<vmem>> -> memref<1x128xf32, #tpu.memory_space<vmem>>
          %dma_start3A_773 = tpu.memref_squeeze %dma_start3A_772 : memref<1x128xf32, #tpu.memory_space<vmem>> -> memref<128xf32, #tpu.memory_space<vmem>>
          %dma_start3A_774 = arith.constant 0 : i32
          %dma_start3A_775 = tpu.memref_slice %arg7[%add3A_749, %dma_start3A_774] : memref<104x128xi32, #tpu.memory_space<vmem>> -> memref<1x128xi32, #tpu.memory_space<vmem>>
          %dma_start3A_776 = tpu.memref_squeeze %dma_start3A_775 : memref<1x128xi32, #tpu.memory_space<vmem>> -> memref<128xi32, #tpu.memory_space<vmem>>
          %dma_start3A_777 = arith.constant 0 : i32
          %dma_start3A_778 = tpu.memref_slice %arg4[%dma_start3A_777] : memref<2600000xf32, #tpu.memory_space<hbm>> -> memref<2600000xf32, #tpu.memory_space<hbm>>
          tpu.enqueue_indirect_dma source(%dma_start3A_778 : memref<2600000xf32, #tpu.memory_space<hbm>>) target(%dma_start3A_773 : memref<128xf32, #tpu.memory_space<vmem>>) offsets(%dma_start3A_776 : memref<128xi32, #tpu.memory_space<vmem>>) semaphore(%arg15 : memref<!tpu.dma_semaphore, #tpu.memory_space<semaphore_mem>>)
          %mul3A_779 = arith.constant 8 : i32
          %mul3A_780 = arith.muli %add3A_679, %mul3A_779 : i32
          %add3A_781 = arith.constant 3 : i32
          %add3A_782 = arith.addi %mul3A_780, %add3A_781 : i32
          %dma_start3A_783 = arith.constant 3 : i32
          %dma_start3A_784 = arith.constant 0 : i32
          %dma_start3A_785 = arith.constant 0 : i32
          %dma_start3A_786 = arith.constant 0 : i32
          %dma_start3A_787 = tpu.memref_slice %arg8[%scan3A_266, %dma_start3A_784, %dma_start3A_785, %dma_start3A_786] : memref<2x8x128x16xf32, #tpu.memory_space<vmem>> -> memref<1x8x128x16xf32, #tpu.memory_space<vmem>>
          %dma_start3A_788 = tpu.memref_squeeze %dma_start3A_787 : memref<1x8x128x16xf32, #tpu.memory_space<vmem>> -> memref<8x128x16xf32, #tpu.memory_space<vmem>>
          %dma_start3A_789 = arith.constant 0 : i32
          %dma_start3A_790 = arith.constant 0 : i32
          %dma_start3A_791 = tpu.memref_slice %dma_start3A_788[%dma_start3A_783, %dma_start3A_789, %dma_start3A_790] : memref<8x128x16xf32, #tpu.memory_space<vmem>> -> memref<1x128x16xf32, #tpu.memory_space<vmem>>
          %dma_start3A_792 = tpu.memref_squeeze %dma_start3A_791 : memref<1x128x16xf32, #tpu.memory_space<vmem>> -> memref<128x16xf32, #tpu.memory_space<vmem>>
          %dma_start3A_793 = arith.constant 0 : i32
          %dma_start3A_794 = tpu.memref_slice %arg7[%add3A_782, %dma_start3A_793] : memref<104x128xi32, #tpu.memory_space<vmem>> -> memref<1x128xi32, #tpu.memory_space<vmem>>
          %dma_start3A_795 = tpu.memref_squeeze %dma_start3A_794 : memref<1x128xi32, #tpu.memory_space<vmem>> -> memref<128xi32, #tpu.memory_space<vmem>>
          %dma_start3A_796 = arith.constant 0 : i32
          %dma_start3A_797 = arith.constant 0 : i32
          %dma_start3A_798 = tpu.memref_slice %arg3[%dma_start3A_796, %dma_start3A_797] : memref<2600000x16xf32, #tpu.memory_space<hbm>> -> memref<2600000x16xf32, #tpu.memory_space<hbm>>
          tpu.enqueue_indirect_dma source(%dma_start3A_798 : memref<2600000x16xf32, #tpu.memory_space<hbm>>) target(%dma_start3A_792 : memref<128x16xf32, #tpu.memory_space<vmem>>) offsets(%dma_start3A_795 : memref<128xi32, #tpu.memory_space<vmem>>) semaphore(%arg14 : memref<!tpu.dma_semaphore, #tpu.memory_space<semaphore_mem>>)
          %dma_start3A_799 = arith.constant 3 : i32
          %dma_start3A_800 = arith.constant 0 : i32
          %dma_start3A_801 = arith.constant 0 : i32
          %dma_start3A_802 = tpu.memref_slice %arg9[%scan3A_267, %dma_start3A_800, %dma_start3A_801] : memref<2x8x128xf32, #tpu.memory_space<vmem>> -> memref<1x8x128xf32, #tpu.memory_space<vmem>>
          %dma_start3A_803 = tpu.memref_squeeze %dma_start3A_802 : memref<1x8x128xf32, #tpu.memory_space<vmem>> -> memref<8x128xf32, #tpu.memory_space<vmem>>
          %dma_start3A_804 = arith.constant 0 : i32
          %dma_start3A_805 = tpu.memref_slice %dma_start3A_803[%dma_start3A_799, %dma_start3A_804] : memref<8x128xf32, #tpu.memory_space<vmem>> -> memref<1x128xf32, #tpu.memory_space<vmem>>
          %dma_start3A_806 = tpu.memref_squeeze %dma_start3A_805 : memref<1x128xf32, #tpu.memory_space<vmem>> -> memref<128xf32, #tpu.memory_space<vmem>>
          %dma_start3A_807 = arith.constant 0 : i32
          %dma_start3A_808 = tpu.memref_slice %arg7[%add3A_782, %dma_start3A_807] : memref<104x128xi32, #tpu.memory_space<vmem>> -> memref<1x128xi32, #tpu.memory_space<vmem>>
          %dma_start3A_809 = tpu.memref_squeeze %dma_start3A_808 : memref<1x128xi32, #tpu.memory_space<vmem>> -> memref<128xi32, #tpu.memory_space<vmem>>
          %dma_start3A_810 = arith.constant 0 : i32
          %dma_start3A_811 = tpu.memref_slice %arg4[%dma_start3A_810] : memref<2600000xf32, #tpu.memory_space<hbm>> -> memref<2600000xf32, #tpu.memory_space<hbm>>
          tpu.enqueue_indirect_dma source(%dma_start3A_811 : memref<2600000xf32, #tpu.memory_space<hbm>>) target(%dma_start3A_806 : memref<128xf32, #tpu.memory_space<vmem>>) offsets(%dma_start3A_809 : memref<128xi32, #tpu.memory_space<vmem>>) semaphore(%arg15 : memref<!tpu.dma_semaphore, #tpu.memory_space<semaphore_mem>>)
          %mul3A_812 = arith.constant 8 : i32
          %mul3A_813 = arith.muli %add3A_679, %mul3A_812 : i32
          %add3A_814 = arith.constant 4 : i32
          %add3A_815 = arith.addi %mul3A_813, %add3A_814 : i32
          %dma_start3A_816 = arith.constant 4 : i32
          %dma_start3A_817 = arith.constant 0 : i32
          %dma_start3A_818 = arith.constant 0 : i32
          %dma_start3A_819 = arith.constant 0 : i32
          %dma_start3A_820 = tpu.memref_slice %arg8[%scan3A_266, %dma_start3A_817, %dma_start3A_818, %dma_start3A_819] : memref<2x8x128x16xf32, #tpu.memory_space<vmem>> -> memref<1x8x128x16xf32, #tpu.memory_space<vmem>>
          %dma_start3A_821 = tpu.memref_squeeze %dma_start3A_820 : memref<1x8x128x16xf32, #tpu.memory_space<vmem>> -> memref<8x128x16xf32, #tpu.memory_space<vmem>>
          %dma_start3A_822 = arith.constant 0 : i32
          %dma_start3A_823 = arith.constant 0 : i32
          %dma_start3A_824 = tpu.memref_slice %dma_start3A_821[%dma_start3A_816, %dma_start3A_822, %dma_start3A_823] : memref<8x128x16xf32, #tpu.memory_space<vmem>> -> memref<1x128x16xf32, #tpu.memory_space<vmem>>
          %dma_start3A_825 = tpu.memref_squeeze %dma_start3A_824 : memref<1x128x16xf32, #tpu.memory_space<vmem>> -> memref<128x16xf32, #tpu.memory_space<vmem>>
          %dma_start3A_826 = arith.constant 0 : i32
          %dma_start3A_827 = tpu.memref_slice %arg7[%add3A_815, %dma_start3A_826] : memref<104x128xi32, #tpu.memory_space<vmem>> -> memref<1x128xi32, #tpu.memory_space<vmem>>
          %dma_start3A_828 = tpu.memref_squeeze %dma_start3A_827 : memref<1x128xi32, #tpu.memory_space<vmem>> -> memref<128xi32, #tpu.memory_space<vmem>>
          %dma_start3A_829 = arith.constant 0 : i32
          %dma_start3A_830 = arith.constant 0 : i32
          %dma_start3A_831 = tpu.memref_slice %arg3[%dma_start3A_829, %dma_start3A_830] : memref<2600000x16xf32, #tpu.memory_space<hbm>> -> memref<2600000x16xf32, #tpu.memory_space<hbm>>
          tpu.enqueue_indirect_dma source(%dma_start3A_831 : memref<2600000x16xf32, #tpu.memory_space<hbm>>) target(%dma_start3A_825 : memref<128x16xf32, #tpu.memory_space<vmem>>) offsets(%dma_start3A_828 : memref<128xi32, #tpu.memory_space<vmem>>) semaphore(%arg14 : memref<!tpu.dma_semaphore, #tpu.memory_space<semaphore_mem>>)
          %dma_start3A_832 = arith.constant 4 : i32
          %dma_start3A_833 = arith.constant 0 : i32
          %dma_start3A_834 = arith.constant 0 : i32
          %dma_start3A_835 = tpu.memref_slice %arg9[%scan3A_267, %dma_start3A_833, %dma_start3A_834] : memref<2x8x128xf32, #tpu.memory_space<vmem>> -> memref<1x8x128xf32, #tpu.memory_space<vmem>>
          %dma_start3A_836 = tpu.memref_squeeze %dma_start3A_835 : memref<1x8x128xf32, #tpu.memory_space<vmem>> -> memref<8x128xf32, #tpu.memory_space<vmem>>
          %dma_start3A_837 = arith.constant 0 : i32
          %dma_start3A_838 = tpu.memref_slice %dma_start3A_836[%dma_start3A_832, %dma_start3A_837] : memref<8x128xf32, #tpu.memory_space<vmem>> -> memref<1x128xf32, #tpu.memory_space<vmem>>
          %dma_start3A_839 = tpu.memref_squeeze %dma_start3A_838 : memref<1x128xf32, #tpu.memory_space<vmem>> -> memref<128xf32, #tpu.memory_space<vmem>>
          %dma_start3A_840 = arith.constant 0 : i32
          %dma_start3A_841 = tpu.memref_slice %arg7[%add3A_815, %dma_start3A_840] : memref<104x128xi32, #tpu.memory_space<vmem>> -> memref<1x128xi32, #tpu.memory_space<vmem>>
          %dma_start3A_842 = tpu.memref_squeeze %dma_start3A_841 : memref<1x128xi32, #tpu.memory_space<vmem>> -> memref<128xi32, #tpu.memory_space<vmem>>
          %dma_start3A_843 = arith.constant 0 : i32
          %dma_start3A_844 = tpu.memref_slice %arg4[%dma_start3A_843] : memref<2600000xf32, #tpu.memory_space<hbm>> -> memref<2600000xf32, #tpu.memory_space<hbm>>
          tpu.enqueue_indirect_dma source(%dma_start3A_844 : memref<2600000xf32, #tpu.memory_space<hbm>>) target(%dma_start3A_839 : memref<128xf32, #tpu.memory_space<vmem>>) offsets(%dma_start3A_842 : memref<128xi32, #tpu.memory_space<vmem>>) semaphore(%arg15 : memref<!tpu.dma_semaphore, #tpu.memory_space<semaphore_mem>>)
          %mul3A_845 = arith.constant 8 : i32
          %mul3A_846 = arith.muli %add3A_679, %mul3A_845 : i32
          %add3A_847 = arith.constant 5 : i32
          %add3A_848 = arith.addi %mul3A_846, %add3A_847 : i32
          %dma_start3A_849 = arith.constant 5 : i32
          %dma_start3A_850 = arith.constant 0 : i32
          %dma_start3A_851 = arith.constant 0 : i32
          %dma_start3A_852 = arith.constant 0 : i32
          %dma_start3A_853 = tpu.memref_slice %arg8[%scan3A_266, %dma_start3A_850, %dma_start3A_851, %dma_start3A_852] : memref<2x8x128x16xf32, #tpu.memory_space<vmem>> -> memref<1x8x128x16xf32, #tpu.memory_space<vmem>>
          %dma_start3A_854 = tpu.memref_squeeze %dma_start3A_853 : memref<1x8x128x16xf32, #tpu.memory_space<vmem>> -> memref<8x128x16xf32, #tpu.memory_space<vmem>>
          %dma_start3A_855 = arith.constant 0 : i32
          %dma_start3A_856 = arith.constant 0 : i32
          %dma_start3A_857 = tpu.memref_slice %dma_start3A_854[%dma_start3A_849, %dma_start3A_855, %dma_start3A_856] : memref<8x128x16xf32, #tpu.memory_space<vmem>> -> memref<1x128x16xf32, #tpu.memory_space<vmem>>
          %dma_start3A_858 = tpu.memref_squeeze %dma_start3A_857 : memref<1x128x16xf32, #tpu.memory_space<vmem>> -> memref<128x16xf32, #tpu.memory_space<vmem>>
          %dma_start3A_859 = arith.constant 0 : i32
          %dma_start3A_860 = tpu.memref_slice %arg7[%add3A_848, %dma_start3A_859] : memref<104x128xi32, #tpu.memory_space<vmem>> -> memref<1x128xi32, #tpu.memory_space<vmem>>
          %dma_start3A_861 = tpu.memref_squeeze %dma_start3A_860 : memref<1x128xi32, #tpu.memory_space<vmem>> -> memref<128xi32, #tpu.memory_space<vmem>>
          %dma_start3A_862 = arith.constant 0 : i32
          %dma_start3A_863 = arith.constant 0 : i32
          %dma_start3A_864 = tpu.memref_slice %arg3[%dma_start3A_862, %dma_start3A_863] : memref<2600000x16xf32, #tpu.memory_space<hbm>> -> memref<2600000x16xf32, #tpu.memory_space<hbm>>
          tpu.enqueue_indirect_dma source(%dma_start3A_864 : memref<2600000x16xf32, #tpu.memory_space<hbm>>) target(%dma_start3A_858 : memref<128x16xf32, #tpu.memory_space<vmem>>) offsets(%dma_start3A_861 : memref<128xi32, #tpu.memory_space<vmem>>) semaphore(%arg14 : memref<!tpu.dma_semaphore, #tpu.memory_space<semaphore_mem>>)
          %dma_start3A_865 = arith.constant 5 : i32
          %dma_start3A_866 = arith.constant 0 : i32
          %dma_start3A_867 = arith.constant 0 : i32
          %dma_start3A_868 = tpu.memref_slice %arg9[%scan3A_267, %dma_start3A_866, %dma_start3A_867] : memref<2x8x128xf32, #tpu.memory_space<vmem>> -> memref<1x8x128xf32, #tpu.memory_space<vmem>>
          %dma_start3A_869 = tpu.memref_squeeze %dma_start3A_868 : memref<1x8x128xf32, #tpu.memory_space<vmem>> -> memref<8x128xf32, #tpu.memory_space<vmem>>
          %dma_start3A_870 = arith.constant 0 : i32
          %dma_start3A_871 = tpu.memref_slice %dma_start3A_869[%dma_start3A_865, %dma_start3A_870] : memref<8x128xf32, #tpu.memory_space<vmem>> -> memref<1x128xf32, #tpu.memory_space<vmem>>
          %dma_start3A_872 = tpu.memref_squeeze %dma_start3A_871 : memref<1x128xf32, #tpu.memory_space<vmem>> -> memref<128xf32, #tpu.memory_space<vmem>>
          %dma_start3A_873 = arith.constant 0 : i32
          %dma_start3A_874 = tpu.memref_slice %arg7[%add3A_848, %dma_start3A_873] : memref<104x128xi32, #tpu.memory_space<vmem>> -> memref<1x128xi32, #tpu.memory_space<vmem>>
          %dma_start3A_875 = tpu.memref_squeeze %dma_start3A_874 : memref<1x128xi32, #tpu.memory_space<vmem>> -> memref<128xi32, #tpu.memory_space<vmem>>
          %dma_start3A_876 = arith.constant 0 : i32
          %dma_start3A_877 = tpu.memref_slice %arg4[%dma_start3A_876] : memref<2600000xf32, #tpu.memory_space<hbm>> -> memref<2600000xf32, #tpu.memory_space<hbm>>
          tpu.enqueue_indirect_dma source(%dma_start3A_877 : memref<2600000xf32, #tpu.memory_space<hbm>>) target(%dma_start3A_872 : memref<128xf32, #tpu.memory_space<vmem>>) offsets(%dma_start3A_875 : memref<128xi32, #tpu.memory_space<vmem>>) semaphore(%arg15 : memref<!tpu.dma_semaphore, #tpu.memory_space<semaphore_mem>>)
          %mul3A_878 = arith.constant 8 : i32
          %mul3A_879 = arith.muli %add3A_679, %mul3A_878 : i32
          %add3A_880 = arith.constant 6 : i32
          %add3A_881 = arith.addi %mul3A_879, %add3A_880 : i32
          %dma_start3A_882 = arith.constant 6 : i32
          %dma_start3A_883 = arith.constant 0 : i32
          %dma_start3A_884 = arith.constant 0 : i32
          %dma_start3A_885 = arith.constant 0 : i32
          %dma_start3A_886 = tpu.memref_slice %arg8[%scan3A_266, %dma_start3A_883, %dma_start3A_884, %dma_start3A_885] : memref<2x8x128x16xf32, #tpu.memory_space<vmem>> -> memref<1x8x128x16xf32, #tpu.memory_space<vmem>>
          %dma_start3A_887 = tpu.memref_squeeze %dma_start3A_886 : memref<1x8x128x16xf32, #tpu.memory_space<vmem>> -> memref<8x128x16xf32, #tpu.memory_space<vmem>>
          %dma_start3A_888 = arith.constant 0 : i32
          %dma_start3A_889 = arith.constant 0 : i32
          %dma_start3A_890 = tpu.memref_slice %dma_start3A_887[%dma_start3A_882, %dma_start3A_888, %dma_start3A_889] : memref<8x128x16xf32, #tpu.memory_space<vmem>> -> memref<1x128x16xf32, #tpu.memory_space<vmem>>
          %dma_start3A_891 = tpu.memref_squeeze %dma_start3A_890 : memref<1x128x16xf32, #tpu.memory_space<vmem>> -> memref<128x16xf32, #tpu.memory_space<vmem>>
          %dma_start3A_892 = arith.constant 0 : i32
          %dma_start3A_893 = tpu.memref_slice %arg7[%add3A_881, %dma_start3A_892] : memref<104x128xi32, #tpu.memory_space<vmem>> -> memref<1x128xi32, #tpu.memory_space<vmem>>
          %dma_start3A_894 = tpu.memref_squeeze %dma_start3A_893 : memref<1x128xi32, #tpu.memory_space<vmem>> -> memref<128xi32, #tpu.memory_space<vmem>>
          %dma_start3A_895 = arith.constant 0 : i32
          %dma_start3A_896 = arith.constant 0 : i32
          %dma_start3A_897 = tpu.memref_slice %arg3[%dma_start3A_895, %dma_start3A_896] : memref<2600000x16xf32, #tpu.memory_space<hbm>> -> memref<2600000x16xf32, #tpu.memory_space<hbm>>
          tpu.enqueue_indirect_dma source(%dma_start3A_897 : memref<2600000x16xf32, #tpu.memory_space<hbm>>) target(%dma_start3A_891 : memref<128x16xf32, #tpu.memory_space<vmem>>) offsets(%dma_start3A_894 : memref<128xi32, #tpu.memory_space<vmem>>) semaphore(%arg14 : memref<!tpu.dma_semaphore, #tpu.memory_space<semaphore_mem>>)
          %dma_start3A_898 = arith.constant 6 : i32
          %dma_start3A_899 = arith.constant 0 : i32
          %dma_start3A_900 = arith.constant 0 : i32
          %dma_start3A_901 = tpu.memref_slice %arg9[%scan3A_267, %dma_start3A_899, %dma_start3A_900] : memref<2x8x128xf32, #tpu.memory_space<vmem>> -> memref<1x8x128xf32, #tpu.memory_space<vmem>>
          %dma_start3A_902 = tpu.memref_squeeze %dma_start3A_901 : memref<1x8x128xf32, #tpu.memory_space<vmem>> -> memref<8x128xf32, #tpu.memory_space<vmem>>
          %dma_start3A_903 = arith.constant 0 : i32
          %dma_start3A_904 = tpu.memref_slice %dma_start3A_902[%dma_start3A_898, %dma_start3A_903] : memref<8x128xf32, #tpu.memory_space<vmem>> -> memref<1x128xf32, #tpu.memory_space<vmem>>
          %dma_start3A_905 = tpu.memref_squeeze %dma_start3A_904 : memref<1x128xf32, #tpu.memory_space<vmem>> -> memref<128xf32, #tpu.memory_space<vmem>>
          %dma_start3A_906 = arith.constant 0 : i32
          %dma_start3A_907 = tpu.memref_slice %arg7[%add3A_881, %dma_start3A_906] : memref<104x128xi32, #tpu.memory_space<vmem>> -> memref<1x128xi32, #tpu.memory_space<vmem>>
          %dma_start3A_908 = tpu.memref_squeeze %dma_start3A_907 : memref<1x128xi32, #tpu.memory_space<vmem>> -> memref<128xi32, #tpu.memory_space<vmem>>
          %dma_start3A_909 = arith.constant 0 : i32
          %dma_start3A_910 = tpu.memref_slice %arg4[%dma_start3A_909] : memref<2600000xf32, #tpu.memory_space<hbm>> -> memref<2600000xf32, #tpu.memory_space<hbm>>
          tpu.enqueue_indirect_dma source(%dma_start3A_910 : memref<2600000xf32, #tpu.memory_space<hbm>>) target(%dma_start3A_905 : memref<128xf32, #tpu.memory_space<vmem>>) offsets(%dma_start3A_908 : memref<128xi32, #tpu.memory_space<vmem>>) semaphore(%arg15 : memref<!tpu.dma_semaphore, #tpu.memory_space<semaphore_mem>>)
          %mul3A_911 = arith.constant 8 : i32
          %mul3A_912 = arith.muli %add3A_679, %mul3A_911 : i32
          %add3A_913 = arith.constant 7 : i32
          %add3A_914 = arith.addi %mul3A_912, %add3A_913 : i32
          %dma_start3A_915 = arith.constant 7 : i32
          %dma_start3A_916 = arith.constant 0 : i32
          %dma_start3A_917 = arith.constant 0 : i32
          %dma_start3A_918 = arith.constant 0 : i32
          %dma_start3A_919 = tpu.memref_slice %arg8[%scan3A_266, %dma_start3A_916, %dma_start3A_917, %dma_start3A_918] : memref<2x8x128x16xf32, #tpu.memory_space<vmem>> -> memref<1x8x128x16xf32, #tpu.memory_space<vmem>>
          %dma_start3A_920 = tpu.memref_squeeze %dma_start3A_919 : memref<1x8x128x16xf32, #tpu.memory_space<vmem>> -> memref<8x128x16xf32, #tpu.memory_space<vmem>>
          %dma_start3A_921 = arith.constant 0 : i32
          %dma_start3A_922 = arith.constant 0 : i32
          %dma_start3A_923 = tpu.memref_slice %dma_start3A_920[%dma_start3A_915, %dma_start3A_921, %dma_start3A_922] : memref<8x128x16xf32, #tpu.memory_space<vmem>> -> memref<1x128x16xf32, #tpu.memory_space<vmem>>
          %dma_start3A_924 = tpu.memref_squeeze %dma_start3A_923 : memref<1x128x16xf32, #tpu.memory_space<vmem>> -> memref<128x16xf32, #tpu.memory_space<vmem>>
          %dma_start3A_925 = arith.constant 0 : i32
          %dma_start3A_926 = tpu.memref_slice %arg7[%add3A_914, %dma_start3A_925] : memref<104x128xi32, #tpu.memory_space<vmem>> -> memref<1x128xi32, #tpu.memory_space<vmem>>
          %dma_start3A_927 = tpu.memref_squeeze %dma_start3A_926 : memref<1x128xi32, #tpu.memory_space<vmem>> -> memref<128xi32, #tpu.memory_space<vmem>>
          %dma_start3A_928 = arith.constant 0 : i32
          %dma_start3A_929 = arith.constant 0 : i32
          %dma_start3A_930 = tpu.memref_slice %arg3[%dma_start3A_928, %dma_start3A_929] : memref<2600000x16xf32, #tpu.memory_space<hbm>> -> memref<2600000x16xf32, #tpu.memory_space<hbm>>
          tpu.enqueue_indirect_dma source(%dma_start3A_930 : memref<2600000x16xf32, #tpu.memory_space<hbm>>) target(%dma_start3A_924 : memref<128x16xf32, #tpu.memory_space<vmem>>) offsets(%dma_start3A_927 : memref<128xi32, #tpu.memory_space<vmem>>) semaphore(%arg14 : memref<!tpu.dma_semaphore, #tpu.memory_space<semaphore_mem>>)
          %dma_start3A_931 = arith.constant 7 : i32
          %dma_start3A_932 = arith.constant 0 : i32
          %dma_start3A_933 = arith.constant 0 : i32
          %dma_start3A_934 = tpu.memref_slice %arg9[%scan3A_267, %dma_start3A_932, %dma_start3A_933] : memref<2x8x128xf32, #tpu.memory_space<vmem>> -> memref<1x8x128xf32, #tpu.memory_space<vmem>>
          %dma_start3A_935 = tpu.memref_squeeze %dma_start3A_934 : memref<1x8x128xf32, #tpu.memory_space<vmem>> -> memref<8x128xf32, #tpu.memory_space<vmem>>
          %dma_start3A_936 = arith.constant 0 : i32
          %dma_start3A_937 = tpu.memref_slice %dma_start3A_935[%dma_start3A_931, %dma_start3A_936] : memref<8x128xf32, #tpu.memory_space<vmem>> -> memref<1x128xf32, #tpu.memory_space<vmem>>
          %dma_start3A_938 = tpu.memref_squeeze %dma_start3A_937 : memref<1x128xf32, #tpu.memory_space<vmem>> -> memref<128xf32, #tpu.memory_space<vmem>>
          %dma_start3A_939 = arith.constant 0 : i32
          %dma_start3A_940 = tpu.memref_slice %arg7[%add3A_914, %dma_start3A_939] : memref<104x128xi32, #tpu.memory_space<vmem>> -> memref<1x128xi32, #tpu.memory_space<vmem>>
          %dma_start3A_941 = tpu.memref_squeeze %dma_start3A_940 : memref<1x128xi32, #tpu.memory_space<vmem>> -> memref<128xi32, #tpu.memory_space<vmem>>
          %dma_start3A_942 = arith.constant 0 : i32
          %dma_start3A_943 = tpu.memref_slice %arg4[%dma_start3A_942] : memref<2600000xf32, #tpu.memory_space<hbm>> -> memref<2600000xf32, #tpu.memory_space<hbm>>
          tpu.enqueue_indirect_dma source(%dma_start3A_943 : memref<2600000xf32, #tpu.memory_space<hbm>>) target(%dma_start3A_938 : memref<128xf32, #tpu.memory_space<vmem>>) offsets(%dma_start3A_941 : memref<128xi32, #tpu.memory_space<vmem>>) semaphore(%arg15 : memref<!tpu.dma_semaphore, #tpu.memory_space<semaphore_mem>>)
        } else {
        }
        %mul3A_379 = arith.constant 8 : i32
        %mul3A_380 = arith.muli %scan3A_338, %mul3A_379 : i32
        %add3A_381 = arith.constant 0 : i32
        %add3A_382 = arith.addi %mul3A_380, %add3A_381 : i32
        %dma_wait3A_383 = arith.constant 0 : i32
        %dma_wait3A_384 = arith.constant 0 : i32
        %dma_wait3A_385 = arith.constant 0 : i32
        %dma_wait3A_386 = arith.constant 0 : i32
        %dma_wait3A_387 = tpu.memref_slice %arg8[%scan3A_268, %dma_wait3A_384, %dma_wait3A_385, %dma_wait3A_386] : memref<2x8x128x16xf32, #tpu.memory_space<vmem>> -> memref<1x8x128x16xf32, #tpu.memory_space<vmem>>
        %dma_wait3A_388 = tpu.memref_squeeze %dma_wait3A_387 : memref<1x8x128x16xf32, #tpu.memory_space<vmem>> -> memref<8x128x16xf32, #tpu.memory_space<vmem>>
        %dma_wait3A_389 = arith.constant 0 : i32
        %dma_wait3A_390 = arith.constant 0 : i32
        %dma_wait3A_391 = tpu.memref_slice %dma_wait3A_388[%dma_wait3A_383, %dma_wait3A_389, %dma_wait3A_390] : memref<8x128x16xf32, #tpu.memory_space<vmem>> -> memref<1x128x16xf32, #tpu.memory_space<vmem>>
        %dma_wait3A_392 = tpu.memref_squeeze %dma_wait3A_391 : memref<1x128x16xf32, #tpu.memory_space<vmem>> -> memref<128x16xf32, #tpu.memory_space<vmem>>
        %dma_wait3A_393 = arith.constant 0 : i32
        %dma_wait3A_394 = tpu.memref_slice %arg7[%add3A_382, %dma_wait3A_393] : memref<104x128xi32, #tpu.memory_space<vmem>> -> memref<1x128xi32, #tpu.memory_space<vmem>>
        %dma_wait3A_395 = tpu.memref_squeeze %dma_wait3A_394 : memref<1x128xi32, #tpu.memory_space<vmem>> -> memref<128xi32, #tpu.memory_space<vmem>>
        %dma_wait3A_396 = arith.constant 0 : i32
        %dma_wait3A_397 = arith.constant 0 : i32
        %dma_wait3A_398 = tpu.memref_slice %arg3[%dma_wait3A_396, %dma_wait3A_397] : memref<2600000x16xf32, #tpu.memory_space<hbm>> -> memref<2600000x16xf32, #tpu.memory_space<hbm>>
        tpu.wait_indirect_dma semaphore(%arg10 : memref<!tpu.dma_semaphore, #tpu.memory_space<semaphore_mem>>) src(%dma_wait3A_398 : memref<2600000x16xf32, #tpu.memory_space<hbm>>) dst(%dma_wait3A_392 : memref<128x16xf32, #tpu.memory_space<vmem>>)
        %dma_wait3A_399 = arith.constant 0 : i32
        %dma_wait3A_400 = arith.constant 0 : i32
        %dma_wait3A_401 = arith.constant 0 : i32
        %dma_wait3A_402 = tpu.memref_slice %arg9[%scan3A_269, %dma_wait3A_400, %dma_wait3A_401] : memref<2x8x128xf32, #tpu.memory_space<vmem>> -> memref<1x8x128xf32, #tpu.memory_space<vmem>>
        %dma_wait3A_403 = tpu.memref_squeeze %dma_wait3A_402 : memref<1x8x128xf32, #tpu.memory_space<vmem>> -> memref<8x128xf32, #tpu.memory_space<vmem>>
        %dma_wait3A_404 = arith.constant 0 : i32
        %dma_wait3A_405 = tpu.memref_slice %dma_wait3A_403[%dma_wait3A_399, %dma_wait3A_404] : memref<8x128xf32, #tpu.memory_space<vmem>> -> memref<1x128xf32, #tpu.memory_space<vmem>>
        %dma_wait3A_406 = tpu.memref_squeeze %dma_wait3A_405 : memref<1x128xf32, #tpu.memory_space<vmem>> -> memref<128xf32, #tpu.memory_space<vmem>>
        %dma_wait3A_407 = arith.constant 0 : i32
        %dma_wait3A_408 = tpu.memref_slice %arg7[%add3A_382, %dma_wait3A_407] : memref<104x128xi32, #tpu.memory_space<vmem>> -> memref<1x128xi32, #tpu.memory_space<vmem>>
        %dma_wait3A_409 = tpu.memref_squeeze %dma_wait3A_408 : memref<1x128xi32, #tpu.memory_space<vmem>> -> memref<128xi32, #tpu.memory_space<vmem>>
        %dma_wait3A_410 = arith.constant 0 : i32
        %dma_wait3A_411 = tpu.memref_slice %arg4[%dma_wait3A_410] : memref<2600000xf32, #tpu.memory_space<hbm>> -> memref<2600000xf32, #tpu.memory_space<hbm>>
        tpu.wait_indirect_dma semaphore(%arg11 : memref<!tpu.dma_semaphore, #tpu.memory_space<semaphore_mem>>) src(%dma_wait3A_411 : memref<2600000xf32, #tpu.memory_space<hbm>>) dst(%dma_wait3A_406 : memref<128xf32, #tpu.memory_space<vmem>>)
        %mul3A_412 = arith.constant 8 : i32
        %mul3A_413 = arith.muli %scan3A_338, %mul3A_412 : i32
        %add3A_414 = arith.constant 1 : i32
        %add3A_415 = arith.addi %mul3A_413, %add3A_414 : i32
        %dma_wait3A_416 = arith.constant 1 : i32
        %dma_wait3A_417 = arith.constant 0 : i32
        %dma_wait3A_418 = arith.constant 0 : i32
        %dma_wait3A_419 = arith.constant 0 : i32
        %dma_wait3A_420 = tpu.memref_slice %arg8[%scan3A_268, %dma_wait3A_417, %dma_wait3A_418, %dma_wait3A_419] : memref<2x8x128x16xf32, #tpu.memory_space<vmem>> -> memref<1x8x128x16xf32, #tpu.memory_space<vmem>>
        %dma_wait3A_421 = tpu.memref_squeeze %dma_wait3A_420 : memref<1x8x128x16xf32, #tpu.memory_space<vmem>> -> memref<8x128x16xf32, #tpu.memory_space<vmem>>
        %dma_wait3A_422 = arith.constant 0 : i32
        %dma_wait3A_423 = arith.constant 0 : i32
        %dma_wait3A_424 = tpu.memref_slice %dma_wait3A_421[%dma_wait3A_416, %dma_wait3A_422, %dma_wait3A_423] : memref<8x128x16xf32, #tpu.memory_space<vmem>> -> memref<1x128x16xf32, #tpu.memory_space<vmem>>
        %dma_wait3A_425 = tpu.memref_squeeze %dma_wait3A_424 : memref<1x128x16xf32, #tpu.memory_space<vmem>> -> memref<128x16xf32, #tpu.memory_space<vmem>>
        %dma_wait3A_426 = arith.constant 0 : i32
        %dma_wait3A_427 = tpu.memref_slice %arg7[%add3A_415, %dma_wait3A_426] : memref<104x128xi32, #tpu.memory_space<vmem>> -> memref<1x128xi32, #tpu.memory_space<vmem>>
        %dma_wait3A_428 = tpu.memref_squeeze %dma_wait3A_427 : memref<1x128xi32, #tpu.memory_space<vmem>> -> memref<128xi32, #tpu.memory_space<vmem>>
        %dma_wait3A_429 = arith.constant 0 : i32
        %dma_wait3A_430 = arith.constant 0 : i32
        %dma_wait3A_431 = tpu.memref_slice %arg3[%dma_wait3A_429, %dma_wait3A_430] : memref<2600000x16xf32, #tpu.memory_space<hbm>> -> memref<2600000x16xf32, #tpu.memory_space<hbm>>
        tpu.wait_indirect_dma semaphore(%arg10 : memref<!tpu.dma_semaphore, #tpu.memory_space<semaphore_mem>>) src(%dma_wait3A_431 : memref<2600000x16xf32, #tpu.memory_space<hbm>>) dst(%dma_wait3A_425 : memref<128x16xf32, #tpu.memory_space<vmem>>)
        %dma_wait3A_432 = arith.constant 1 : i32
        %dma_wait3A_433 = arith.constant 0 : i32
        %dma_wait3A_434 = arith.constant 0 : i32
        %dma_wait3A_435 = tpu.memref_slice %arg9[%scan3A_269, %dma_wait3A_433, %dma_wait3A_434] : memref<2x8x128xf32, #tpu.memory_space<vmem>> -> memref<1x8x128xf32, #tpu.memory_space<vmem>>
        %dma_wait3A_436 = tpu.memref_squeeze %dma_wait3A_435 : memref<1x8x128xf32, #tpu.memory_space<vmem>> -> memref<8x128xf32, #tpu.memory_space<vmem>>
        %dma_wait3A_437 = arith.constant 0 : i32
        %dma_wait3A_438 = tpu.memref_slice %dma_wait3A_436[%dma_wait3A_432, %dma_wait3A_437] : memref<8x128xf32, #tpu.memory_space<vmem>> -> memref<1x128xf32, #tpu.memory_space<vmem>>
        %dma_wait3A_439 = tpu.memref_squeeze %dma_wait3A_438 : memref<1x128xf32, #tpu.memory_space<vmem>> -> memref<128xf32, #tpu.memory_space<vmem>>
        %dma_wait3A_440 = arith.constant 0 : i32
        %dma_wait3A_441 = tpu.memref_slice %arg7[%add3A_415, %dma_wait3A_440] : memref<104x128xi32, #tpu.memory_space<vmem>> -> memref<1x128xi32, #tpu.memory_space<vmem>>
        %dma_wait3A_442 = tpu.memref_squeeze %dma_wait3A_441 : memref<1x128xi32, #tpu.memory_space<vmem>> -> memref<128xi32, #tpu.memory_space<vmem>>
        %dma_wait3A_443 = arith.constant 0 : i32
        %dma_wait3A_444 = tpu.memref_slice %arg4[%dma_wait3A_443] : memref<2600000xf32, #tpu.memory_space<hbm>> -> memref<2600000xf32, #tpu.memory_space<hbm>>
        tpu.wait_indirect_dma semaphore(%arg11 : memref<!tpu.dma_semaphore, #tpu.memory_space<semaphore_mem>>) src(%dma_wait3A_444 : memref<2600000xf32, #tpu.memory_space<hbm>>) dst(%dma_wait3A_439 : memref<128xf32, #tpu.memory_space<vmem>>)
        %mul3A_445 = arith.constant 8 : i32
        %mul3A_446 = arith.muli %scan3A_338, %mul3A_445 : i32
        %add3A_447 = arith.constant 2 : i32
        %add3A_448 = arith.addi %mul3A_446, %add3A_447 : i32
        %dma_wait3A_449 = arith.constant 2 : i32
        %dma_wait3A_450 = arith.constant 0 : i32
        %dma_wait3A_451 = arith.constant 0 : i32
        %dma_wait3A_452 = arith.constant 0 : i32
        %dma_wait3A_453 = tpu.memref_slice %arg8[%scan3A_268, %dma_wait3A_450, %dma_wait3A_451, %dma_wait3A_452] : memref<2x8x128x16xf32, #tpu.memory_space<vmem>> -> memref<1x8x128x16xf32, #tpu.memory_space<vmem>>
        %dma_wait3A_454 = tpu.memref_squeeze %dma_wait3A_453 : memref<1x8x128x16xf32, #tpu.memory_space<vmem>> -> memref<8x128x16xf32, #tpu.memory_space<vmem>>
        %dma_wait3A_455 = arith.constant 0 : i32
        %dma_wait3A_456 = arith.constant 0 : i32
        %dma_wait3A_457 = tpu.memref_slice %dma_wait3A_454[%dma_wait3A_449, %dma_wait3A_455, %dma_wait3A_456] : memref<8x128x16xf32, #tpu.memory_space<vmem>> -> memref<1x128x16xf32, #tpu.memory_space<vmem>>
        %dma_wait3A_458 = tpu.memref_squeeze %dma_wait3A_457 : memref<1x128x16xf32, #tpu.memory_space<vmem>> -> memref<128x16xf32, #tpu.memory_space<vmem>>
        %dma_wait3A_459 = arith.constant 0 : i32
        %dma_wait3A_460 = tpu.memref_slice %arg7[%add3A_448, %dma_wait3A_459] : memref<104x128xi32, #tpu.memory_space<vmem>> -> memref<1x128xi32, #tpu.memory_space<vmem>>
        %dma_wait3A_461 = tpu.memref_squeeze %dma_wait3A_460 : memref<1x128xi32, #tpu.memory_space<vmem>> -> memref<128xi32, #tpu.memory_space<vmem>>
        %dma_wait3A_462 = arith.constant 0 : i32
        %dma_wait3A_463 = arith.constant 0 : i32
        %dma_wait3A_464 = tpu.memref_slice %arg3[%dma_wait3A_462, %dma_wait3A_463] : memref<2600000x16xf32, #tpu.memory_space<hbm>> -> memref<2600000x16xf32, #tpu.memory_space<hbm>>
        tpu.wait_indirect_dma semaphore(%arg10 : memref<!tpu.dma_semaphore, #tpu.memory_space<semaphore_mem>>) src(%dma_wait3A_464 : memref<2600000x16xf32, #tpu.memory_space<hbm>>) dst(%dma_wait3A_458 : memref<128x16xf32, #tpu.memory_space<vmem>>)
        %dma_wait3A_465 = arith.constant 2 : i32
        %dma_wait3A_466 = arith.constant 0 : i32
        %dma_wait3A_467 = arith.constant 0 : i32
        %dma_wait3A_468 = tpu.memref_slice %arg9[%scan3A_269, %dma_wait3A_466, %dma_wait3A_467] : memref<2x8x128xf32, #tpu.memory_space<vmem>> -> memref<1x8x128xf32, #tpu.memory_space<vmem>>
        %dma_wait3A_469 = tpu.memref_squeeze %dma_wait3A_468 : memref<1x8x128xf32, #tpu.memory_space<vmem>> -> memref<8x128xf32, #tpu.memory_space<vmem>>
        %dma_wait3A_470 = arith.constant 0 : i32
        %dma_wait3A_471 = tpu.memref_slice %dma_wait3A_469[%dma_wait3A_465, %dma_wait3A_470] : memref<8x128xf32, #tpu.memory_space<vmem>> -> memref<1x128xf32, #tpu.memory_space<vmem>>
        %dma_wait3A_472 = tpu.memref_squeeze %dma_wait3A_471 : memref<1x128xf32, #tpu.memory_space<vmem>> -> memref<128xf32, #tpu.memory_space<vmem>>
        %dma_wait3A_473 = arith.constant 0 : i32
        %dma_wait3A_474 = tpu.memref_slice %arg7[%add3A_448, %dma_wait3A_473] : memref<104x128xi32, #tpu.memory_space<vmem>> -> memref<1x128xi32, #tpu.memory_space<vmem>>
        %dma_wait3A_475 = tpu.memref_squeeze %dma_wait3A_474 : memref<1x128xi32, #tpu.memory_space<vmem>> -> memref<128xi32, #tpu.memory_space<vmem>>
        %dma_wait3A_476 = arith.constant 0 : i32
        %dma_wait3A_477 = tpu.memref_slice %arg4[%dma_wait3A_476] : memref<2600000xf32, #tpu.memory_space<hbm>> -> memref<2600000xf32, #tpu.memory_space<hbm>>
        tpu.wait_indirect_dma semaphore(%arg11 : memref<!tpu.dma_semaphore, #tpu.memory_space<semaphore_mem>>) src(%dma_wait3A_477 : memref<2600000xf32, #tpu.memory_space<hbm>>) dst(%dma_wait3A_472 : memref<128xf32, #tpu.memory_space<vmem>>)
        %mul3A_478 = arith.constant 8 : i32
        %mul3A_479 = arith.muli %scan3A_338, %mul3A_478 : i32
        %add3A_480 = arith.constant 3 : i32
        %add3A_481 = arith.addi %mul3A_479, %add3A_480 : i32
        %dma_wait3A_482 = arith.constant 3 : i32
        %dma_wait3A_483 = arith.constant 0 : i32
        %dma_wait3A_484 = arith.constant 0 : i32
        %dma_wait3A_485 = arith.constant 0 : i32
        %dma_wait3A_486 = tpu.memref_slice %arg8[%scan3A_268, %dma_wait3A_483, %dma_wait3A_484, %dma_wait3A_485] : memref<2x8x128x16xf32, #tpu.memory_space<vmem>> -> memref<1x8x128x16xf32, #tpu.memory_space<vmem>>
        %dma_wait3A_487 = tpu.memref_squeeze %dma_wait3A_486 : memref<1x8x128x16xf32, #tpu.memory_space<vmem>> -> memref<8x128x16xf32, #tpu.memory_space<vmem>>
        %dma_wait3A_488 = arith.constant 0 : i32
        %dma_wait3A_489 = arith.constant 0 : i32
        %dma_wait3A_490 = tpu.memref_slice %dma_wait3A_487[%dma_wait3A_482, %dma_wait3A_488, %dma_wait3A_489] : memref<8x128x16xf32, #tpu.memory_space<vmem>> -> memref<1x128x16xf32, #tpu.memory_space<vmem>>
        %dma_wait3A_491 = tpu.memref_squeeze %dma_wait3A_490 : memref<1x128x16xf32, #tpu.memory_space<vmem>> -> memref<128x16xf32, #tpu.memory_space<vmem>>
        %dma_wait3A_492 = arith.constant 0 : i32
        %dma_wait3A_493 = tpu.memref_slice %arg7[%add3A_481, %dma_wait3A_492] : memref<104x128xi32, #tpu.memory_space<vmem>> -> memref<1x128xi32, #tpu.memory_space<vmem>>
        %dma_wait3A_494 = tpu.memref_squeeze %dma_wait3A_493 : memref<1x128xi32, #tpu.memory_space<vmem>> -> memref<128xi32, #tpu.memory_space<vmem>>
        %dma_wait3A_495 = arith.constant 0 : i32
        %dma_wait3A_496 = arith.constant 0 : i32
        %dma_wait3A_497 = tpu.memref_slice %arg3[%dma_wait3A_495, %dma_wait3A_496] : memref<2600000x16xf32, #tpu.memory_space<hbm>> -> memref<2600000x16xf32, #tpu.memory_space<hbm>>
        tpu.wait_indirect_dma semaphore(%arg10 : memref<!tpu.dma_semaphore, #tpu.memory_space<semaphore_mem>>) src(%dma_wait3A_497 : memref<2600000x16xf32, #tpu.memory_space<hbm>>) dst(%dma_wait3A_491 : memref<128x16xf32, #tpu.memory_space<vmem>>)
        %dma_wait3A_498 = arith.constant 3 : i32
        %dma_wait3A_499 = arith.constant 0 : i32
        %dma_wait3A_500 = arith.constant 0 : i32
        %dma_wait3A_501 = tpu.memref_slice %arg9[%scan3A_269, %dma_wait3A_499, %dma_wait3A_500] : memref<2x8x128xf32, #tpu.memory_space<vmem>> -> memref<1x8x128xf32, #tpu.memory_space<vmem>>
        %dma_wait3A_502 = tpu.memref_squeeze %dma_wait3A_501 : memref<1x8x128xf32, #tpu.memory_space<vmem>> -> memref<8x128xf32, #tpu.memory_space<vmem>>
        %dma_wait3A_503 = arith.constant 0 : i32
        %dma_wait3A_504 = tpu.memref_slice %dma_wait3A_502[%dma_wait3A_498, %dma_wait3A_503] : memref<8x128xf32, #tpu.memory_space<vmem>> -> memref<1x128xf32, #tpu.memory_space<vmem>>
        %dma_wait3A_505 = tpu.memref_squeeze %dma_wait3A_504 : memref<1x128xf32, #tpu.memory_space<vmem>> -> memref<128xf32, #tpu.memory_space<vmem>>
        %dma_wait3A_506 = arith.constant 0 : i32
        %dma_wait3A_507 = tpu.memref_slice %arg7[%add3A_481, %dma_wait3A_506] : memref<104x128xi32, #tpu.memory_space<vmem>> -> memref<1x128xi32, #tpu.memory_space<vmem>>
        %dma_wait3A_508 = tpu.memref_squeeze %dma_wait3A_507 : memref<1x128xi32, #tpu.memory_space<vmem>> -> memref<128xi32, #tpu.memory_space<vmem>>
        %dma_wait3A_509 = arith.constant 0 : i32
        %dma_wait3A_510 = tpu.memref_slice %arg4[%dma_wait3A_509] : memref<2600000xf32, #tpu.memory_space<hbm>> -> memref<2600000xf32, #tpu.memory_space<hbm>>
        tpu.wait_indirect_dma semaphore(%arg11 : memref<!tpu.dma_semaphore, #tpu.memory_space<semaphore_mem>>) src(%dma_wait3A_510 : memref<2600000xf32, #tpu.memory_space<hbm>>) dst(%dma_wait3A_505 : memref<128xf32, #tpu.memory_space<vmem>>)
        %mul3A_511 = arith.constant 8 : i32
        %mul3A_512 = arith.muli %scan3A_338, %mul3A_511 : i32
        %add3A_513 = arith.constant 4 : i32
        %add3A_514 = arith.addi %mul3A_512, %add3A_513 : i32
        %dma_wait3A_515 = arith.constant 4 : i32
        %dma_wait3A_516 = arith.constant 0 : i32
        %dma_wait3A_517 = arith.constant 0 : i32
        %dma_wait3A_518 = arith.constant 0 : i32
        %dma_wait3A_519 = tpu.memref_slice %arg8[%scan3A_268, %dma_wait3A_516, %dma_wait3A_517, %dma_wait3A_518] : memref<2x8x128x16xf32, #tpu.memory_space<vmem>> -> memref<1x8x128x16xf32, #tpu.memory_space<vmem>>
        %dma_wait3A_520 = tpu.memref_squeeze %dma_wait3A_519 : memref<1x8x128x16xf32, #tpu.memory_space<vmem>> -> memref<8x128x16xf32, #tpu.memory_space<vmem>>
        %dma_wait3A_521 = arith.constant 0 : i32
        %dma_wait3A_522 = arith.constant 0 : i32
        %dma_wait3A_523 = tpu.memref_slice %dma_wait3A_520[%dma_wait3A_515, %dma_wait3A_521, %dma_wait3A_522] : memref<8x128x16xf32, #tpu.memory_space<vmem>> -> memref<1x128x16xf32, #tpu.memory_space<vmem>>
        %dma_wait3A_524 = tpu.memref_squeeze %dma_wait3A_523 : memref<1x128x16xf32, #tpu.memory_space<vmem>> -> memref<128x16xf32, #tpu.memory_space<vmem>>
        %dma_wait3A_525 = arith.constant 0 : i32
        %dma_wait3A_526 = tpu.memref_slice %arg7[%add3A_514, %dma_wait3A_525] : memref<104x128xi32, #tpu.memory_space<vmem>> -> memref<1x128xi32, #tpu.memory_space<vmem>>
        %dma_wait3A_527 = tpu.memref_squeeze %dma_wait3A_526 : memref<1x128xi32, #tpu.memory_space<vmem>> -> memref<128xi32, #tpu.memory_space<vmem>>
        %dma_wait3A_528 = arith.constant 0 : i32
        %dma_wait3A_529 = arith.constant 0 : i32
        %dma_wait3A_530 = tpu.memref_slice %arg3[%dma_wait3A_528, %dma_wait3A_529] : memref<2600000x16xf32, #tpu.memory_space<hbm>> -> memref<2600000x16xf32, #tpu.memory_space<hbm>>
        tpu.wait_indirect_dma semaphore(%arg10 : memref<!tpu.dma_semaphore, #tpu.memory_space<semaphore_mem>>) src(%dma_wait3A_530 : memref<2600000x16xf32, #tpu.memory_space<hbm>>) dst(%dma_wait3A_524 : memref<128x16xf32, #tpu.memory_space<vmem>>)
        %dma_wait3A_531 = arith.constant 4 : i32
        %dma_wait3A_532 = arith.constant 0 : i32
        %dma_wait3A_533 = arith.constant 0 : i32
        %dma_wait3A_534 = tpu.memref_slice %arg9[%scan3A_269, %dma_wait3A_532, %dma_wait3A_533] : memref<2x8x128xf32, #tpu.memory_space<vmem>> -> memref<1x8x128xf32, #tpu.memory_space<vmem>>
        %dma_wait3A_535 = tpu.memref_squeeze %dma_wait3A_534 : memref<1x8x128xf32, #tpu.memory_space<vmem>> -> memref<8x128xf32, #tpu.memory_space<vmem>>
        %dma_wait3A_536 = arith.constant 0 : i32
        %dma_wait3A_537 = tpu.memref_slice %dma_wait3A_535[%dma_wait3A_531, %dma_wait3A_536] : memref<8x128xf32, #tpu.memory_space<vmem>> -> memref<1x128xf32, #tpu.memory_space<vmem>>
        %dma_wait3A_538 = tpu.memref_squeeze %dma_wait3A_537 : memref<1x128xf32, #tpu.memory_space<vmem>> -> memref<128xf32, #tpu.memory_space<vmem>>
        %dma_wait3A_539 = arith.constant 0 : i32
        %dma_wait3A_540 = tpu.memref_slice %arg7[%add3A_514, %dma_wait3A_539] : memref<104x128xi32, #tpu.memory_space<vmem>> -> memref<1x128xi32, #tpu.memory_space<vmem>>
        %dma_wait3A_541 = tpu.memref_squeeze %dma_wait3A_540 : memref<1x128xi32, #tpu.memory_space<vmem>> -> memref<128xi32, #tpu.memory_space<vmem>>
        %dma_wait3A_542 = arith.constant 0 : i32
        %dma_wait3A_543 = tpu.memref_slice %arg4[%dma_wait3A_542] : memref<2600000xf32, #tpu.memory_space<hbm>> -> memref<2600000xf32, #tpu.memory_space<hbm>>
        tpu.wait_indirect_dma semaphore(%arg11 : memref<!tpu.dma_semaphore, #tpu.memory_space<semaphore_mem>>) src(%dma_wait3A_543 : memref<2600000xf32, #tpu.memory_space<hbm>>) dst(%dma_wait3A_538 : memref<128xf32, #tpu.memory_space<vmem>>)
        %mul3A_544 = arith.constant 8 : i32
        %mul3A_545 = arith.muli %scan3A_338, %mul3A_544 : i32
        %add3A_546 = arith.constant 5 : i32
        %add3A_547 = arith.addi %mul3A_545, %add3A_546 : i32
        %dma_wait3A_548 = arith.constant 5 : i32
        %dma_wait3A_549 = arith.constant 0 : i32
        %dma_wait3A_550 = arith.constant 0 : i32
        %dma_wait3A_551 = arith.constant 0 : i32
        %dma_wait3A_552 = tpu.memref_slice %arg8[%scan3A_268, %dma_wait3A_549, %dma_wait3A_550, %dma_wait3A_551] : memref<2x8x128x16xf32, #tpu.memory_space<vmem>> -> memref<1x8x128x16xf32, #tpu.memory_space<vmem>>
        %dma_wait3A_553 = tpu.memref_squeeze %dma_wait3A_552 : memref<1x8x128x16xf32, #tpu.memory_space<vmem>> -> memref<8x128x16xf32, #tpu.memory_space<vmem>>
        %dma_wait3A_554 = arith.constant 0 : i32
        %dma_wait3A_555 = arith.constant 0 : i32
        %dma_wait3A_556 = tpu.memref_slice %dma_wait3A_553[%dma_wait3A_548, %dma_wait3A_554, %dma_wait3A_555] : memref<8x128x16xf32, #tpu.memory_space<vmem>> -> memref<1x128x16xf32, #tpu.memory_space<vmem>>
        %dma_wait3A_557 = tpu.memref_squeeze %dma_wait3A_556 : memref<1x128x16xf32, #tpu.memory_space<vmem>> -> memref<128x16xf32, #tpu.memory_space<vmem>>
        %dma_wait3A_558 = arith.constant 0 : i32
        %dma_wait3A_559 = tpu.memref_slice %arg7[%add3A_547, %dma_wait3A_558] : memref<104x128xi32, #tpu.memory_space<vmem>> -> memref<1x128xi32, #tpu.memory_space<vmem>>
        %dma_wait3A_560 = tpu.memref_squeeze %dma_wait3A_559 : memref<1x128xi32, #tpu.memory_space<vmem>> -> memref<128xi32, #tpu.memory_space<vmem>>
        %dma_wait3A_561 = arith.constant 0 : i32
        %dma_wait3A_562 = arith.constant 0 : i32
        %dma_wait3A_563 = tpu.memref_slice %arg3[%dma_wait3A_561, %dma_wait3A_562] : memref<2600000x16xf32, #tpu.memory_space<hbm>> -> memref<2600000x16xf32, #tpu.memory_space<hbm>>
        tpu.wait_indirect_dma semaphore(%arg10 : memref<!tpu.dma_semaphore, #tpu.memory_space<semaphore_mem>>) src(%dma_wait3A_563 : memref<2600000x16xf32, #tpu.memory_space<hbm>>) dst(%dma_wait3A_557 : memref<128x16xf32, #tpu.memory_space<vmem>>)
        %dma_wait3A_564 = arith.constant 5 : i32
        %dma_wait3A_565 = arith.constant 0 : i32
        %dma_wait3A_566 = arith.constant 0 : i32
        %dma_wait3A_567 = tpu.memref_slice %arg9[%scan3A_269, %dma_wait3A_565, %dma_wait3A_566] : memref<2x8x128xf32, #tpu.memory_space<vmem>> -> memref<1x8x128xf32, #tpu.memory_space<vmem>>
        %dma_wait3A_568 = tpu.memref_squeeze %dma_wait3A_567 : memref<1x8x128xf32, #tpu.memory_space<vmem>> -> memref<8x128xf32, #tpu.memory_space<vmem>>
        %dma_wait3A_569 = arith.constant 0 : i32
        %dma_wait3A_570 = tpu.memref_slice %dma_wait3A_568[%dma_wait3A_564, %dma_wait3A_569] : memref<8x128xf32, #tpu.memory_space<vmem>> -> memref<1x128xf32, #tpu.memory_space<vmem>>
        %dma_wait3A_571 = tpu.memref_squeeze %dma_wait3A_570 : memref<1x128xf32, #tpu.memory_space<vmem>> -> memref<128xf32, #tpu.memory_space<vmem>>
        %dma_wait3A_572 = arith.constant 0 : i32
        %dma_wait3A_573 = tpu.memref_slice %arg7[%add3A_547, %dma_wait3A_572] : memref<104x128xi32, #tpu.memory_space<vmem>> -> memref<1x128xi32, #tpu.memory_space<vmem>>
        %dma_wait3A_574 = tpu.memref_squeeze %dma_wait3A_573 : memref<1x128xi32, #tpu.memory_space<vmem>> -> memref<128xi32, #tpu.memory_space<vmem>>
        %dma_wait3A_575 = arith.constant 0 : i32
        %dma_wait3A_576 = tpu.memref_slice %arg4[%dma_wait3A_575] : memref<2600000xf32, #tpu.memory_space<hbm>> -> memref<2600000xf32, #tpu.memory_space<hbm>>
        tpu.wait_indirect_dma semaphore(%arg11 : memref<!tpu.dma_semaphore, #tpu.memory_space<semaphore_mem>>) src(%dma_wait3A_576 : memref<2600000xf32, #tpu.memory_space<hbm>>) dst(%dma_wait3A_571 : memref<128xf32, #tpu.memory_space<vmem>>)
        %mul3A_577 = arith.constant 8 : i32
        %mul3A_578 = arith.muli %scan3A_338, %mul3A_577 : i32
        %add3A_579 = arith.constant 6 : i32
        %add3A_580 = arith.addi %mul3A_578, %add3A_579 : i32
        %dma_wait3A_581 = arith.constant 6 : i32
        %dma_wait3A_582 = arith.constant 0 : i32
        %dma_wait3A_583 = arith.constant 0 : i32
        %dma_wait3A_584 = arith.constant 0 : i32
        %dma_wait3A_585 = tpu.memref_slice %arg8[%scan3A_268, %dma_wait3A_582, %dma_wait3A_583, %dma_wait3A_584] : memref<2x8x128x16xf32, #tpu.memory_space<vmem>> -> memref<1x8x128x16xf32, #tpu.memory_space<vmem>>
        %dma_wait3A_586 = tpu.memref_squeeze %dma_wait3A_585 : memref<1x8x128x16xf32, #tpu.memory_space<vmem>> -> memref<8x128x16xf32, #tpu.memory_space<vmem>>
        %dma_wait3A_587 = arith.constant 0 : i32
        %dma_wait3A_588 = arith.constant 0 : i32
        %dma_wait3A_589 = tpu.memref_slice %dma_wait3A_586[%dma_wait3A_581, %dma_wait3A_587, %dma_wait3A_588] : memref<8x128x16xf32, #tpu.memory_space<vmem>> -> memref<1x128x16xf32, #tpu.memory_space<vmem>>
        %dma_wait3A_590 = tpu.memref_squeeze %dma_wait3A_589 : memref<1x128x16xf32, #tpu.memory_space<vmem>> -> memref<128x16xf32, #tpu.memory_space<vmem>>
        %dma_wait3A_591 = arith.constant 0 : i32
        %dma_wait3A_592 = tpu.memref_slice %arg7[%add3A_580, %dma_wait3A_591] : memref<104x128xi32, #tpu.memory_space<vmem>> -> memref<1x128xi32, #tpu.memory_space<vmem>>
        %dma_wait3A_593 = tpu.memref_squeeze %dma_wait3A_592 : memref<1x128xi32, #tpu.memory_space<vmem>> -> memref<128xi32, #tpu.memory_space<vmem>>
        %dma_wait3A_594 = arith.constant 0 : i32
        %dma_wait3A_595 = arith.constant 0 : i32
        %dma_wait3A_596 = tpu.memref_slice %arg3[%dma_wait3A_594, %dma_wait3A_595] : memref<2600000x16xf32, #tpu.memory_space<hbm>> -> memref<2600000x16xf32, #tpu.memory_space<hbm>>
        tpu.wait_indirect_dma semaphore(%arg10 : memref<!tpu.dma_semaphore, #tpu.memory_space<semaphore_mem>>) src(%dma_wait3A_596 : memref<2600000x16xf32, #tpu.memory_space<hbm>>) dst(%dma_wait3A_590 : memref<128x16xf32, #tpu.memory_space<vmem>>)
        %dma_wait3A_597 = arith.constant 6 : i32
        %dma_wait3A_598 = arith.constant 0 : i32
        %dma_wait3A_599 = arith.constant 0 : i32
        %dma_wait3A_600 = tpu.memref_slice %arg9[%scan3A_269, %dma_wait3A_598, %dma_wait3A_599] : memref<2x8x128xf32, #tpu.memory_space<vmem>> -> memref<1x8x128xf32, #tpu.memory_space<vmem>>
        %dma_wait3A_601 = tpu.memref_squeeze %dma_wait3A_600 : memref<1x8x128xf32, #tpu.memory_space<vmem>> -> memref<8x128xf32, #tpu.memory_space<vmem>>
        %dma_wait3A_602 = arith.constant 0 : i32
        %dma_wait3A_603 = tpu.memref_slice %dma_wait3A_601[%dma_wait3A_597, %dma_wait3A_602] : memref<8x128xf32, #tpu.memory_space<vmem>> -> memref<1x128xf32, #tpu.memory_space<vmem>>
        %dma_wait3A_604 = tpu.memref_squeeze %dma_wait3A_603 : memref<1x128xf32, #tpu.memory_space<vmem>> -> memref<128xf32, #tpu.memory_space<vmem>>
        %dma_wait3A_605 = arith.constant 0 : i32
        %dma_wait3A_606 = tpu.memref_slice %arg7[%add3A_580, %dma_wait3A_605] : memref<104x128xi32, #tpu.memory_space<vmem>> -> memref<1x128xi32, #tpu.memory_space<vmem>>
        %dma_wait3A_607 = tpu.memref_squeeze %dma_wait3A_606 : memref<1x128xi32, #tpu.memory_space<vmem>> -> memref<128xi32, #tpu.memory_space<vmem>>
        %dma_wait3A_608 = arith.constant 0 : i32
        %dma_wait3A_609 = tpu.memref_slice %arg4[%dma_wait3A_608] : memref<2600000xf32, #tpu.memory_space<hbm>> -> memref<2600000xf32, #tpu.memory_space<hbm>>
        tpu.wait_indirect_dma semaphore(%arg11 : memref<!tpu.dma_semaphore, #tpu.memory_space<semaphore_mem>>) src(%dma_wait3A_609 : memref<2600000xf32, #tpu.memory_space<hbm>>) dst(%dma_wait3A_604 : memref<128xf32, #tpu.memory_space<vmem>>)
        %mul3A_610 = arith.constant 8 : i32
        %mul3A_611 = arith.muli %scan3A_338, %mul3A_610 : i32
        %add3A_612 = arith.constant 7 : i32
        %add3A_613 = arith.addi %mul3A_611, %add3A_612 : i32
        %dma_wait3A_614 = arith.constant 7 : i32
        %dma_wait3A_615 = arith.constant 0 : i32
        %dma_wait3A_616 = arith.constant 0 : i32
        %dma_wait3A_617 = arith.constant 0 : i32
        %dma_wait3A_618 = tpu.memref_slice %arg8[%scan3A_268, %dma_wait3A_615, %dma_wait3A_616, %dma_wait3A_617] : memref<2x8x128x16xf32, #tpu.memory_space<vmem>> -> memref<1x8x128x16xf32, #tpu.memory_space<vmem>>
        %dma_wait3A_619 = tpu.memref_squeeze %dma_wait3A_618 : memref<1x8x128x16xf32, #tpu.memory_space<vmem>> -> memref<8x128x16xf32, #tpu.memory_space<vmem>>
        %dma_wait3A_620 = arith.constant 0 : i32
        %dma_wait3A_621 = arith.constant 0 : i32
        %dma_wait3A_622 = tpu.memref_slice %dma_wait3A_619[%dma_wait3A_614, %dma_wait3A_620, %dma_wait3A_621] : memref<8x128x16xf32, #tpu.memory_space<vmem>> -> memref<1x128x16xf32, #tpu.memory_space<vmem>>
        %dma_wait3A_623 = tpu.memref_squeeze %dma_wait3A_622 : memref<1x128x16xf32, #tpu.memory_space<vmem>> -> memref<128x16xf32, #tpu.memory_space<vmem>>
        %dma_wait3A_624 = arith.constant 0 : i32
        %dma_wait3A_625 = tpu.memref_slice %arg7[%add3A_613, %dma_wait3A_624] : memref<104x128xi32, #tpu.memory_space<vmem>> -> memref<1x128xi32, #tpu.memory_space<vmem>>
        %dma_wait3A_626 = tpu.memref_squeeze %dma_wait3A_625 : memref<1x128xi32, #tpu.memory_space<vmem>> -> memref<128xi32, #tpu.memory_space<vmem>>
        %dma_wait3A_627 = arith.constant 0 : i32
        %dma_wait3A_628 = arith.constant 0 : i32
        %dma_wait3A_629 = tpu.memref_slice %arg3[%dma_wait3A_627, %dma_wait3A_628] : memref<2600000x16xf32, #tpu.memory_space<hbm>> -> memref<2600000x16xf32, #tpu.memory_space<hbm>>
        tpu.wait_indirect_dma semaphore(%arg10 : memref<!tpu.dma_semaphore, #tpu.memory_space<semaphore_mem>>) src(%dma_wait3A_629 : memref<2600000x16xf32, #tpu.memory_space<hbm>>) dst(%dma_wait3A_623 : memref<128x16xf32, #tpu.memory_space<vmem>>)
        %dma_wait3A_630 = arith.constant 7 : i32
        %dma_wait3A_631 = arith.constant 0 : i32
        %dma_wait3A_632 = arith.constant 0 : i32
        %dma_wait3A_633 = tpu.memref_slice %arg9[%scan3A_269, %dma_wait3A_631, %dma_wait3A_632] : memref<2x8x128xf32, #tpu.memory_space<vmem>> -> memref<1x8x128xf32, #tpu.memory_space<vmem>>
        %dma_wait3A_634 = tpu.memref_squeeze %dma_wait3A_633 : memref<1x8x128xf32, #tpu.memory_space<vmem>> -> memref<8x128xf32, #tpu.memory_space<vmem>>
        %dma_wait3A_635 = arith.constant 0 : i32
        %dma_wait3A_636 = tpu.memref_slice %dma_wait3A_634[%dma_wait3A_630, %dma_wait3A_635] : memref<8x128xf32, #tpu.memory_space<vmem>> -> memref<1x128xf32, #tpu.memory_space<vmem>>
        %dma_wait3A_637 = tpu.memref_squeeze %dma_wait3A_636 : memref<1x128xf32, #tpu.memory_space<vmem>> -> memref<128xf32, #tpu.memory_space<vmem>>
        %dma_wait3A_638 = arith.constant 0 : i32
        %dma_wait3A_639 = tpu.memref_slice %arg7[%add3A_613, %dma_wait3A_638] : memref<104x128xi32, #tpu.memory_space<vmem>> -> memref<1x128xi32, #tpu.memory_space<vmem>>
        %dma_wait3A_640 = tpu.memref_squeeze %dma_wait3A_639 : memref<1x128xi32, #tpu.memory_space<vmem>> -> memref<128xi32, #tpu.memory_space<vmem>>
        %dma_wait3A_641 = arith.constant 0 : i32
        %dma_wait3A_642 = tpu.memref_slice %arg4[%dma_wait3A_641] : memref<2600000xf32, #tpu.memory_space<hbm>> -> memref<2600000xf32, #tpu.memory_space<hbm>>
        tpu.wait_indirect_dma semaphore(%arg11 : memref<!tpu.dma_semaphore, #tpu.memory_space<semaphore_mem>>) src(%dma_wait3A_642 : memref<2600000xf32, #tpu.memory_space<hbm>>) dst(%dma_wait3A_637 : memref<128xf32, #tpu.memory_space<vmem>>)
        %mul3A_643 = arith.constant 8 : i32
        %mul3A_644 = arith.muli %scan3A_338, %mul3A_643 : i32
        %add3A_645 = arith.addi %mul3A_2, %mul3A_644 : i32
        %dma_start3A_646 = arith.constant 0 : i32
        %dma_start3A_647 = arith.constant 0 : i32
        %dma_start3A_648 = arith.constant 0 : i32
        %dma_start3A_649 = tpu.memref_slice %arg8[%scan3A_268, %dma_start3A_646, %dma_start3A_647, %dma_start3A_648] : memref<2x8x128x16xf32, #tpu.memory_space<vmem>> -> memref<1x8x128x16xf32, #tpu.memory_space<vmem>>
        %dma_start3A_650 = tpu.memref_squeeze %dma_start3A_649 : memref<1x8x128x16xf32, #tpu.memory_space<vmem>> -> memref<8x128x16xf32, #tpu.memory_space<vmem>>
        %dma_start3A_651 = arith.constant 0 : i32
        %dma_start3A_652 = arith.constant 0 : i32
        %dma_start3A_653 = tpu.memref_slice %arg5[%add3A_645, %dma_start3A_651, %dma_start3A_652] : memref<3328x128x16xf32, #tpu.memory_space<hbm>> -> memref<8x128x16xf32, #tpu.memory_space<hbm>>
        %dma_start3A_654 = arith.constant 0 : i32
        %dma_start3A_655 = arith.constant 0 : i32
        %dma_start3A_656 = tpu.memref_slice %arg5[%add3A_645, %dma_start3A_654, %dma_start3A_655] : memref<3328x128x16xf32, #tpu.memory_space<hbm>> -> memref<8x128x16xf32, #tpu.memory_space<hbm>>
        %dma_start3A_657 = arith.constant 0 : i32
        %dma_start3A_658 = arith.constant 0 : i32
        %dma_start3A_659 = arith.constant 0 : i32
        %dma_start3A_660 = tpu.memref_slice %arg8[%scan3A_268, %dma_start3A_657, %dma_start3A_658, %dma_start3A_659] : memref<2x8x128x16xf32, #tpu.memory_space<vmem>> -> memref<1x8x128x16xf32, #tpu.memory_space<vmem>>
        %dma_start3A_661 = tpu.memref_squeeze %dma_start3A_660 : memref<1x8x128x16xf32, #tpu.memory_space<vmem>> -> memref<8x128x16xf32, #tpu.memory_space<vmem>>
        tpu.enqueue_dma source(%dma_start3A_661 : memref<8x128x16xf32, #tpu.memory_space<vmem>>) target(%dma_start3A_656 : memref<8x128x16xf32, #tpu.memory_space<hbm>>) target_semaphore(%arg12 : memref<!tpu.dma_semaphore, #tpu.memory_space<semaphore_mem>>)
        %dma_start3A_662 = arith.constant 0 : i32
        %dma_start3A_663 = arith.constant 0 : i32
        %dma_start3A_664 = tpu.memref_slice %arg9[%scan3A_269, %dma_start3A_662, %dma_start3A_663] : memref<2x8x128xf32, #tpu.memory_space<vmem>> -> memref<1x8x128xf32, #tpu.memory_space<vmem>>
        %dma_start3A_665 = tpu.memref_squeeze %dma_start3A_664 : memref<1x8x128xf32, #tpu.memory_space<vmem>> -> memref<8x128xf32, #tpu.memory_space<vmem>>
        %dma_start3A_666 = arith.constant 0 : i32
        %dma_start3A_667 = tpu.memref_slice %arg6[%add3A_645, %dma_start3A_666] : memref<3328x128xf32, #tpu.memory_space<hbm>> -> memref<8x128xf32, #tpu.memory_space<hbm>>
        %dma_start3A_668 = arith.constant 0 : i32
        %dma_start3A_669 = tpu.memref_slice %arg6[%add3A_645, %dma_start3A_668] : memref<3328x128xf32, #tpu.memory_space<hbm>> -> memref<8x128xf32, #tpu.memory_space<hbm>>
        %dma_start3A_670 = arith.constant 0 : i32
        %dma_start3A_671 = arith.constant 0 : i32
        %dma_start3A_672 = tpu.memref_slice %arg9[%scan3A_269, %dma_start3A_670, %dma_start3A_671] : memref<2x8x128xf32, #tpu.memory_space<vmem>> -> memref<1x8x128xf32, #tpu.memory_space<vmem>>
        %dma_start3A_673 = tpu.memref_squeeze %dma_start3A_672 : memref<1x8x128xf32, #tpu.memory_space<vmem>> -> memref<8x128xf32, #tpu.memory_space<vmem>>
        tpu.enqueue_dma source(%dma_start3A_673 : memref<8x128xf32, #tpu.memory_space<vmem>>) target(%dma_start3A_669 : memref<8x128xf32, #tpu.memory_space<hbm>>) target_semaphore(%arg13 : memref<!tpu.dma_semaphore, #tpu.memory_space<semaphore_mem>>)
      } else {
      }
      %jit3A_351 = arith.constant 2 : i32
      %eq3A_352 = arith.constant 0 : i32
      %eq3A_353 = arith.cmpi eq, %jit3A_351, %eq3A_352 : i32
      %jit3A_354 = arith.constant 1 : i32
      %select_n3A_355 = arith.select %eq3A_353, %jit3A_354, %jit3A_351 : i32
      %rem3A_356 = arith.remsi %scan3A_338, %select_n3A_355 : i32
      %ne3A_357 = arith.constant 0 : i32
      %ne3A_358 = arith.cmpi ne, %rem3A_356, %ne3A_357 : i32
      %lt3A_359 = arith.constant 0 : i32
      %lt3A_360 = arith.cmpi slt, %rem3A_356, %lt3A_359 : i32
      %lt3A_361 = arith.constant 0 : i32
      %lt3A_362 = arith.cmpi slt, %select_n3A_355, %lt3A_361 : i32
      %ne3A_363 = arith.xori %lt3A_360, %lt3A_362 : i1
      %and3A_364 = arith.andi %ne3A_363, %ne3A_358 : i1
      %add3A_365 = arith.addi %rem3A_356, %select_n3A_355 : i32
      %select_n3A_366 = arith.select %and3A_364, %add3A_365, %rem3A_356 : i32
      %eq3A_367 = arith.constant 1 : i32
      %eq3A_368 = arith.cmpi eq, %select_n3A_366, %eq3A_367 : i32
      %convert_element_type3A_369 = arith.extui %eq3A_368 : i1 to i32
      %cond3A_370 = arith.constant 0 : i32
      %cond3A_371 = arith.cmpi ne, %convert_element_type3A_369, %cond3A_370 : i32
      scf.if %cond3A_371 {
        %add3A_372 = arith.constant 1 : i32
        %add3A_373 = arith.addi %scan3A_338, %add3A_372 : i32
        %lt3A_374 = arith.constant 13 : i32
        %lt3A_375 = arith.cmpi slt, %add3A_373, %lt3A_374 : i32
        %convert_element_type3A_376 = arith.extui %lt3A_375 : i1 to i32
        %cond3A_377 = arith.constant 0 : i32
        %cond3A_378 = arith.cmpi ne, %convert_element_type3A_376, %cond3A_377 : i32
        scf.if %cond3A_378 {
          %ge3A = arith.constant 1 : i32
          %ge3A_674 = arith.cmpi sge, %scan3A_338, %ge3A : i32
          %convert_element_type3A_675 = arith.extui %ge3A_674 : i1 to i32
          %cond3A_676 = arith.constant 0 : i32
          %cond3A_677 = arith.cmpi ne, %convert_element_type3A_675, %cond3A_676 : i32
          scf.if %cond3A_677 {
            %sub3A = arith.constant 1 : i32
            %sub3A_944 = arith.subi %scan3A_338, %sub3A : i32
            %mul3A_945 = arith.constant 8 : i32
            %mul3A_946 = arith.muli %sub3A_944, %mul3A_945 : i32
            %add3A_947 = arith.addi %mul3A_2, %mul3A_946 : i32
            %dma_wait3A_948 = arith.constant 0 : i32
            %dma_wait3A_949 = arith.constant 0 : i32
            %dma_wait3A_950 = arith.constant 0 : i32
            %dma_wait3A_951 = tpu.memref_slice %arg8[%scan3A_268, %dma_wait3A_948, %dma_wait3A_949, %dma_wait3A_950] : memref<2x8x128x16xf32, #tpu.memory_space<vmem>> -> memref<1x8x128x16xf32, #tpu.memory_space<vmem>>
            %dma_wait3A_952 = tpu.memref_squeeze %dma_wait3A_951 : memref<1x8x128x16xf32, #tpu.memory_space<vmem>> -> memref<8x128x16xf32, #tpu.memory_space<vmem>>
            %dma_wait3A_953 = arith.constant 0 : i32
            %dma_wait3A_954 = arith.constant 0 : i32
            %dma_wait3A_955 = tpu.memref_slice %arg5[%add3A_947, %dma_wait3A_953, %dma_wait3A_954] : memref<3328x128x16xf32, #tpu.memory_space<hbm>> -> memref<8x128x16xf32, #tpu.memory_space<hbm>>
            %dma_wait3A_956 = arith.constant 0 : i32
            %dma_wait3A_957 = arith.constant 0 : i32
            %dma_wait3A_958 = tpu.memref_slice %arg5[%add3A_947, %dma_wait3A_956, %dma_wait3A_957] : memref<3328x128x16xf32, #tpu.memory_space<hbm>> -> memref<8x128x16xf32, #tpu.memory_space<hbm>>
            %dma_wait3A_959 = arith.constant 0 : i32
            %dma_wait3A_960 = arith.constant 0 : i32
            %dma_wait3A_961 = arith.constant 0 : i32
            %dma_wait3A_962 = tpu.memref_slice %arg8[%scan3A_268, %dma_wait3A_959, %dma_wait3A_960, %dma_wait3A_961] : memref<2x8x128x16xf32, #tpu.memory_space<vmem>> -> memref<1x8x128x16xf32, #tpu.memory_space<vmem>>
            %dma_wait3A_963 = tpu.memref_squeeze %dma_wait3A_962 : memref<1x8x128x16xf32, #tpu.memory_space<vmem>> -> memref<8x128x16xf32, #tpu.memory_space<vmem>>
            tpu.wait_dma2 semaphore(%arg12 : memref<!tpu.dma_semaphore, #tpu.memory_space<semaphore_mem>>) src(%dma_wait3A_963 : memref<8x128x16xf32, #tpu.memory_space<vmem>>) dst(%dma_wait3A_958 : memref<8x128x16xf32, #tpu.memory_space<hbm>>)
            %dma_wait3A_964 = arith.constant 0 : i32
            %dma_wait3A_965 = arith.constant 0 : i32
            %dma_wait3A_966 = tpu.memref_slice %arg9[%scan3A_269, %dma_wait3A_964, %dma_wait3A_965] : memref<2x8x128xf32, #tpu.memory_space<vmem>> -> memref<1x8x128xf32, #tpu.memory_space<vmem>>
            %dma_wait3A_967 = tpu.memref_squeeze %dma_wait3A_966 : memref<1x8x128xf32, #tpu.memory_space<vmem>> -> memref<8x128xf32, #tpu.memory_space<vmem>>
            %dma_wait3A_968 = arith.constant 0 : i32
            %dma_wait3A_969 = tpu.memref_slice %arg6[%add3A_947, %dma_wait3A_968] : memref<3328x128xf32, #tpu.memory_space<hbm>> -> memref<8x128xf32, #tpu.memory_space<hbm>>
            %dma_wait3A_970 = arith.constant 0 : i32
            %dma_wait3A_971 = tpu.memref_slice %arg6[%add3A_947, %dma_wait3A_970] : memref<3328x128xf32, #tpu.memory_space<hbm>> -> memref<8x128xf32, #tpu.memory_space<hbm>>
            %dma_wait3A_972 = arith.constant 0 : i32
            %dma_wait3A_973 = arith.constant 0 : i32
            %dma_wait3A_974 = tpu.memref_slice %arg9[%scan3A_269, %dma_wait3A_972, %dma_wait3A_973] : memref<2x8x128xf32, #tpu.memory_space<vmem>> -> memref<1x8x128xf32, #tpu.memory_space<vmem>>
            %dma_wait3A_975 = tpu.memref_squeeze %dma_wait3A_974 : memref<1x8x128xf32, #tpu.memory_space<vmem>> -> memref<8x128xf32, #tpu.memory_space<vmem>>
            tpu.wait_dma2 semaphore(%arg13 : memref<!tpu.dma_semaphore, #tpu.memory_space<semaphore_mem>>) src(%dma_wait3A_975 : memref<8x128xf32, #tpu.memory_space<vmem>>) dst(%dma_wait3A_971 : memref<8x128xf32, #tpu.memory_space<hbm>>)
          } else {
          }
          %add3A_678 = arith.constant 1 : i32
          %add3A_679 = arith.addi %scan3A_338, %add3A_678 : i32
          %mul3A_680 = arith.constant 8 : i32
          %mul3A_681 = arith.muli %add3A_679, %mul3A_680 : i32
          %add3A_682 = arith.constant 0 : i32
          %add3A_683 = arith.addi %mul3A_681, %add3A_682 : i32
          %dma_start3A_684 = arith.constant 0 : i32
          %dma_start3A_685 = arith.constant 0 : i32
          %dma_start3A_686 = arith.constant 0 : i32
          %dma_start3A_687 = arith.constant 0 : i32
          %dma_start3A_688 = tpu.memref_slice %arg8[%scan3A_268, %dma_start3A_685, %dma_start3A_686, %dma_start3A_687] : memref<2x8x128x16xf32, #tpu.memory_space<vmem>> -> memref<1x8x128x16xf32, #tpu.memory_space<vmem>>
          %dma_start3A_689 = tpu.memref_squeeze %dma_start3A_688 : memref<1x8x128x16xf32, #tpu.memory_space<vmem>> -> memref<8x128x16xf32, #tpu.memory_space<vmem>>
          %dma_start3A_690 = arith.constant 0 : i32
          %dma_start3A_691 = arith.constant 0 : i32
          %dma_start3A_692 = tpu.memref_slice %dma_start3A_689[%dma_start3A_684, %dma_start3A_690, %dma_start3A_691] : memref<8x128x16xf32, #tpu.memory_space<vmem>> -> memref<1x128x16xf32, #tpu.memory_space<vmem>>
          %dma_start3A_693 = tpu.memref_squeeze %dma_start3A_692 : memref<1x128x16xf32, #tpu.memory_space<vmem>> -> memref<128x16xf32, #tpu.memory_space<vmem>>
          %dma_start3A_694 = arith.constant 0 : i32
          %dma_start3A_695 = tpu.memref_slice %arg7[%add3A_683, %dma_start3A_694] : memref<104x128xi32, #tpu.memory_space<vmem>> -> memref<1x128xi32, #tpu.memory_space<vmem>>
          %dma_start3A_696 = tpu.memref_squeeze %dma_start3A_695 : memref<1x128xi32, #tpu.memory_space<vmem>> -> memref<128xi32, #tpu.memory_space<vmem>>
          %dma_start3A_697 = arith.constant 0 : i32
          %dma_start3A_698 = arith.constant 0 : i32
          %dma_start3A_699 = tpu.memref_slice %arg3[%dma_start3A_697, %dma_start3A_698] : memref<2600000x16xf32, #tpu.memory_space<hbm>> -> memref<2600000x16xf32, #tpu.memory_space<hbm>>
          tpu.enqueue_indirect_dma source(%dma_start3A_699 : memref<2600000x16xf32, #tpu.memory_space<hbm>>) target(%dma_start3A_693 : memref<128x16xf32, #tpu.memory_space<vmem>>) offsets(%dma_start3A_696 : memref<128xi32, #tpu.memory_space<vmem>>) semaphore(%arg10 : memref<!tpu.dma_semaphore, #tpu.memory_space<semaphore_mem>>)
          %dma_start3A_700 = arith.constant 0 : i32
          %dma_start3A_701 = arith.constant 0 : i32
          %dma_start3A_702 = arith.constant 0 : i32
          %dma_start3A_703 = tpu.memref_slice %arg9[%scan3A_269, %dma_start3A_701, %dma_start3A_702] : memref<2x8x128xf32, #tpu.memory_space<vmem>> -> memref<1x8x128xf32, #tpu.memory_space<vmem>>
          %dma_start3A_704 = tpu.memref_squeeze %dma_start3A_703 : memref<1x8x128xf32, #tpu.memory_space<vmem>> -> memref<8x128xf32, #tpu.memory_space<vmem>>
          %dma_start3A_705 = arith.constant 0 : i32
          %dma_start3A_706 = tpu.memref_slice %dma_start3A_704[%dma_start3A_700, %dma_start3A_705] : memref<8x128xf32, #tpu.memory_space<vmem>> -> memref<1x128xf32, #tpu.memory_space<vmem>>
          %dma_start3A_707 = tpu.memref_squeeze %dma_start3A_706 : memref<1x128xf32, #tpu.memory_space<vmem>> -> memref<128xf32, #tpu.memory_space<vmem>>
          %dma_start3A_708 = arith.constant 0 : i32
          %dma_start3A_709 = tpu.memref_slice %arg7[%add3A_683, %dma_start3A_708] : memref<104x128xi32, #tpu.memory_space<vmem>> -> memref<1x128xi32, #tpu.memory_space<vmem>>
          %dma_start3A_710 = tpu.memref_squeeze %dma_start3A_709 : memref<1x128xi32, #tpu.memory_space<vmem>> -> memref<128xi32, #tpu.memory_space<vmem>>
          %dma_start3A_711 = arith.constant 0 : i32
          %dma_start3A_712 = tpu.memref_slice %arg4[%dma_start3A_711] : memref<2600000xf32, #tpu.memory_space<hbm>> -> memref<2600000xf32, #tpu.memory_space<hbm>>
          tpu.enqueue_indirect_dma source(%dma_start3A_712 : memref<2600000xf32, #tpu.memory_space<hbm>>) target(%dma_start3A_707 : memref<128xf32, #tpu.memory_space<vmem>>) offsets(%dma_start3A_710 : memref<128xi32, #tpu.memory_space<vmem>>) semaphore(%arg11 : memref<!tpu.dma_semaphore, #tpu.memory_space<semaphore_mem>>)
          %mul3A_713 = arith.constant 8 : i32
          %mul3A_714 = arith.muli %add3A_679, %mul3A_713 : i32
          %add3A_715 = arith.constant 1 : i32
          %add3A_716 = arith.addi %mul3A_714, %add3A_715 : i32
          %dma_start3A_717 = arith.constant 1 : i32
          %dma_start3A_718 = arith.constant 0 : i32
          %dma_start3A_719 = arith.constant 0 : i32
          %dma_start3A_720 = arith.constant 0 : i32
          %dma_start3A_721 = tpu.memref_slice %arg8[%scan3A_268, %dma_start3A_718, %dma_start3A_719, %dma_start3A_720] : memref<2x8x128x16xf32, #tpu.memory_space<vmem>> -> memref<1x8x128x16xf32, #tpu.memory_space<vmem>>
          %dma_start3A_722 = tpu.memref_squeeze %dma_start3A_721 : memref<1x8x128x16xf32, #tpu.memory_space<vmem>> -> memref<8x128x16xf32, #tpu.memory_space<vmem>>
          %dma_start3A_723 = arith.constant 0 : i32
          %dma_start3A_724 = arith.constant 0 : i32
          %dma_start3A_725 = tpu.memref_slice %dma_start3A_722[%dma_start3A_717, %dma_start3A_723, %dma_start3A_724] : memref<8x128x16xf32, #tpu.memory_space<vmem>> -> memref<1x128x16xf32, #tpu.memory_space<vmem>>
          %dma_start3A_726 = tpu.memref_squeeze %dma_start3A_725 : memref<1x128x16xf32, #tpu.memory_space<vmem>> -> memref<128x16xf32, #tpu.memory_space<vmem>>
          %dma_start3A_727 = arith.constant 0 : i32
          %dma_start3A_728 = tpu.memref_slice %arg7[%add3A_716, %dma_start3A_727] : memref<104x128xi32, #tpu.memory_space<vmem>> -> memref<1x128xi32, #tpu.memory_space<vmem>>
          %dma_start3A_729 = tpu.memref_squeeze %dma_start3A_728 : memref<1x128xi32, #tpu.memory_space<vmem>> -> memref<128xi32, #tpu.memory_space<vmem>>
          %dma_start3A_730 = arith.constant 0 : i32
          %dma_start3A_731 = arith.constant 0 : i32
          %dma_start3A_732 = tpu.memref_slice %arg3[%dma_start3A_730, %dma_start3A_731] : memref<2600000x16xf32, #tpu.memory_space<hbm>> -> memref<2600000x16xf32, #tpu.memory_space<hbm>>
          tpu.enqueue_indirect_dma source(%dma_start3A_732 : memref<2600000x16xf32, #tpu.memory_space<hbm>>) target(%dma_start3A_726 : memref<128x16xf32, #tpu.memory_space<vmem>>) offsets(%dma_start3A_729 : memref<128xi32, #tpu.memory_space<vmem>>) semaphore(%arg10 : memref<!tpu.dma_semaphore, #tpu.memory_space<semaphore_mem>>)
          %dma_start3A_733 = arith.constant 1 : i32
          %dma_start3A_734 = arith.constant 0 : i32
          %dma_start3A_735 = arith.constant 0 : i32
          %dma_start3A_736 = tpu.memref_slice %arg9[%scan3A_269, %dma_start3A_734, %dma_start3A_735] : memref<2x8x128xf32, #tpu.memory_space<vmem>> -> memref<1x8x128xf32, #tpu.memory_space<vmem>>
          %dma_start3A_737 = tpu.memref_squeeze %dma_start3A_736 : memref<1x8x128xf32, #tpu.memory_space<vmem>> -> memref<8x128xf32, #tpu.memory_space<vmem>>
          %dma_start3A_738 = arith.constant 0 : i32
          %dma_start3A_739 = tpu.memref_slice %dma_start3A_737[%dma_start3A_733, %dma_start3A_738] : memref<8x128xf32, #tpu.memory_space<vmem>> -> memref<1x128xf32, #tpu.memory_space<vmem>>
          %dma_start3A_740 = tpu.memref_squeeze %dma_start3A_739 : memref<1x128xf32, #tpu.memory_space<vmem>> -> memref<128xf32, #tpu.memory_space<vmem>>
          %dma_start3A_741 = arith.constant 0 : i32
          %dma_start3A_742 = tpu.memref_slice %arg7[%add3A_716, %dma_start3A_741] : memref<104x128xi32, #tpu.memory_space<vmem>> -> memref<1x128xi32, #tpu.memory_space<vmem>>
          %dma_start3A_743 = tpu.memref_squeeze %dma_start3A_742 : memref<1x128xi32, #tpu.memory_space<vmem>> -> memref<128xi32, #tpu.memory_space<vmem>>
          %dma_start3A_744 = arith.constant 0 : i32
          %dma_start3A_745 = tpu.memref_slice %arg4[%dma_start3A_744] : memref<2600000xf32, #tpu.memory_space<hbm>> -> memref<2600000xf32, #tpu.memory_space<hbm>>
          tpu.enqueue_indirect_dma source(%dma_start3A_745 : memref<2600000xf32, #tpu.memory_space<hbm>>) target(%dma_start3A_740 : memref<128xf32, #tpu.memory_space<vmem>>) offsets(%dma_start3A_743 : memref<128xi32, #tpu.memory_space<vmem>>) semaphore(%arg11 : memref<!tpu.dma_semaphore, #tpu.memory_space<semaphore_mem>>)
          %mul3A_746 = arith.constant 8 : i32
          %mul3A_747 = arith.muli %add3A_679, %mul3A_746 : i32
          %add3A_748 = arith.constant 2 : i32
          %add3A_749 = arith.addi %mul3A_747, %add3A_748 : i32
          %dma_start3A_750 = arith.constant 2 : i32
          %dma_start3A_751 = arith.constant 0 : i32
          %dma_start3A_752 = arith.constant 0 : i32
          %dma_start3A_753 = arith.constant 0 : i32
          %dma_start3A_754 = tpu.memref_slice %arg8[%scan3A_268, %dma_start3A_751, %dma_start3A_752, %dma_start3A_753] : memref<2x8x128x16xf32, #tpu.memory_space<vmem>> -> memref<1x8x128x16xf32, #tpu.memory_space<vmem>>
          %dma_start3A_755 = tpu.memref_squeeze %dma_start3A_754 : memref<1x8x128x16xf32, #tpu.memory_space<vmem>> -> memref<8x128x16xf32, #tpu.memory_space<vmem>>
          %dma_start3A_756 = arith.constant 0 : i32
          %dma_start3A_757 = arith.constant 0 : i32
          %dma_start3A_758 = tpu.memref_slice %dma_start3A_755[%dma_start3A_750, %dma_start3A_756, %dma_start3A_757] : memref<8x128x16xf32, #tpu.memory_space<vmem>> -> memref<1x128x16xf32, #tpu.memory_space<vmem>>
          %dma_start3A_759 = tpu.memref_squeeze %dma_start3A_758 : memref<1x128x16xf32, #tpu.memory_space<vmem>> -> memref<128x16xf32, #tpu.memory_space<vmem>>
          %dma_start3A_760 = arith.constant 0 : i32
          %dma_start3A_761 = tpu.memref_slice %arg7[%add3A_749, %dma_start3A_760] : memref<104x128xi32, #tpu.memory_space<vmem>> -> memref<1x128xi32, #tpu.memory_space<vmem>>
          %dma_start3A_762 = tpu.memref_squeeze %dma_start3A_761 : memref<1x128xi32, #tpu.memory_space<vmem>> -> memref<128xi32, #tpu.memory_space<vmem>>
          %dma_start3A_763 = arith.constant 0 : i32
          %dma_start3A_764 = arith.constant 0 : i32
          %dma_start3A_765 = tpu.memref_slice %arg3[%dma_start3A_763, %dma_start3A_764] : memref<2600000x16xf32, #tpu.memory_space<hbm>> -> memref<2600000x16xf32, #tpu.memory_space<hbm>>
          tpu.enqueue_indirect_dma source(%dma_start3A_765 : memref<2600000x16xf32, #tpu.memory_space<hbm>>) target(%dma_start3A_759 : memref<128x16xf32, #tpu.memory_space<vmem>>) offsets(%dma_start3A_762 : memref<128xi32, #tpu.memory_space<vmem>>) semaphore(%arg10 : memref<!tpu.dma_semaphore, #tpu.memory_space<semaphore_mem>>)
          %dma_start3A_766 = arith.constant 2 : i32
          %dma_start3A_767 = arith.constant 0 : i32
          %dma_start3A_768 = arith.constant 0 : i32
          %dma_start3A_769 = tpu.memref_slice %arg9[%scan3A_269, %dma_start3A_767, %dma_start3A_768] : memref<2x8x128xf32, #tpu.memory_space<vmem>> -> memref<1x8x128xf32, #tpu.memory_space<vmem>>
          %dma_start3A_770 = tpu.memref_squeeze %dma_start3A_769 : memref<1x8x128xf32, #tpu.memory_space<vmem>> -> memref<8x128xf32, #tpu.memory_space<vmem>>
          %dma_start3A_771 = arith.constant 0 : i32
          %dma_start3A_772 = tpu.memref_slice %dma_start3A_770[%dma_start3A_766, %dma_start3A_771] : memref<8x128xf32, #tpu.memory_space<vmem>> -> memref<1x128xf32, #tpu.memory_space<vmem>>
          %dma_start3A_773 = tpu.memref_squeeze %dma_start3A_772 : memref<1x128xf32, #tpu.memory_space<vmem>> -> memref<128xf32, #tpu.memory_space<vmem>>
          %dma_start3A_774 = arith.constant 0 : i32
          %dma_start3A_775 = tpu.memref_slice %arg7[%add3A_749, %dma_start3A_774] : memref<104x128xi32, #tpu.memory_space<vmem>> -> memref<1x128xi32, #tpu.memory_space<vmem>>
          %dma_start3A_776 = tpu.memref_squeeze %dma_start3A_775 : memref<1x128xi32, #tpu.memory_space<vmem>> -> memref<128xi32, #tpu.memory_space<vmem>>
          %dma_start3A_777 = arith.constant 0 : i32
          %dma_start3A_778 = tpu.memref_slice %arg4[%dma_start3A_777] : memref<2600000xf32, #tpu.memory_space<hbm>> -> memref<2600000xf32, #tpu.memory_space<hbm>>
          tpu.enqueue_indirect_dma source(%dma_start3A_778 : memref<2600000xf32, #tpu.memory_space<hbm>>) target(%dma_start3A_773 : memref<128xf32, #tpu.memory_space<vmem>>) offsets(%dma_start3A_776 : memref<128xi32, #tpu.memory_space<vmem>>) semaphore(%arg11 : memref<!tpu.dma_semaphore, #tpu.memory_space<semaphore_mem>>)
          %mul3A_779 = arith.constant 8 : i32
          %mul3A_780 = arith.muli %add3A_679, %mul3A_779 : i32
          %add3A_781 = arith.constant 3 : i32
          %add3A_782 = arith.addi %mul3A_780, %add3A_781 : i32
          %dma_start3A_783 = arith.constant 3 : i32
          %dma_start3A_784 = arith.constant 0 : i32
          %dma_start3A_785 = arith.constant 0 : i32
          %dma_start3A_786 = arith.constant 0 : i32
          %dma_start3A_787 = tpu.memref_slice %arg8[%scan3A_268, %dma_start3A_784, %dma_start3A_785, %dma_start3A_786] : memref<2x8x128x16xf32, #tpu.memory_space<vmem>> -> memref<1x8x128x16xf32, #tpu.memory_space<vmem>>
          %dma_start3A_788 = tpu.memref_squeeze %dma_start3A_787 : memref<1x8x128x16xf32, #tpu.memory_space<vmem>> -> memref<8x128x16xf32, #tpu.memory_space<vmem>>
          %dma_start3A_789 = arith.constant 0 : i32
          %dma_start3A_790 = arith.constant 0 : i32
          %dma_start3A_791 = tpu.memref_slice %dma_start3A_788[%dma_start3A_783, %dma_start3A_789, %dma_start3A_790] : memref<8x128x16xf32, #tpu.memory_space<vmem>> -> memref<1x128x16xf32, #tpu.memory_space<vmem>>
          %dma_start3A_792 = tpu.memref_squeeze %dma_start3A_791 : memref<1x128x16xf32, #tpu.memory_space<vmem>> -> memref<128x16xf32, #tpu.memory_space<vmem>>
          %dma_start3A_793 = arith.constant 0 : i32
          %dma_start3A_794 = tpu.memref_slice %arg7[%add3A_782, %dma_start3A_793] : memref<104x128xi32, #tpu.memory_space<vmem>> -> memref<1x128xi32, #tpu.memory_space<vmem>>
          %dma_start3A_795 = tpu.memref_squeeze %dma_start3A_794 : memref<1x128xi32, #tpu.memory_space<vmem>> -> memref<128xi32, #tpu.memory_space<vmem>>
          %dma_start3A_796 = arith.constant 0 : i32
          %dma_start3A_797 = arith.constant 0 : i32
          %dma_start3A_798 = tpu.memref_slice %arg3[%dma_start3A_796, %dma_start3A_797] : memref<2600000x16xf32, #tpu.memory_space<hbm>> -> memref<2600000x16xf32, #tpu.memory_space<hbm>>
          tpu.enqueue_indirect_dma source(%dma_start3A_798 : memref<2600000x16xf32, #tpu.memory_space<hbm>>) target(%dma_start3A_792 : memref<128x16xf32, #tpu.memory_space<vmem>>) offsets(%dma_start3A_795 : memref<128xi32, #tpu.memory_space<vmem>>) semaphore(%arg10 : memref<!tpu.dma_semaphore, #tpu.memory_space<semaphore_mem>>)
          %dma_start3A_799 = arith.constant 3 : i32
          %dma_start3A_800 = arith.constant 0 : i32
          %dma_start3A_801 = arith.constant 0 : i32
          %dma_start3A_802 = tpu.memref_slice %arg9[%scan3A_269, %dma_start3A_800, %dma_start3A_801] : memref<2x8x128xf32, #tpu.memory_space<vmem>> -> memref<1x8x128xf32, #tpu.memory_space<vmem>>
          %dma_start3A_803 = tpu.memref_squeeze %dma_start3A_802 : memref<1x8x128xf32, #tpu.memory_space<vmem>> -> memref<8x128xf32, #tpu.memory_space<vmem>>
          %dma_start3A_804 = arith.constant 0 : i32
          %dma_start3A_805 = tpu.memref_slice %dma_start3A_803[%dma_start3A_799, %dma_start3A_804] : memref<8x128xf32, #tpu.memory_space<vmem>> -> memref<1x128xf32, #tpu.memory_space<vmem>>
          %dma_start3A_806 = tpu.memref_squeeze %dma_start3A_805 : memref<1x128xf32, #tpu.memory_space<vmem>> -> memref<128xf32, #tpu.memory_space<vmem>>
          %dma_start3A_807 = arith.constant 0 : i32
          %dma_start3A_808 = tpu.memref_slice %arg7[%add3A_782, %dma_start3A_807] : memref<104x128xi32, #tpu.memory_space<vmem>> -> memref<1x128xi32, #tpu.memory_space<vmem>>
          %dma_start3A_809 = tpu.memref_squeeze %dma_start3A_808 : memref<1x128xi32, #tpu.memory_space<vmem>> -> memref<128xi32, #tpu.memory_space<vmem>>
          %dma_start3A_810 = arith.constant 0 : i32
          %dma_start3A_811 = tpu.memref_slice %arg4[%dma_start3A_810] : memref<2600000xf32, #tpu.memory_space<hbm>> -> memref<2600000xf32, #tpu.memory_space<hbm>>
          tpu.enqueue_indirect_dma source(%dma_start3A_811 : memref<2600000xf32, #tpu.memory_space<hbm>>) target(%dma_start3A_806 : memref<128xf32, #tpu.memory_space<vmem>>) offsets(%dma_start3A_809 : memref<128xi32, #tpu.memory_space<vmem>>) semaphore(%arg11 : memref<!tpu.dma_semaphore, #tpu.memory_space<semaphore_mem>>)
          %mul3A_812 = arith.constant 8 : i32
          %mul3A_813 = arith.muli %add3A_679, %mul3A_812 : i32
          %add3A_814 = arith.constant 4 : i32
          %add3A_815 = arith.addi %mul3A_813, %add3A_814 : i32
          %dma_start3A_816 = arith.constant 4 : i32
          %dma_start3A_817 = arith.constant 0 : i32
          %dma_start3A_818 = arith.constant 0 : i32
          %dma_start3A_819 = arith.constant 0 : i32
          %dma_start3A_820 = tpu.memref_slice %arg8[%scan3A_268, %dma_start3A_817, %dma_start3A_818, %dma_start3A_819] : memref<2x8x128x16xf32, #tpu.memory_space<vmem>> -> memref<1x8x128x16xf32, #tpu.memory_space<vmem>>
          %dma_start3A_821 = tpu.memref_squeeze %dma_start3A_820 : memref<1x8x128x16xf32, #tpu.memory_space<vmem>> -> memref<8x128x16xf32, #tpu.memory_space<vmem>>
          %dma_start3A_822 = arith.constant 0 : i32
          %dma_start3A_823 = arith.constant 0 : i32
          %dma_start3A_824 = tpu.memref_slice %dma_start3A_821[%dma_start3A_816, %dma_start3A_822, %dma_start3A_823] : memref<8x128x16xf32, #tpu.memory_space<vmem>> -> memref<1x128x16xf32, #tpu.memory_space<vmem>>
          %dma_start3A_825 = tpu.memref_squeeze %dma_start3A_824 : memref<1x128x16xf32, #tpu.memory_space<vmem>> -> memref<128x16xf32, #tpu.memory_space<vmem>>
          %dma_start3A_826 = arith.constant 0 : i32
          %dma_start3A_827 = tpu.memref_slice %arg7[%add3A_815, %dma_start3A_826] : memref<104x128xi32, #tpu.memory_space<vmem>> -> memref<1x128xi32, #tpu.memory_space<vmem>>
          %dma_start3A_828 = tpu.memref_squeeze %dma_start3A_827 : memref<1x128xi32, #tpu.memory_space<vmem>> -> memref<128xi32, #tpu.memory_space<vmem>>
          %dma_start3A_829 = arith.constant 0 : i32
          %dma_start3A_830 = arith.constant 0 : i32
          %dma_start3A_831 = tpu.memref_slice %arg3[%dma_start3A_829, %dma_start3A_830] : memref<2600000x16xf32, #tpu.memory_space<hbm>> -> memref<2600000x16xf32, #tpu.memory_space<hbm>>
          tpu.enqueue_indirect_dma source(%dma_start3A_831 : memref<2600000x16xf32, #tpu.memory_space<hbm>>) target(%dma_start3A_825 : memref<128x16xf32, #tpu.memory_space<vmem>>) offsets(%dma_start3A_828 : memref<128xi32, #tpu.memory_space<vmem>>) semaphore(%arg10 : memref<!tpu.dma_semaphore, #tpu.memory_space<semaphore_mem>>)
          %dma_start3A_832 = arith.constant 4 : i32
          %dma_start3A_833 = arith.constant 0 : i32
          %dma_start3A_834 = arith.constant 0 : i32
          %dma_start3A_835 = tpu.memref_slice %arg9[%scan3A_269, %dma_start3A_833, %dma_start3A_834] : memref<2x8x128xf32, #tpu.memory_space<vmem>> -> memref<1x8x128xf32, #tpu.memory_space<vmem>>
          %dma_start3A_836 = tpu.memref_squeeze %dma_start3A_835 : memref<1x8x128xf32, #tpu.memory_space<vmem>> -> memref<8x128xf32, #tpu.memory_space<vmem>>
          %dma_start3A_837 = arith.constant 0 : i32
          %dma_start3A_838 = tpu.memref_slice %dma_start3A_836[%dma_start3A_832, %dma_start3A_837] : memref<8x128xf32, #tpu.memory_space<vmem>> -> memref<1x128xf32, #tpu.memory_space<vmem>>
          %dma_start3A_839 = tpu.memref_squeeze %dma_start3A_838 : memref<1x128xf32, #tpu.memory_space<vmem>> -> memref<128xf32, #tpu.memory_space<vmem>>
          %dma_start3A_840 = arith.constant 0 : i32
          %dma_start3A_841 = tpu.memref_slice %arg7[%add3A_815, %dma_start3A_840] : memref<104x128xi32, #tpu.memory_space<vmem>> -> memref<1x128xi32, #tpu.memory_space<vmem>>
          %dma_start3A_842 = tpu.memref_squeeze %dma_start3A_841 : memref<1x128xi32, #tpu.memory_space<vmem>> -> memref<128xi32, #tpu.memory_space<vmem>>
          %dma_start3A_843 = arith.constant 0 : i32
          %dma_start3A_844 = tpu.memref_slice %arg4[%dma_start3A_843] : memref<2600000xf32, #tpu.memory_space<hbm>> -> memref<2600000xf32, #tpu.memory_space<hbm>>
          tpu.enqueue_indirect_dma source(%dma_start3A_844 : memref<2600000xf32, #tpu.memory_space<hbm>>) target(%dma_start3A_839 : memref<128xf32, #tpu.memory_space<vmem>>) offsets(%dma_start3A_842 : memref<128xi32, #tpu.memory_space<vmem>>) semaphore(%arg11 : memref<!tpu.dma_semaphore, #tpu.memory_space<semaphore_mem>>)
          %mul3A_845 = arith.constant 8 : i32
          %mul3A_846 = arith.muli %add3A_679, %mul3A_845 : i32
          %add3A_847 = arith.constant 5 : i32
          %add3A_848 = arith.addi %mul3A_846, %add3A_847 : i32
          %dma_start3A_849 = arith.constant 5 : i32
          %dma_start3A_850 = arith.constant 0 : i32
          %dma_start3A_851 = arith.constant 0 : i32
          %dma_start3A_852 = arith.constant 0 : i32
          %dma_start3A_853 = tpu.memref_slice %arg8[%scan3A_268, %dma_start3A_850, %dma_start3A_851, %dma_start3A_852] : memref<2x8x128x16xf32, #tpu.memory_space<vmem>> -> memref<1x8x128x16xf32, #tpu.memory_space<vmem>>
          %dma_start3A_854 = tpu.memref_squeeze %dma_start3A_853 : memref<1x8x128x16xf32, #tpu.memory_space<vmem>> -> memref<8x128x16xf32, #tpu.memory_space<vmem>>
          %dma_start3A_855 = arith.constant 0 : i32
          %dma_start3A_856 = arith.constant 0 : i32
          %dma_start3A_857 = tpu.memref_slice %dma_start3A_854[%dma_start3A_849, %dma_start3A_855, %dma_start3A_856] : memref<8x128x16xf32, #tpu.memory_space<vmem>> -> memref<1x128x16xf32, #tpu.memory_space<vmem>>
          %dma_start3A_858 = tpu.memref_squeeze %dma_start3A_857 : memref<1x128x16xf32, #tpu.memory_space<vmem>> -> memref<128x16xf32, #tpu.memory_space<vmem>>
          %dma_start3A_859 = arith.constant 0 : i32
          %dma_start3A_860 = tpu.memref_slice %arg7[%add3A_848, %dma_start3A_859] : memref<104x128xi32, #tpu.memory_space<vmem>> -> memref<1x128xi32, #tpu.memory_space<vmem>>
          %dma_start3A_861 = tpu.memref_squeeze %dma_start3A_860 : memref<1x128xi32, #tpu.memory_space<vmem>> -> memref<128xi32, #tpu.memory_space<vmem>>
          %dma_start3A_862 = arith.constant 0 : i32
          %dma_start3A_863 = arith.constant 0 : i32
          %dma_start3A_864 = tpu.memref_slice %arg3[%dma_start3A_862, %dma_start3A_863] : memref<2600000x16xf32, #tpu.memory_space<hbm>> -> memref<2600000x16xf32, #tpu.memory_space<hbm>>
          tpu.enqueue_indirect_dma source(%dma_start3A_864 : memref<2600000x16xf32, #tpu.memory_space<hbm>>) target(%dma_start3A_858 : memref<128x16xf32, #tpu.memory_space<vmem>>) offsets(%dma_start3A_861 : memref<128xi32, #tpu.memory_space<vmem>>) semaphore(%arg10 : memref<!tpu.dma_semaphore, #tpu.memory_space<semaphore_mem>>)
          %dma_start3A_865 = arith.constant 5 : i32
          %dma_start3A_866 = arith.constant 0 : i32
          %dma_start3A_867 = arith.constant 0 : i32
          %dma_start3A_868 = tpu.memref_slice %arg9[%scan3A_269, %dma_start3A_866, %dma_start3A_867] : memref<2x8x128xf32, #tpu.memory_space<vmem>> -> memref<1x8x128xf32, #tpu.memory_space<vmem>>
          %dma_start3A_869 = tpu.memref_squeeze %dma_start3A_868 : memref<1x8x128xf32, #tpu.memory_space<vmem>> -> memref<8x128xf32, #tpu.memory_space<vmem>>
          %dma_start3A_870 = arith.constant 0 : i32
          %dma_start3A_871 = tpu.memref_slice %dma_start3A_869[%dma_start3A_865, %dma_start3A_870] : memref<8x128xf32, #tpu.memory_space<vmem>> -> memref<1x128xf32, #tpu.memory_space<vmem>>
          %dma_start3A_872 = tpu.memref_squeeze %dma_start3A_871 : memref<1x128xf32, #tpu.memory_space<vmem>> -> memref<128xf32, #tpu.memory_space<vmem>>
          %dma_start3A_873 = arith.constant 0 : i32
          %dma_start3A_874 = tpu.memref_slice %arg7[%add3A_848, %dma_start3A_873] : memref<104x128xi32, #tpu.memory_space<vmem>> -> memref<1x128xi32, #tpu.memory_space<vmem>>
          %dma_start3A_875 = tpu.memref_squeeze %dma_start3A_874 : memref<1x128xi32, #tpu.memory_space<vmem>> -> memref<128xi32, #tpu.memory_space<vmem>>
          %dma_start3A_876 = arith.constant 0 : i32
          %dma_start3A_877 = tpu.memref_slice %arg4[%dma_start3A_876] : memref<2600000xf32, #tpu.memory_space<hbm>> -> memref<2600000xf32, #tpu.memory_space<hbm>>
          tpu.enqueue_indirect_dma source(%dma_start3A_877 : memref<2600000xf32, #tpu.memory_space<hbm>>) target(%dma_start3A_872 : memref<128xf32, #tpu.memory_space<vmem>>) offsets(%dma_start3A_875 : memref<128xi32, #tpu.memory_space<vmem>>) semaphore(%arg11 : memref<!tpu.dma_semaphore, #tpu.memory_space<semaphore_mem>>)
          %mul3A_878 = arith.constant 8 : i32
          %mul3A_879 = arith.muli %add3A_679, %mul3A_878 : i32
          %add3A_880 = arith.constant 6 : i32
          %add3A_881 = arith.addi %mul3A_879, %add3A_880 : i32
          %dma_start3A_882 = arith.constant 6 : i32
          %dma_start3A_883 = arith.constant 0 : i32
          %dma_start3A_884 = arith.constant 0 : i32
          %dma_start3A_885 = arith.constant 0 : i32
          %dma_start3A_886 = tpu.memref_slice %arg8[%scan3A_268, %dma_start3A_883, %dma_start3A_884, %dma_start3A_885] : memref<2x8x128x16xf32, #tpu.memory_space<vmem>> -> memref<1x8x128x16xf32, #tpu.memory_space<vmem>>
          %dma_start3A_887 = tpu.memref_squeeze %dma_start3A_886 : memref<1x8x128x16xf32, #tpu.memory_space<vmem>> -> memref<8x128x16xf32, #tpu.memory_space<vmem>>
          %dma_start3A_888 = arith.constant 0 : i32
          %dma_start3A_889 = arith.constant 0 : i32
          %dma_start3A_890 = tpu.memref_slice %dma_start3A_887[%dma_start3A_882, %dma_start3A_888, %dma_start3A_889] : memref<8x128x16xf32, #tpu.memory_space<vmem>> -> memref<1x128x16xf32, #tpu.memory_space<vmem>>
          %dma_start3A_891 = tpu.memref_squeeze %dma_start3A_890 : memref<1x128x16xf32, #tpu.memory_space<vmem>> -> memref<128x16xf32, #tpu.memory_space<vmem>>
          %dma_start3A_892 = arith.constant 0 : i32
          %dma_start3A_893 = tpu.memref_slice %arg7[%add3A_881, %dma_start3A_892] : memref<104x128xi32, #tpu.memory_space<vmem>> -> memref<1x128xi32, #tpu.memory_space<vmem>>
          %dma_start3A_894 = tpu.memref_squeeze %dma_start3A_893 : memref<1x128xi32, #tpu.memory_space<vmem>> -> memref<128xi32, #tpu.memory_space<vmem>>
          %dma_start3A_895 = arith.constant 0 : i32
          %dma_start3A_896 = arith.constant 0 : i32
          %dma_start3A_897 = tpu.memref_slice %arg3[%dma_start3A_895, %dma_start3A_896] : memref<2600000x16xf32, #tpu.memory_space<hbm>> -> memref<2600000x16xf32, #tpu.memory_space<hbm>>
          tpu.enqueue_indirect_dma source(%dma_start3A_897 : memref<2600000x16xf32, #tpu.memory_space<hbm>>) target(%dma_start3A_891 : memref<128x16xf32, #tpu.memory_space<vmem>>) offsets(%dma_start3A_894 : memref<128xi32, #tpu.memory_space<vmem>>) semaphore(%arg10 : memref<!tpu.dma_semaphore, #tpu.memory_space<semaphore_mem>>)
          %dma_start3A_898 = arith.constant 6 : i32
          %dma_start3A_899 = arith.constant 0 : i32
          %dma_start3A_900 = arith.constant 0 : i32
          %dma_start3A_901 = tpu.memref_slice %arg9[%scan3A_269, %dma_start3A_899, %dma_start3A_900] : memref<2x8x128xf32, #tpu.memory_space<vmem>> -> memref<1x8x128xf32, #tpu.memory_space<vmem>>
          %dma_start3A_902 = tpu.memref_squeeze %dma_start3A_901 : memref<1x8x128xf32, #tpu.memory_space<vmem>> -> memref<8x128xf32, #tpu.memory_space<vmem>>
          %dma_start3A_903 = arith.constant 0 : i32
          %dma_start3A_904 = tpu.memref_slice %dma_start3A_902[%dma_start3A_898, %dma_start3A_903] : memref<8x128xf32, #tpu.memory_space<vmem>> -> memref<1x128xf32, #tpu.memory_space<vmem>>
          %dma_start3A_905 = tpu.memref_squeeze %dma_start3A_904 : memref<1x128xf32, #tpu.memory_space<vmem>> -> memref<128xf32, #tpu.memory_space<vmem>>
          %dma_start3A_906 = arith.constant 0 : i32
          %dma_start3A_907 = tpu.memref_slice %arg7[%add3A_881, %dma_start3A_906] : memref<104x128xi32, #tpu.memory_space<vmem>> -> memref<1x128xi32, #tpu.memory_space<vmem>>
          %dma_start3A_908 = tpu.memref_squeeze %dma_start3A_907 : memref<1x128xi32, #tpu.memory_space<vmem>> -> memref<128xi32, #tpu.memory_space<vmem>>
          %dma_start3A_909 = arith.constant 0 : i32
          %dma_start3A_910 = tpu.memref_slice %arg4[%dma_start3A_909] : memref<2600000xf32, #tpu.memory_space<hbm>> -> memref<2600000xf32, #tpu.memory_space<hbm>>
          tpu.enqueue_indirect_dma source(%dma_start3A_910 : memref<2600000xf32, #tpu.memory_space<hbm>>) target(%dma_start3A_905 : memref<128xf32, #tpu.memory_space<vmem>>) offsets(%dma_start3A_908 : memref<128xi32, #tpu.memory_space<vmem>>) semaphore(%arg11 : memref<!tpu.dma_semaphore, #tpu.memory_space<semaphore_mem>>)
          %mul3A_911 = arith.constant 8 : i32
          %mul3A_912 = arith.muli %add3A_679, %mul3A_911 : i32
          %add3A_913 = arith.constant 7 : i32
          %add3A_914 = arith.addi %mul3A_912, %add3A_913 : i32
          %dma_start3A_915 = arith.constant 7 : i32
          %dma_start3A_916 = arith.constant 0 : i32
          %dma_start3A_917 = arith.constant 0 : i32
          %dma_start3A_918 = arith.constant 0 : i32
          %dma_start3A_919 = tpu.memref_slice %arg8[%scan3A_268, %dma_start3A_916, %dma_start3A_917, %dma_start3A_918] : memref<2x8x128x16xf32, #tpu.memory_space<vmem>> -> memref<1x8x128x16xf32, #tpu.memory_space<vmem>>
          %dma_start3A_920 = tpu.memref_squeeze %dma_start3A_919 : memref<1x8x128x16xf32, #tpu.memory_space<vmem>> -> memref<8x128x16xf32, #tpu.memory_space<vmem>>
          %dma_start3A_921 = arith.constant 0 : i32
          %dma_start3A_922 = arith.constant 0 : i32
          %dma_start3A_923 = tpu.memref_slice %dma_start3A_920[%dma_start3A_915, %dma_start3A_921, %dma_start3A_922] : memref<8x128x16xf32, #tpu.memory_space<vmem>> -> memref<1x128x16xf32, #tpu.memory_space<vmem>>
          %dma_start3A_924 = tpu.memref_squeeze %dma_start3A_923 : memref<1x128x16xf32, #tpu.memory_space<vmem>> -> memref<128x16xf32, #tpu.memory_space<vmem>>
          %dma_start3A_925 = arith.constant 0 : i32
          %dma_start3A_926 = tpu.memref_slice %arg7[%add3A_914, %dma_start3A_925] : memref<104x128xi32, #tpu.memory_space<vmem>> -> memref<1x128xi32, #tpu.memory_space<vmem>>
          %dma_start3A_927 = tpu.memref_squeeze %dma_start3A_926 : memref<1x128xi32, #tpu.memory_space<vmem>> -> memref<128xi32, #tpu.memory_space<vmem>>
          %dma_start3A_928 = arith.constant 0 : i32
          %dma_start3A_929 = arith.constant 0 : i32
          %dma_start3A_930 = tpu.memref_slice %arg3[%dma_start3A_928, %dma_start3A_929] : memref<2600000x16xf32, #tpu.memory_space<hbm>> -> memref<2600000x16xf32, #tpu.memory_space<hbm>>
          tpu.enqueue_indirect_dma source(%dma_start3A_930 : memref<2600000x16xf32, #tpu.memory_space<hbm>>) target(%dma_start3A_924 : memref<128x16xf32, #tpu.memory_space<vmem>>) offsets(%dma_start3A_927 : memref<128xi32, #tpu.memory_space<vmem>>) semaphore(%arg10 : memref<!tpu.dma_semaphore, #tpu.memory_space<semaphore_mem>>)
          %dma_start3A_931 = arith.constant 7 : i32
          %dma_start3A_932 = arith.constant 0 : i32
          %dma_start3A_933 = arith.constant 0 : i32
          %dma_start3A_934 = tpu.memref_slice %arg9[%scan3A_269, %dma_start3A_932, %dma_start3A_933] : memref<2x8x128xf32, #tpu.memory_space<vmem>> -> memref<1x8x128xf32, #tpu.memory_space<vmem>>
          %dma_start3A_935 = tpu.memref_squeeze %dma_start3A_934 : memref<1x8x128xf32, #tpu.memory_space<vmem>> -> memref<8x128xf32, #tpu.memory_space<vmem>>
          %dma_start3A_936 = arith.constant 0 : i32
          %dma_start3A_937 = tpu.memref_slice %dma_start3A_935[%dma_start3A_931, %dma_start3A_936] : memref<8x128xf32, #tpu.memory_space<vmem>> -> memref<1x128xf32, #tpu.memory_space<vmem>>
          %dma_start3A_938 = tpu.memref_squeeze %dma_start3A_937 : memref<1x128xf32, #tpu.memory_space<vmem>> -> memref<128xf32, #tpu.memory_space<vmem>>
          %dma_start3A_939 = arith.constant 0 : i32
          %dma_start3A_940 = tpu.memref_slice %arg7[%add3A_914, %dma_start3A_939] : memref<104x128xi32, #tpu.memory_space<vmem>> -> memref<1x128xi32, #tpu.memory_space<vmem>>
          %dma_start3A_941 = tpu.memref_squeeze %dma_start3A_940 : memref<1x128xi32, #tpu.memory_space<vmem>> -> memref<128xi32, #tpu.memory_space<vmem>>
          %dma_start3A_942 = arith.constant 0 : i32
          %dma_start3A_943 = tpu.memref_slice %arg4[%dma_start3A_942] : memref<2600000xf32, #tpu.memory_space<hbm>> -> memref<2600000xf32, #tpu.memory_space<hbm>>
          tpu.enqueue_indirect_dma source(%dma_start3A_943 : memref<2600000xf32, #tpu.memory_space<hbm>>) target(%dma_start3A_938 : memref<128xf32, #tpu.memory_space<vmem>>) offsets(%dma_start3A_941 : memref<128xi32, #tpu.memory_space<vmem>>) semaphore(%arg11 : memref<!tpu.dma_semaphore, #tpu.memory_space<semaphore_mem>>)
        } else {
        }
        %mul3A_379 = arith.constant 8 : i32
        %mul3A_380 = arith.muli %scan3A_338, %mul3A_379 : i32
        %add3A_381 = arith.constant 0 : i32
        %add3A_382 = arith.addi %mul3A_380, %add3A_381 : i32
        %dma_wait3A_383 = arith.constant 0 : i32
        %dma_wait3A_384 = arith.constant 0 : i32
        %dma_wait3A_385 = arith.constant 0 : i32
        %dma_wait3A_386 = arith.constant 0 : i32
        %dma_wait3A_387 = tpu.memref_slice %arg8[%scan3A_266, %dma_wait3A_384, %dma_wait3A_385, %dma_wait3A_386] : memref<2x8x128x16xf32, #tpu.memory_space<vmem>> -> memref<1x8x128x16xf32, #tpu.memory_space<vmem>>
        %dma_wait3A_388 = tpu.memref_squeeze %dma_wait3A_387 : memref<1x8x128x16xf32, #tpu.memory_space<vmem>> -> memref<8x128x16xf32, #tpu.memory_space<vmem>>
        %dma_wait3A_389 = arith.constant 0 : i32
        %dma_wait3A_390 = arith.constant 0 : i32
        %dma_wait3A_391 = tpu.memref_slice %dma_wait3A_388[%dma_wait3A_383, %dma_wait3A_389, %dma_wait3A_390] : memref<8x128x16xf32, #tpu.memory_space<vmem>> -> memref<1x128x16xf32, #tpu.memory_space<vmem>>
        %dma_wait3A_392 = tpu.memref_squeeze %dma_wait3A_391 : memref<1x128x16xf32, #tpu.memory_space<vmem>> -> memref<128x16xf32, #tpu.memory_space<vmem>>
        %dma_wait3A_393 = arith.constant 0 : i32
        %dma_wait3A_394 = tpu.memref_slice %arg7[%add3A_382, %dma_wait3A_393] : memref<104x128xi32, #tpu.memory_space<vmem>> -> memref<1x128xi32, #tpu.memory_space<vmem>>
        %dma_wait3A_395 = tpu.memref_squeeze %dma_wait3A_394 : memref<1x128xi32, #tpu.memory_space<vmem>> -> memref<128xi32, #tpu.memory_space<vmem>>
        %dma_wait3A_396 = arith.constant 0 : i32
        %dma_wait3A_397 = arith.constant 0 : i32
        %dma_wait3A_398 = tpu.memref_slice %arg3[%dma_wait3A_396, %dma_wait3A_397] : memref<2600000x16xf32, #tpu.memory_space<hbm>> -> memref<2600000x16xf32, #tpu.memory_space<hbm>>
        tpu.wait_indirect_dma semaphore(%arg14 : memref<!tpu.dma_semaphore, #tpu.memory_space<semaphore_mem>>) src(%dma_wait3A_398 : memref<2600000x16xf32, #tpu.memory_space<hbm>>) dst(%dma_wait3A_392 : memref<128x16xf32, #tpu.memory_space<vmem>>)
        %dma_wait3A_399 = arith.constant 0 : i32
        %dma_wait3A_400 = arith.constant 0 : i32
        %dma_wait3A_401 = arith.constant 0 : i32
        %dma_wait3A_402 = tpu.memref_slice %arg9[%scan3A_267, %dma_wait3A_400, %dma_wait3A_401] : memref<2x8x128xf32, #tpu.memory_space<vmem>> -> memref<1x8x128xf32, #tpu.memory_space<vmem>>
        %dma_wait3A_403 = tpu.memref_squeeze %dma_wait3A_402 : memref<1x8x128xf32, #tpu.memory_space<vmem>> -> memref<8x128xf32, #tpu.memory_space<vmem>>
        %dma_wait3A_404 = arith.constant 0 : i32
        %dma_wait3A_405 = tpu.memref_slice %dma_wait3A_403[%dma_wait3A_399, %dma_wait3A_404] : memref<8x128xf32, #tpu.memory_space<vmem>> -> memref<1x128xf32, #tpu.memory_space<vmem>>
        %dma_wait3A_406 = tpu.memref_squeeze %dma_wait3A_405 : memref<1x128xf32, #tpu.memory_space<vmem>> -> memref<128xf32, #tpu.memory_space<vmem>>
        %dma_wait3A_407 = arith.constant 0 : i32
        %dma_wait3A_408 = tpu.memref_slice %arg7[%add3A_382, %dma_wait3A_407] : memref<104x128xi32, #tpu.memory_space<vmem>> -> memref<1x128xi32, #tpu.memory_space<vmem>>
        %dma_wait3A_409 = tpu.memref_squeeze %dma_wait3A_408 : memref<1x128xi32, #tpu.memory_space<vmem>> -> memref<128xi32, #tpu.memory_space<vmem>>
        %dma_wait3A_410 = arith.constant 0 : i32
        %dma_wait3A_411 = tpu.memref_slice %arg4[%dma_wait3A_410] : memref<2600000xf32, #tpu.memory_space<hbm>> -> memref<2600000xf32, #tpu.memory_space<hbm>>
        tpu.wait_indirect_dma semaphore(%arg15 : memref<!tpu.dma_semaphore, #tpu.memory_space<semaphore_mem>>) src(%dma_wait3A_411 : memref<2600000xf32, #tpu.memory_space<hbm>>) dst(%dma_wait3A_406 : memref<128xf32, #tpu.memory_space<vmem>>)
        %mul3A_412 = arith.constant 8 : i32
        %mul3A_413 = arith.muli %scan3A_338, %mul3A_412 : i32
        %add3A_414 = arith.constant 1 : i32
        %add3A_415 = arith.addi %mul3A_413, %add3A_414 : i32
        %dma_wait3A_416 = arith.constant 1 : i32
        %dma_wait3A_417 = arith.constant 0 : i32
        %dma_wait3A_418 = arith.constant 0 : i32
        %dma_wait3A_419 = arith.constant 0 : i32
        %dma_wait3A_420 = tpu.memref_slice %arg8[%scan3A_266, %dma_wait3A_417, %dma_wait3A_418, %dma_wait3A_419] : memref<2x8x128x16xf32, #tpu.memory_space<vmem>> -> memref<1x8x128x16xf32, #tpu.memory_space<vmem>>
        %dma_wait3A_421 = tpu.memref_squeeze %dma_wait3A_420 : memref<1x8x128x16xf32, #tpu.memory_space<vmem>> -> memref<8x128x16xf32, #tpu.memory_space<vmem>>
        %dma_wait3A_422 = arith.constant 0 : i32
        %dma_wait3A_423 = arith.constant 0 : i32
        %dma_wait3A_424 = tpu.memref_slice %dma_wait3A_421[%dma_wait3A_416, %dma_wait3A_422, %dma_wait3A_423] : memref<8x128x16xf32, #tpu.memory_space<vmem>> -> memref<1x128x16xf32, #tpu.memory_space<vmem>>
        %dma_wait3A_425 = tpu.memref_squeeze %dma_wait3A_424 : memref<1x128x16xf32, #tpu.memory_space<vmem>> -> memref<128x16xf32, #tpu.memory_space<vmem>>
        %dma_wait3A_426 = arith.constant 0 : i32
        %dma_wait3A_427 = tpu.memref_slice %arg7[%add3A_415, %dma_wait3A_426] : memref<104x128xi32, #tpu.memory_space<vmem>> -> memref<1x128xi32, #tpu.memory_space<vmem>>
        %dma_wait3A_428 = tpu.memref_squeeze %dma_wait3A_427 : memref<1x128xi32, #tpu.memory_space<vmem>> -> memref<128xi32, #tpu.memory_space<vmem>>
        %dma_wait3A_429 = arith.constant 0 : i32
        %dma_wait3A_430 = arith.constant 0 : i32
        %dma_wait3A_431 = tpu.memref_slice %arg3[%dma_wait3A_429, %dma_wait3A_430] : memref<2600000x16xf32, #tpu.memory_space<hbm>> -> memref<2600000x16xf32, #tpu.memory_space<hbm>>
        tpu.wait_indirect_dma semaphore(%arg14 : memref<!tpu.dma_semaphore, #tpu.memory_space<semaphore_mem>>) src(%dma_wait3A_431 : memref<2600000x16xf32, #tpu.memory_space<hbm>>) dst(%dma_wait3A_425 : memref<128x16xf32, #tpu.memory_space<vmem>>)
        %dma_wait3A_432 = arith.constant 1 : i32
        %dma_wait3A_433 = arith.constant 0 : i32
        %dma_wait3A_434 = arith.constant 0 : i32
        %dma_wait3A_435 = tpu.memref_slice %arg9[%scan3A_267, %dma_wait3A_433, %dma_wait3A_434] : memref<2x8x128xf32, #tpu.memory_space<vmem>> -> memref<1x8x128xf32, #tpu.memory_space<vmem>>
        %dma_wait3A_436 = tpu.memref_squeeze %dma_wait3A_435 : memref<1x8x128xf32, #tpu.memory_space<vmem>> -> memref<8x128xf32, #tpu.memory_space<vmem>>
        %dma_wait3A_437 = arith.constant 0 : i32
        %dma_wait3A_438 = tpu.memref_slice %dma_wait3A_436[%dma_wait3A_432, %dma_wait3A_437] : memref<8x128xf32, #tpu.memory_space<vmem>> -> memref<1x128xf32, #tpu.memory_space<vmem>>
        %dma_wait3A_439 = tpu.memref_squeeze %dma_wait3A_438 : memref<1x128xf32, #tpu.memory_space<vmem>> -> memref<128xf32, #tpu.memory_space<vmem>>
        %dma_wait3A_440 = arith.constant 0 : i32
        %dma_wait3A_441 = tpu.memref_slice %arg7[%add3A_415, %dma_wait3A_440] : memref<104x128xi32, #tpu.memory_space<vmem>> -> memref<1x128xi32, #tpu.memory_space<vmem>>
        %dma_wait3A_442 = tpu.memref_squeeze %dma_wait3A_441 : memref<1x128xi32, #tpu.memory_space<vmem>> -> memref<128xi32, #tpu.memory_space<vmem>>
        %dma_wait3A_443 = arith.constant 0 : i32
        %dma_wait3A_444 = tpu.memref_slice %arg4[%dma_wait3A_443] : memref<2600000xf32, #tpu.memory_space<hbm>> -> memref<2600000xf32, #tpu.memory_space<hbm>>
        tpu.wait_indirect_dma semaphore(%arg15 : memref<!tpu.dma_semaphore, #tpu.memory_space<semaphore_mem>>) src(%dma_wait3A_444 : memref<2600000xf32, #tpu.memory_space<hbm>>) dst(%dma_wait3A_439 : memref<128xf32, #tpu.memory_space<vmem>>)
        %mul3A_445 = arith.constant 8 : i32
        %mul3A_446 = arith.muli %scan3A_338, %mul3A_445 : i32
        %add3A_447 = arith.constant 2 : i32
        %add3A_448 = arith.addi %mul3A_446, %add3A_447 : i32
        %dma_wait3A_449 = arith.constant 2 : i32
        %dma_wait3A_450 = arith.constant 0 : i32
        %dma_wait3A_451 = arith.constant 0 : i32
        %dma_wait3A_452 = arith.constant 0 : i32
        %dma_wait3A_453 = tpu.memref_slice %arg8[%scan3A_266, %dma_wait3A_450, %dma_wait3A_451, %dma_wait3A_452] : memref<2x8x128x16xf32, #tpu.memory_space<vmem>> -> memref<1x8x128x16xf32, #tpu.memory_space<vmem>>
        %dma_wait3A_454 = tpu.memref_squeeze %dma_wait3A_453 : memref<1x8x128x16xf32, #tpu.memory_space<vmem>> -> memref<8x128x16xf32, #tpu.memory_space<vmem>>
        %dma_wait3A_455 = arith.constant 0 : i32
        %dma_wait3A_456 = arith.constant 0 : i32
        %dma_wait3A_457 = tpu.memref_slice %dma_wait3A_454[%dma_wait3A_449, %dma_wait3A_455, %dma_wait3A_456] : memref<8x128x16xf32, #tpu.memory_space<vmem>> -> memref<1x128x16xf32, #tpu.memory_space<vmem>>
        %dma_wait3A_458 = tpu.memref_squeeze %dma_wait3A_457 : memref<1x128x16xf32, #tpu.memory_space<vmem>> -> memref<128x16xf32, #tpu.memory_space<vmem>>
        %dma_wait3A_459 = arith.constant 0 : i32
        %dma_wait3A_460 = tpu.memref_slice %arg7[%add3A_448, %dma_wait3A_459] : memref<104x128xi32, #tpu.memory_space<vmem>> -> memref<1x128xi32, #tpu.memory_space<vmem>>
        %dma_wait3A_461 = tpu.memref_squeeze %dma_wait3A_460 : memref<1x128xi32, #tpu.memory_space<vmem>> -> memref<128xi32, #tpu.memory_space<vmem>>
        %dma_wait3A_462 = arith.constant 0 : i32
        %dma_wait3A_463 = arith.constant 0 : i32
        %dma_wait3A_464 = tpu.memref_slice %arg3[%dma_wait3A_462, %dma_wait3A_463] : memref<2600000x16xf32, #tpu.memory_space<hbm>> -> memref<2600000x16xf32, #tpu.memory_space<hbm>>
        tpu.wait_indirect_dma semaphore(%arg14 : memref<!tpu.dma_semaphore, #tpu.memory_space<semaphore_mem>>) src(%dma_wait3A_464 : memref<2600000x16xf32, #tpu.memory_space<hbm>>) dst(%dma_wait3A_458 : memref<128x16xf32, #tpu.memory_space<vmem>>)
        %dma_wait3A_465 = arith.constant 2 : i32
        %dma_wait3A_466 = arith.constant 0 : i32
        %dma_wait3A_467 = arith.constant 0 : i32
        %dma_wait3A_468 = tpu.memref_slice %arg9[%scan3A_267, %dma_wait3A_466, %dma_wait3A_467] : memref<2x8x128xf32, #tpu.memory_space<vmem>> -> memref<1x8x128xf32, #tpu.memory_space<vmem>>
        %dma_wait3A_469 = tpu.memref_squeeze %dma_wait3A_468 : memref<1x8x128xf32, #tpu.memory_space<vmem>> -> memref<8x128xf32, #tpu.memory_space<vmem>>
        %dma_wait3A_470 = arith.constant 0 : i32
        %dma_wait3A_471 = tpu.memref_slice %dma_wait3A_469[%dma_wait3A_465, %dma_wait3A_470] : memref<8x128xf32, #tpu.memory_space<vmem>> -> memref<1x128xf32, #tpu.memory_space<vmem>>
        %dma_wait3A_472 = tpu.memref_squeeze %dma_wait3A_471 : memref<1x128xf32, #tpu.memory_space<vmem>> -> memref<128xf32, #tpu.memory_space<vmem>>
        %dma_wait3A_473 = arith.constant 0 : i32
        %dma_wait3A_474 = tpu.memref_slice %arg7[%add3A_448, %dma_wait3A_473] : memref<104x128xi32, #tpu.memory_space<vmem>> -> memref<1x128xi32, #tpu.memory_space<vmem>>
        %dma_wait3A_475 = tpu.memref_squeeze %dma_wait3A_474 : memref<1x128xi32, #tpu.memory_space<vmem>> -> memref<128xi32, #tpu.memory_space<vmem>>
        %dma_wait3A_476 = arith.constant 0 : i32
        %dma_wait3A_477 = tpu.memref_slice %arg4[%dma_wait3A_476] : memref<2600000xf32, #tpu.memory_space<hbm>> -> memref<2600000xf32, #tpu.memory_space<hbm>>
        tpu.wait_indirect_dma semaphore(%arg15 : memref<!tpu.dma_semaphore, #tpu.memory_space<semaphore_mem>>) src(%dma_wait3A_477 : memref<2600000xf32, #tpu.memory_space<hbm>>) dst(%dma_wait3A_472 : memref<128xf32, #tpu.memory_space<vmem>>)
        %mul3A_478 = arith.constant 8 : i32
        %mul3A_479 = arith.muli %scan3A_338, %mul3A_478 : i32
        %add3A_480 = arith.constant 3 : i32
        %add3A_481 = arith.addi %mul3A_479, %add3A_480 : i32
        %dma_wait3A_482 = arith.constant 3 : i32
        %dma_wait3A_483 = arith.constant 0 : i32
        %dma_wait3A_484 = arith.constant 0 : i32
        %dma_wait3A_485 = arith.constant 0 : i32
        %dma_wait3A_486 = tpu.memref_slice %arg8[%scan3A_266, %dma_wait3A_483, %dma_wait3A_484, %dma_wait3A_485] : memref<2x8x128x16xf32, #tpu.memory_space<vmem>> -> memref<1x8x128x16xf32, #tpu.memory_space<vmem>>
        %dma_wait3A_487 = tpu.memref_squeeze %dma_wait3A_486 : memref<1x8x128x16xf32, #tpu.memory_space<vmem>> -> memref<8x128x16xf32, #tpu.memory_space<vmem>>
        %dma_wait3A_488 = arith.constant 0 : i32
        %dma_wait3A_489 = arith.constant 0 : i32
        %dma_wait3A_490 = tpu.memref_slice %dma_wait3A_487[%dma_wait3A_482, %dma_wait3A_488, %dma_wait3A_489] : memref<8x128x16xf32, #tpu.memory_space<vmem>> -> memref<1x128x16xf32, #tpu.memory_space<vmem>>
        %dma_wait3A_491 = tpu.memref_squeeze %dma_wait3A_490 : memref<1x128x16xf32, #tpu.memory_space<vmem>> -> memref<128x16xf32, #tpu.memory_space<vmem>>
        %dma_wait3A_492 = arith.constant 0 : i32
        %dma_wait3A_493 = tpu.memref_slice %arg7[%add3A_481, %dma_wait3A_492] : memref<104x128xi32, #tpu.memory_space<vmem>> -> memref<1x128xi32, #tpu.memory_space<vmem>>
        %dma_wait3A_494 = tpu.memref_squeeze %dma_wait3A_493 : memref<1x128xi32, #tpu.memory_space<vmem>> -> memref<128xi32, #tpu.memory_space<vmem>>
        %dma_wait3A_495 = arith.constant 0 : i32
        %dma_wait3A_496 = arith.constant 0 : i32
        %dma_wait3A_497 = tpu.memref_slice %arg3[%dma_wait3A_495, %dma_wait3A_496] : memref<2600000x16xf32, #tpu.memory_space<hbm>> -> memref<2600000x16xf32, #tpu.memory_space<hbm>>
        tpu.wait_indirect_dma semaphore(%arg14 : memref<!tpu.dma_semaphore, #tpu.memory_space<semaphore_mem>>) src(%dma_wait3A_497 : memref<2600000x16xf32, #tpu.memory_space<hbm>>) dst(%dma_wait3A_491 : memref<128x16xf32, #tpu.memory_space<vmem>>)
        %dma_wait3A_498 = arith.constant 3 : i32
        %dma_wait3A_499 = arith.constant 0 : i32
        %dma_wait3A_500 = arith.constant 0 : i32
        %dma_wait3A_501 = tpu.memref_slice %arg9[%scan3A_267, %dma_wait3A_499, %dma_wait3A_500] : memref<2x8x128xf32, #tpu.memory_space<vmem>> -> memref<1x8x128xf32, #tpu.memory_space<vmem>>
        %dma_wait3A_502 = tpu.memref_squeeze %dma_wait3A_501 : memref<1x8x128xf32, #tpu.memory_space<vmem>> -> memref<8x128xf32, #tpu.memory_space<vmem>>
        %dma_wait3A_503 = arith.constant 0 : i32
        %dma_wait3A_504 = tpu.memref_slice %dma_wait3A_502[%dma_wait3A_498, %dma_wait3A_503] : memref<8x128xf32, #tpu.memory_space<vmem>> -> memref<1x128xf32, #tpu.memory_space<vmem>>
        %dma_wait3A_505 = tpu.memref_squeeze %dma_wait3A_504 : memref<1x128xf32, #tpu.memory_space<vmem>> -> memref<128xf32, #tpu.memory_space<vmem>>
        %dma_wait3A_506 = arith.constant 0 : i32
        %dma_wait3A_507 = tpu.memref_slice %arg7[%add3A_481, %dma_wait3A_506] : memref<104x128xi32, #tpu.memory_space<vmem>> -> memref<1x128xi32, #tpu.memory_space<vmem>>
        %dma_wait3A_508 = tpu.memref_squeeze %dma_wait3A_507 : memref<1x128xi32, #tpu.memory_space<vmem>> -> memref<128xi32, #tpu.memory_space<vmem>>
        %dma_wait3A_509 = arith.constant 0 : i32
        %dma_wait3A_510 = tpu.memref_slice %arg4[%dma_wait3A_509] : memref<2600000xf32, #tpu.memory_space<hbm>> -> memref<2600000xf32, #tpu.memory_space<hbm>>
        tpu.wait_indirect_dma semaphore(%arg15 : memref<!tpu.dma_semaphore, #tpu.memory_space<semaphore_mem>>) src(%dma_wait3A_510 : memref<2600000xf32, #tpu.memory_space<hbm>>) dst(%dma_wait3A_505 : memref<128xf32, #tpu.memory_space<vmem>>)
        %mul3A_511 = arith.constant 8 : i32
        %mul3A_512 = arith.muli %scan3A_338, %mul3A_511 : i32
        %add3A_513 = arith.constant 4 : i32
        %add3A_514 = arith.addi %mul3A_512, %add3A_513 : i32
        %dma_wait3A_515 = arith.constant 4 : i32
        %dma_wait3A_516 = arith.constant 0 : i32
        %dma_wait3A_517 = arith.constant 0 : i32
        %dma_wait3A_518 = arith.constant 0 : i32
        %dma_wait3A_519 = tpu.memref_slice %arg8[%scan3A_266, %dma_wait3A_516, %dma_wait3A_517, %dma_wait3A_518] : memref<2x8x128x16xf32, #tpu.memory_space<vmem>> -> memref<1x8x128x16xf32, #tpu.memory_space<vmem>>
        %dma_wait3A_520 = tpu.memref_squeeze %dma_wait3A_519 : memref<1x8x128x16xf32, #tpu.memory_space<vmem>> -> memref<8x128x16xf32, #tpu.memory_space<vmem>>
        %dma_wait3A_521 = arith.constant 0 : i32
        %dma_wait3A_522 = arith.constant 0 : i32
        %dma_wait3A_523 = tpu.memref_slice %dma_wait3A_520[%dma_wait3A_515, %dma_wait3A_521, %dma_wait3A_522] : memref<8x128x16xf32, #tpu.memory_space<vmem>> -> memref<1x128x16xf32, #tpu.memory_space<vmem>>
        %dma_wait3A_524 = tpu.memref_squeeze %dma_wait3A_523 : memref<1x128x16xf32, #tpu.memory_space<vmem>> -> memref<128x16xf32, #tpu.memory_space<vmem>>
        %dma_wait3A_525 = arith.constant 0 : i32
        %dma_wait3A_526 = tpu.memref_slice %arg7[%add3A_514, %dma_wait3A_525] : memref<104x128xi32, #tpu.memory_space<vmem>> -> memref<1x128xi32, #tpu.memory_space<vmem>>
        %dma_wait3A_527 = tpu.memref_squeeze %dma_wait3A_526 : memref<1x128xi32, #tpu.memory_space<vmem>> -> memref<128xi32, #tpu.memory_space<vmem>>
        %dma_wait3A_528 = arith.constant 0 : i32
        %dma_wait3A_529 = arith.constant 0 : i32
        %dma_wait3A_530 = tpu.memref_slice %arg3[%dma_wait3A_528, %dma_wait3A_529] : memref<2600000x16xf32, #tpu.memory_space<hbm>> -> memref<2600000x16xf32, #tpu.memory_space<hbm>>
        tpu.wait_indirect_dma semaphore(%arg14 : memref<!tpu.dma_semaphore, #tpu.memory_space<semaphore_mem>>) src(%dma_wait3A_530 : memref<2600000x16xf32, #tpu.memory_space<hbm>>) dst(%dma_wait3A_524 : memref<128x16xf32, #tpu.memory_space<vmem>>)
        %dma_wait3A_531 = arith.constant 4 : i32
        %dma_wait3A_532 = arith.constant 0 : i32
        %dma_wait3A_533 = arith.constant 0 : i32
        %dma_wait3A_534 = tpu.memref_slice %arg9[%scan3A_267, %dma_wait3A_532, %dma_wait3A_533] : memref<2x8x128xf32, #tpu.memory_space<vmem>> -> memref<1x8x128xf32, #tpu.memory_space<vmem>>
        %dma_wait3A_535 = tpu.memref_squeeze %dma_wait3A_534 : memref<1x8x128xf32, #tpu.memory_space<vmem>> -> memref<8x128xf32, #tpu.memory_space<vmem>>
        %dma_wait3A_536 = arith.constant 0 : i32
        %dma_wait3A_537 = tpu.memref_slice %dma_wait3A_535[%dma_wait3A_531, %dma_wait3A_536] : memref<8x128xf32, #tpu.memory_space<vmem>> -> memref<1x128xf32, #tpu.memory_space<vmem>>
        %dma_wait3A_538 = tpu.memref_squeeze %dma_wait3A_537 : memref<1x128xf32, #tpu.memory_space<vmem>> -> memref<128xf32, #tpu.memory_space<vmem>>
        %dma_wait3A_539 = arith.constant 0 : i32
        %dma_wait3A_540 = tpu.memref_slice %arg7[%add3A_514, %dma_wait3A_539] : memref<104x128xi32, #tpu.memory_space<vmem>> -> memref<1x128xi32, #tpu.memory_space<vmem>>
        %dma_wait3A_541 = tpu.memref_squeeze %dma_wait3A_540 : memref<1x128xi32, #tpu.memory_space<vmem>> -> memref<128xi32, #tpu.memory_space<vmem>>
        %dma_wait3A_542 = arith.constant 0 : i32
        %dma_wait3A_543 = tpu.memref_slice %arg4[%dma_wait3A_542] : memref<2600000xf32, #tpu.memory_space<hbm>> -> memref<2600000xf32, #tpu.memory_space<hbm>>
        tpu.wait_indirect_dma semaphore(%arg15 : memref<!tpu.dma_semaphore, #tpu.memory_space<semaphore_mem>>) src(%dma_wait3A_543 : memref<2600000xf32, #tpu.memory_space<hbm>>) dst(%dma_wait3A_538 : memref<128xf32, #tpu.memory_space<vmem>>)
        %mul3A_544 = arith.constant 8 : i32
        %mul3A_545 = arith.muli %scan3A_338, %mul3A_544 : i32
        %add3A_546 = arith.constant 5 : i32
        %add3A_547 = arith.addi %mul3A_545, %add3A_546 : i32
        %dma_wait3A_548 = arith.constant 5 : i32
        %dma_wait3A_549 = arith.constant 0 : i32
        %dma_wait3A_550 = arith.constant 0 : i32
        %dma_wait3A_551 = arith.constant 0 : i32
        %dma_wait3A_552 = tpu.memref_slice %arg8[%scan3A_266, %dma_wait3A_549, %dma_wait3A_550, %dma_wait3A_551] : memref<2x8x128x16xf32, #tpu.memory_space<vmem>> -> memref<1x8x128x16xf32, #tpu.memory_space<vmem>>
        %dma_wait3A_553 = tpu.memref_squeeze %dma_wait3A_552 : memref<1x8x128x16xf32, #tpu.memory_space<vmem>> -> memref<8x128x16xf32, #tpu.memory_space<vmem>>
        %dma_wait3A_554 = arith.constant 0 : i32
        %dma_wait3A_555 = arith.constant 0 : i32
        %dma_wait3A_556 = tpu.memref_slice %dma_wait3A_553[%dma_wait3A_548, %dma_wait3A_554, %dma_wait3A_555] : memref<8x128x16xf32, #tpu.memory_space<vmem>> -> memref<1x128x16xf32, #tpu.memory_space<vmem>>
        %dma_wait3A_557 = tpu.memref_squeeze %dma_wait3A_556 : memref<1x128x16xf32, #tpu.memory_space<vmem>> -> memref<128x16xf32, #tpu.memory_space<vmem>>
        %dma_wait3A_558 = arith.constant 0 : i32
        %dma_wait3A_559 = tpu.memref_slice %arg7[%add3A_547, %dma_wait3A_558] : memref<104x128xi32, #tpu.memory_space<vmem>> -> memref<1x128xi32, #tpu.memory_space<vmem>>
        %dma_wait3A_560 = tpu.memref_squeeze %dma_wait3A_559 : memref<1x128xi32, #tpu.memory_space<vmem>> -> memref<128xi32, #tpu.memory_space<vmem>>
        %dma_wait3A_561 = arith.constant 0 : i32
        %dma_wait3A_562 = arith.constant 0 : i32
        %dma_wait3A_563 = tpu.memref_slice %arg3[%dma_wait3A_561, %dma_wait3A_562] : memref<2600000x16xf32, #tpu.memory_space<hbm>> -> memref<2600000x16xf32, #tpu.memory_space<hbm>>
        tpu.wait_indirect_dma semaphore(%arg14 : memref<!tpu.dma_semaphore, #tpu.memory_space<semaphore_mem>>) src(%dma_wait3A_563 : memref<2600000x16xf32, #tpu.memory_space<hbm>>) dst(%dma_wait3A_557 : memref<128x16xf32, #tpu.memory_space<vmem>>)
        %dma_wait3A_564 = arith.constant 5 : i32
        %dma_wait3A_565 = arith.constant 0 : i32
        %dma_wait3A_566 = arith.constant 0 : i32
        %dma_wait3A_567 = tpu.memref_slice %arg9[%scan3A_267, %dma_wait3A_565, %dma_wait3A_566] : memref<2x8x128xf32, #tpu.memory_space<vmem>> -> memref<1x8x128xf32, #tpu.memory_space<vmem>>
        %dma_wait3A_568 = tpu.memref_squeeze %dma_wait3A_567 : memref<1x8x128xf32, #tpu.memory_space<vmem>> -> memref<8x128xf32, #tpu.memory_space<vmem>>
        %dma_wait3A_569 = arith.constant 0 : i32
        %dma_wait3A_570 = tpu.memref_slice %dma_wait3A_568[%dma_wait3A_564, %dma_wait3A_569] : memref<8x128xf32, #tpu.memory_space<vmem>> -> memref<1x128xf32, #tpu.memory_space<vmem>>
        %dma_wait3A_571 = tpu.memref_squeeze %dma_wait3A_570 : memref<1x128xf32, #tpu.memory_space<vmem>> -> memref<128xf32, #tpu.memory_space<vmem>>
        %dma_wait3A_572 = arith.constant 0 : i32
        %dma_wait3A_573 = tpu.memref_slice %arg7[%add3A_547, %dma_wait3A_572] : memref<104x128xi32, #tpu.memory_space<vmem>> -> memref<1x128xi32, #tpu.memory_space<vmem>>
        %dma_wait3A_574 = tpu.memref_squeeze %dma_wait3A_573 : memref<1x128xi32, #tpu.memory_space<vmem>> -> memref<128xi32, #tpu.memory_space<vmem>>
        %dma_wait3A_575 = arith.constant 0 : i32
        %dma_wait3A_576 = tpu.memref_slice %arg4[%dma_wait3A_575] : memref<2600000xf32, #tpu.memory_space<hbm>> -> memref<2600000xf32, #tpu.memory_space<hbm>>
        tpu.wait_indirect_dma semaphore(%arg15 : memref<!tpu.dma_semaphore, #tpu.memory_space<semaphore_mem>>) src(%dma_wait3A_576 : memref<2600000xf32, #tpu.memory_space<hbm>>) dst(%dma_wait3A_571 : memref<128xf32, #tpu.memory_space<vmem>>)
        %mul3A_577 = arith.constant 8 : i32
        %mul3A_578 = arith.muli %scan3A_338, %mul3A_577 : i32
        %add3A_579 = arith.constant 6 : i32
        %add3A_580 = arith.addi %mul3A_578, %add3A_579 : i32
        %dma_wait3A_581 = arith.constant 6 : i32
        %dma_wait3A_582 = arith.constant 0 : i32
        %dma_wait3A_583 = arith.constant 0 : i32
        %dma_wait3A_584 = arith.constant 0 : i32
        %dma_wait3A_585 = tpu.memref_slice %arg8[%scan3A_266, %dma_wait3A_582, %dma_wait3A_583, %dma_wait3A_584] : memref<2x8x128x16xf32, #tpu.memory_space<vmem>> -> memref<1x8x128x16xf32, #tpu.memory_space<vmem>>
        %dma_wait3A_586 = tpu.memref_squeeze %dma_wait3A_585 : memref<1x8x128x16xf32, #tpu.memory_space<vmem>> -> memref<8x128x16xf32, #tpu.memory_space<vmem>>
        %dma_wait3A_587 = arith.constant 0 : i32
        %dma_wait3A_588 = arith.constant 0 : i32
        %dma_wait3A_589 = tpu.memref_slice %dma_wait3A_586[%dma_wait3A_581, %dma_wait3A_587, %dma_wait3A_588] : memref<8x128x16xf32, #tpu.memory_space<vmem>> -> memref<1x128x16xf32, #tpu.memory_space<vmem>>
        %dma_wait3A_590 = tpu.memref_squeeze %dma_wait3A_589 : memref<1x128x16xf32, #tpu.memory_space<vmem>> -> memref<128x16xf32, #tpu.memory_space<vmem>>
        %dma_wait3A_591 = arith.constant 0 : i32
        %dma_wait3A_592 = tpu.memref_slice %arg7[%add3A_580, %dma_wait3A_591] : memref<104x128xi32, #tpu.memory_space<vmem>> -> memref<1x128xi32, #tpu.memory_space<vmem>>
        %dma_wait3A_593 = tpu.memref_squeeze %dma_wait3A_592 : memref<1x128xi32, #tpu.memory_space<vmem>> -> memref<128xi32, #tpu.memory_space<vmem>>
        %dma_wait3A_594 = arith.constant 0 : i32
        %dma_wait3A_595 = arith.constant 0 : i32
        %dma_wait3A_596 = tpu.memref_slice %arg3[%dma_wait3A_594, %dma_wait3A_595] : memref<2600000x16xf32, #tpu.memory_space<hbm>> -> memref<2600000x16xf32, #tpu.memory_space<hbm>>
        tpu.wait_indirect_dma semaphore(%arg14 : memref<!tpu.dma_semaphore, #tpu.memory_space<semaphore_mem>>) src(%dma_wait3A_596 : memref<2600000x16xf32, #tpu.memory_space<hbm>>) dst(%dma_wait3A_590 : memref<128x16xf32, #tpu.memory_space<vmem>>)
        %dma_wait3A_597 = arith.constant 6 : i32
        %dma_wait3A_598 = arith.constant 0 : i32
        %dma_wait3A_599 = arith.constant 0 : i32
        %dma_wait3A_600 = tpu.memref_slice %arg9[%scan3A_267, %dma_wait3A_598, %dma_wait3A_599] : memref<2x8x128xf32, #tpu.memory_space<vmem>> -> memref<1x8x128xf32, #tpu.memory_space<vmem>>
        %dma_wait3A_601 = tpu.memref_squeeze %dma_wait3A_600 : memref<1x8x128xf32, #tpu.memory_space<vmem>> -> memref<8x128xf32, #tpu.memory_space<vmem>>
        %dma_wait3A_602 = arith.constant 0 : i32
        %dma_wait3A_603 = tpu.memref_slice %dma_wait3A_601[%dma_wait3A_597, %dma_wait3A_602] : memref<8x128xf32, #tpu.memory_space<vmem>> -> memref<1x128xf32, #tpu.memory_space<vmem>>
        %dma_wait3A_604 = tpu.memref_squeeze %dma_wait3A_603 : memref<1x128xf32, #tpu.memory_space<vmem>> -> memref<128xf32, #tpu.memory_space<vmem>>
        %dma_wait3A_605 = arith.constant 0 : i32
        %dma_wait3A_606 = tpu.memref_slice %arg7[%add3A_580, %dma_wait3A_605] : memref<104x128xi32, #tpu.memory_space<vmem>> -> memref<1x128xi32, #tpu.memory_space<vmem>>
        %dma_wait3A_607 = tpu.memref_squeeze %dma_wait3A_606 : memref<1x128xi32, #tpu.memory_space<vmem>> -> memref<128xi32, #tpu.memory_space<vmem>>
        %dma_wait3A_608 = arith.constant 0 : i32
        %dma_wait3A_609 = tpu.memref_slice %arg4[%dma_wait3A_608] : memref<2600000xf32, #tpu.memory_space<hbm>> -> memref<2600000xf32, #tpu.memory_space<hbm>>
        tpu.wait_indirect_dma semaphore(%arg15 : memref<!tpu.dma_semaphore, #tpu.memory_space<semaphore_mem>>) src(%dma_wait3A_609 : memref<2600000xf32, #tpu.memory_space<hbm>>) dst(%dma_wait3A_604 : memref<128xf32, #tpu.memory_space<vmem>>)
        %mul3A_610 = arith.constant 8 : i32
        %mul3A_611 = arith.muli %scan3A_338, %mul3A_610 : i32
        %add3A_612 = arith.constant 7 : i32
        %add3A_613 = arith.addi %mul3A_611, %add3A_612 : i32
        %dma_wait3A_614 = arith.constant 7 : i32
        %dma_wait3A_615 = arith.constant 0 : i32
        %dma_wait3A_616 = arith.constant 0 : i32
        %dma_wait3A_617 = arith.constant 0 : i32
        %dma_wait3A_618 = tpu.memref_slice %arg8[%scan3A_266, %dma_wait3A_615, %dma_wait3A_616, %dma_wait3A_617] : memref<2x8x128x16xf32, #tpu.memory_space<vmem>> -> memref<1x8x128x16xf32, #tpu.memory_space<vmem>>
        %dma_wait3A_619 = tpu.memref_squeeze %dma_wait3A_618 : memref<1x8x128x16xf32, #tpu.memory_space<vmem>> -> memref<8x128x16xf32, #tpu.memory_space<vmem>>
        %dma_wait3A_620 = arith.constant 0 : i32
        %dma_wait3A_621 = arith.constant 0 : i32
        %dma_wait3A_622 = tpu.memref_slice %dma_wait3A_619[%dma_wait3A_614, %dma_wait3A_620, %dma_wait3A_621] : memref<8x128x16xf32, #tpu.memory_space<vmem>> -> memref<1x128x16xf32, #tpu.memory_space<vmem>>
        %dma_wait3A_623 = tpu.memref_squeeze %dma_wait3A_622 : memref<1x128x16xf32, #tpu.memory_space<vmem>> -> memref<128x16xf32, #tpu.memory_space<vmem>>
        %dma_wait3A_624 = arith.constant 0 : i32
        %dma_wait3A_625 = tpu.memref_slice %arg7[%add3A_613, %dma_wait3A_624] : memref<104x128xi32, #tpu.memory_space<vmem>> -> memref<1x128xi32, #tpu.memory_space<vmem>>
        %dma_wait3A_626 = tpu.memref_squeeze %dma_wait3A_625 : memref<1x128xi32, #tpu.memory_space<vmem>> -> memref<128xi32, #tpu.memory_space<vmem>>
        %dma_wait3A_627 = arith.constant 0 : i32
        %dma_wait3A_628 = arith.constant 0 : i32
        %dma_wait3A_629 = tpu.memref_slice %arg3[%dma_wait3A_627, %dma_wait3A_628] : memref<2600000x16xf32, #tpu.memory_space<hbm>> -> memref<2600000x16xf32, #tpu.memory_space<hbm>>
        tpu.wait_indirect_dma semaphore(%arg14 : memref<!tpu.dma_semaphore, #tpu.memory_space<semaphore_mem>>) src(%dma_wait3A_629 : memref<2600000x16xf32, #tpu.memory_space<hbm>>) dst(%dma_wait3A_623 : memref<128x16xf32, #tpu.memory_space<vmem>>)
        %dma_wait3A_630 = arith.constant 7 : i32
        %dma_wait3A_631 = arith.constant 0 : i32
        %dma_wait3A_632 = arith.constant 0 : i32
        %dma_wait3A_633 = tpu.memref_slice %arg9[%scan3A_267, %dma_wait3A_631, %dma_wait3A_632] : memref<2x8x128xf32, #tpu.memory_space<vmem>> -> memref<1x8x128xf32, #tpu.memory_space<vmem>>
        %dma_wait3A_634 = tpu.memref_squeeze %dma_wait3A_633 : memref<1x8x128xf32, #tpu.memory_space<vmem>> -> memref<8x128xf32, #tpu.memory_space<vmem>>
        %dma_wait3A_635 = arith.constant 0 : i32
        %dma_wait3A_636 = tpu.memref_slice %dma_wait3A_634[%dma_wait3A_630, %dma_wait3A_635] : memref<8x128xf32, #tpu.memory_space<vmem>> -> memref<1x128xf32, #tpu.memory_space<vmem>>
        %dma_wait3A_637 = tpu.memref_squeeze %dma_wait3A_636 : memref<1x128xf32, #tpu.memory_space<vmem>> -> memref<128xf32, #tpu.memory_space<vmem>>
        %dma_wait3A_638 = arith.constant 0 : i32
        %dma_wait3A_639 = tpu.memref_slice %arg7[%add3A_613, %dma_wait3A_638] : memref<104x128xi32, #tpu.memory_space<vmem>> -> memref<1x128xi32, #tpu.memory_space<vmem>>
        %dma_wait3A_640 = tpu.memref_squeeze %dma_wait3A_639 : memref<1x128xi32, #tpu.memory_space<vmem>> -> memref<128xi32, #tpu.memory_space<vmem>>
        %dma_wait3A_641 = arith.constant 0 : i32
        %dma_wait3A_642 = tpu.memref_slice %arg4[%dma_wait3A_641] : memref<2600000xf32, #tpu.memory_space<hbm>> -> memref<2600000xf32, #tpu.memory_space<hbm>>
        tpu.wait_indirect_dma semaphore(%arg15 : memref<!tpu.dma_semaphore, #tpu.memory_space<semaphore_mem>>) src(%dma_wait3A_642 : memref<2600000xf32, #tpu.memory_space<hbm>>) dst(%dma_wait3A_637 : memref<128xf32, #tpu.memory_space<vmem>>)
        %mul3A_643 = arith.constant 8 : i32
        %mul3A_644 = arith.muli %scan3A_338, %mul3A_643 : i32
        %add3A_645 = arith.addi %mul3A_2, %mul3A_644 : i32
        %dma_start3A_646 = arith.constant 0 : i32
        %dma_start3A_647 = arith.constant 0 : i32
        %dma_start3A_648 = arith.constant 0 : i32
        %dma_start3A_649 = tpu.memref_slice %arg8[%scan3A_266, %dma_start3A_646, %dma_start3A_647, %dma_start3A_648] : memref<2x8x128x16xf32, #tpu.memory_space<vmem>> -> memref<1x8x128x16xf32, #tpu.memory_space<vmem>>
        %dma_start3A_650 = tpu.memref_squeeze %dma_start3A_649 : memref<1x8x128x16xf32, #tpu.memory_space<vmem>> -> memref<8x128x16xf32, #tpu.memory_space<vmem>>
        %dma_start3A_651 = arith.constant 0 : i32
        %dma_start3A_652 = arith.constant 0 : i32
        %dma_start3A_653 = tpu.memref_slice %arg5[%add3A_645, %dma_start3A_651, %dma_start3A_652] : memref<3328x128x16xf32, #tpu.memory_space<hbm>> -> memref<8x128x16xf32, #tpu.memory_space<hbm>>
        %dma_start3A_654 = arith.constant 0 : i32
        %dma_start3A_655 = arith.constant 0 : i32
        %dma_start3A_656 = tpu.memref_slice %arg5[%add3A_645, %dma_start3A_654, %dma_start3A_655] : memref<3328x128x16xf32, #tpu.memory_space<hbm>> -> memref<8x128x16xf32, #tpu.memory_space<hbm>>
        %dma_start3A_657 = arith.constant 0 : i32
        %dma_start3A_658 = arith.constant 0 : i32
        %dma_start3A_659 = arith.constant 0 : i32
        %dma_start3A_660 = tpu.memref_slice %arg8[%scan3A_266, %dma_start3A_657, %dma_start3A_658, %dma_start3A_659] : memref<2x8x128x16xf32, #tpu.memory_space<vmem>> -> memref<1x8x128x16xf32, #tpu.memory_space<vmem>>
        %dma_start3A_661 = tpu.memref_squeeze %dma_start3A_660 : memref<1x8x128x16xf32, #tpu.memory_space<vmem>> -> memref<8x128x16xf32, #tpu.memory_space<vmem>>
        tpu.enqueue_dma source(%dma_start3A_661 : memref<8x128x16xf32, #tpu.memory_space<vmem>>) target(%dma_start3A_656 : memref<8x128x16xf32, #tpu.memory_space<hbm>>) target_semaphore(%arg16 : memref<!tpu.dma_semaphore, #tpu.memory_space<semaphore_mem>>)
        %dma_start3A_662 = arith.constant 0 : i32
        %dma_start3A_663 = arith.constant 0 : i32
        %dma_start3A_664 = tpu.memref_slice %arg9[%scan3A_267, %dma_start3A_662, %dma_start3A_663] : memref<2x8x128xf32, #tpu.memory_space<vmem>> -> memref<1x8x128xf32, #tpu.memory_space<vmem>>
        %dma_start3A_665 = tpu.memref_squeeze %dma_start3A_664 : memref<1x8x128xf32, #tpu.memory_space<vmem>> -> memref<8x128xf32, #tpu.memory_space<vmem>>
        %dma_start3A_666 = arith.constant 0 : i32
        %dma_start3A_667 = tpu.memref_slice %arg6[%add3A_645, %dma_start3A_666] : memref<3328x128xf32, #tpu.memory_space<hbm>> -> memref<8x128xf32, #tpu.memory_space<hbm>>
        %dma_start3A_668 = arith.constant 0 : i32
        %dma_start3A_669 = tpu.memref_slice %arg6[%add3A_645, %dma_start3A_668] : memref<3328x128xf32, #tpu.memory_space<hbm>> -> memref<8x128xf32, #tpu.memory_space<hbm>>
        %dma_start3A_670 = arith.constant 0 : i32
        %dma_start3A_671 = arith.constant 0 : i32
        %dma_start3A_672 = tpu.memref_slice %arg9[%scan3A_267, %dma_start3A_670, %dma_start3A_671] : memref<2x8x128xf32, #tpu.memory_space<vmem>> -> memref<1x8x128xf32, #tpu.memory_space<vmem>>
        %dma_start3A_673 = tpu.memref_squeeze %dma_start3A_672 : memref<1x8x128xf32, #tpu.memory_space<vmem>> -> memref<8x128xf32, #tpu.memory_space<vmem>>
        tpu.enqueue_dma source(%dma_start3A_673 : memref<8x128xf32, #tpu.memory_space<vmem>>) target(%dma_start3A_669 : memref<8x128xf32, #tpu.memory_space<hbm>>) target_semaphore(%arg17 : memref<!tpu.dma_semaphore, #tpu.memory_space<semaphore_mem>>)
      } else {
      }
    }
    %scan3A_274 = arith.constant 13 : i32
    %add3A_275 = arith.constant 88 : i32
    %add3A_276 = arith.addi %mul3A_2, %add3A_275 : i32
    %dma_wait3A = arith.constant 1 : i32
    %dma_wait3A_277 = arith.constant 0 : i32
    %dma_wait3A_278 = arith.constant 0 : i32
    %dma_wait3A_279 = arith.constant 0 : i32
    %dma_wait3A_280 = tpu.memref_slice %arg8[%dma_wait3A, %dma_wait3A_277, %dma_wait3A_278, %dma_wait3A_279] : memref<2x8x128x16xf32, #tpu.memory_space<vmem>> -> memref<1x8x128x16xf32, #tpu.memory_space<vmem>>
    %dma_wait3A_281 = tpu.memref_squeeze %dma_wait3A_280 : memref<1x8x128x16xf32, #tpu.memory_space<vmem>> -> memref<8x128x16xf32, #tpu.memory_space<vmem>>
    %dma_wait3A_282 = arith.constant 0 : i32
    %dma_wait3A_283 = arith.constant 0 : i32
    %dma_wait3A_284 = tpu.memref_slice %arg5[%add3A_276, %dma_wait3A_282, %dma_wait3A_283] : memref<3328x128x16xf32, #tpu.memory_space<hbm>> -> memref<8x128x16xf32, #tpu.memory_space<hbm>>
    %dma_wait3A_285 = arith.constant 0 : i32
    %dma_wait3A_286 = arith.constant 0 : i32
    %dma_wait3A_287 = tpu.memref_slice %arg5[%add3A_276, %dma_wait3A_285, %dma_wait3A_286] : memref<3328x128x16xf32, #tpu.memory_space<hbm>> -> memref<8x128x16xf32, #tpu.memory_space<hbm>>
    %dma_wait3A_288 = arith.constant 0 : i32
    %dma_wait3A_289 = arith.constant 0 : i32
    %dma_wait3A_290 = arith.constant 0 : i32
    %dma_wait3A_291 = tpu.memref_slice %arg8[%dma_wait3A, %dma_wait3A_288, %dma_wait3A_289, %dma_wait3A_290] : memref<2x8x128x16xf32, #tpu.memory_space<vmem>> -> memref<1x8x128x16xf32, #tpu.memory_space<vmem>>
    %dma_wait3A_292 = tpu.memref_squeeze %dma_wait3A_291 : memref<1x8x128x16xf32, #tpu.memory_space<vmem>> -> memref<8x128x16xf32, #tpu.memory_space<vmem>>
    tpu.wait_dma2 semaphore(%arg16 : memref<!tpu.dma_semaphore, #tpu.memory_space<semaphore_mem>>) src(%dma_wait3A_292 : memref<8x128x16xf32, #tpu.memory_space<vmem>>) dst(%dma_wait3A_287 : memref<8x128x16xf32, #tpu.memory_space<hbm>>)
    %dma_wait3A_293 = arith.constant 1 : i32
    %dma_wait3A_294 = arith.constant 0 : i32
    %dma_wait3A_295 = arith.constant 0 : i32
    %dma_wait3A_296 = tpu.memref_slice %arg9[%dma_wait3A_293, %dma_wait3A_294, %dma_wait3A_295] : memref<2x8x128xf32, #tpu.memory_space<vmem>> -> memref<1x8x128xf32, #tpu.memory_space<vmem>>
    %dma_wait3A_297 = tpu.memref_squeeze %dma_wait3A_296 : memref<1x8x128xf32, #tpu.memory_space<vmem>> -> memref<8x128xf32, #tpu.memory_space<vmem>>
    %dma_wait3A_298 = arith.constant 0 : i32
    %dma_wait3A_299 = tpu.memref_slice %arg6[%add3A_276, %dma_wait3A_298] : memref<3328x128xf32, #tpu.memory_space<hbm>> -> memref<8x128xf32, #tpu.memory_space<hbm>>
    %dma_wait3A_300 = arith.constant 0 : i32
    %dma_wait3A_301 = tpu.memref_slice %arg6[%add3A_276, %dma_wait3A_300] : memref<3328x128xf32, #tpu.memory_space<hbm>> -> memref<8x128xf32, #tpu.memory_space<hbm>>
    %dma_wait3A_302 = arith.constant 0 : i32
    %dma_wait3A_303 = arith.constant 0 : i32
    %dma_wait3A_304 = tpu.memref_slice %arg9[%dma_wait3A_293, %dma_wait3A_302, %dma_wait3A_303] : memref<2x8x128xf32, #tpu.memory_space<vmem>> -> memref<1x8x128xf32, #tpu.memory_space<vmem>>
    %dma_wait3A_305 = tpu.memref_squeeze %dma_wait3A_304 : memref<1x8x128xf32, #tpu.memory_space<vmem>> -> memref<8x128xf32, #tpu.memory_space<vmem>>
    tpu.wait_dma2 semaphore(%arg17 : memref<!tpu.dma_semaphore, #tpu.memory_space<semaphore_mem>>) src(%dma_wait3A_305 : memref<8x128xf32, #tpu.memory_space<vmem>>) dst(%dma_wait3A_301 : memref<8x128xf32, #tpu.memory_space<hbm>>)
    %add3A_306 = arith.constant 96 : i32
    %add3A_307 = arith.addi %mul3A_2, %add3A_306 : i32
    %dma_wait3A_308 = arith.constant 0 : i32
    %dma_wait3A_309 = arith.constant 0 : i32
    %dma_wait3A_310 = arith.constant 0 : i32
    %dma_wait3A_311 = arith.constant 0 : i32
    %dma_wait3A_312 = tpu.memref_slice %arg8[%dma_wait3A_308, %dma_wait3A_309, %dma_wait3A_310, %dma_wait3A_311] : memref<2x8x128x16xf32, #tpu.memory_space<vmem>> -> memref<1x8x128x16xf32, #tpu.memory_space<vmem>>
    %dma_wait3A_313 = tpu.memref_squeeze %dma_wait3A_312 : memref<1x8x128x16xf32, #tpu.memory_space<vmem>> -> memref<8x128x16xf32, #tpu.memory_space<vmem>>
    %dma_wait3A_314 = arith.constant 0 : i32
    %dma_wait3A_315 = arith.constant 0 : i32
    %dma_wait3A_316 = tpu.memref_slice %arg5[%add3A_307, %dma_wait3A_314, %dma_wait3A_315] : memref<3328x128x16xf32, #tpu.memory_space<hbm>> -> memref<8x128x16xf32, #tpu.memory_space<hbm>>
    %dma_wait3A_317 = arith.constant 0 : i32
    %dma_wait3A_318 = arith.constant 0 : i32
    %dma_wait3A_319 = tpu.memref_slice %arg5[%add3A_307, %dma_wait3A_317, %dma_wait3A_318] : memref<3328x128x16xf32, #tpu.memory_space<hbm>> -> memref<8x128x16xf32, #tpu.memory_space<hbm>>
    %dma_wait3A_320 = arith.constant 0 : i32
    %dma_wait3A_321 = arith.constant 0 : i32
    %dma_wait3A_322 = arith.constant 0 : i32
    %dma_wait3A_323 = tpu.memref_slice %arg8[%dma_wait3A_308, %dma_wait3A_320, %dma_wait3A_321, %dma_wait3A_322] : memref<2x8x128x16xf32, #tpu.memory_space<vmem>> -> memref<1x8x128x16xf32, #tpu.memory_space<vmem>>
    %dma_wait3A_324 = tpu.memref_squeeze %dma_wait3A_323 : memref<1x8x128x16xf32, #tpu.memory_space<vmem>> -> memref<8x128x16xf32, #tpu.memory_space<vmem>>
    tpu.wait_dma2 semaphore(%arg12 : memref<!tpu.dma_semaphore, #tpu.memory_space<semaphore_mem>>) src(%dma_wait3A_324 : memref<8x128x16xf32, #tpu.memory_space<vmem>>) dst(%dma_wait3A_319 : memref<8x128x16xf32, #tpu.memory_space<hbm>>)
    %dma_wait3A_325 = arith.constant 0 : i32
    %dma_wait3A_326 = arith.constant 0 : i32
    %dma_wait3A_327 = arith.constant 0 : i32
    %dma_wait3A_328 = tpu.memref_slice %arg9[%dma_wait3A_325, %dma_wait3A_326, %dma_wait3A_327] : memref<2x8x128xf32, #tpu.memory_space<vmem>> -> memref<1x8x128xf32, #tpu.memory_space<vmem>>
    %dma_wait3A_329 = tpu.memref_squeeze %dma_wait3A_328 : memref<1x8x128xf32, #tpu.memory_space<vmem>> -> memref<8x128xf32, #tpu.memory_space<vmem>>
    %dma_wait3A_330 = arith.constant 0 : i32
    %dma_wait3A_331 = tpu.memref_slice %arg6[%add3A_307, %dma_wait3A_330] : memref<3328x128xf32, #tpu.memory_space<hbm>> -> memref<8x128xf32, #tpu.memory_space<hbm>>
    %dma_wait3A_332 = arith.constant 0 : i32
    %dma_wait3A_333 = tpu.memref_slice %arg6[%add3A_307, %dma_wait3A_332] : memref<3328x128xf32, #tpu.memory_space<hbm>> -> memref<8x128xf32, #tpu.memory_space<hbm>>
    %dma_wait3A_334 = arith.constant 0 : i32
    %dma_wait3A_335 = arith.constant 0 : i32
    %dma_wait3A_336 = tpu.memref_slice %arg9[%dma_wait3A_325, %dma_wait3A_334, %dma_wait3A_335] : memref<2x8x128xf32, #tpu.memory_space<vmem>> -> memref<1x8x128xf32, #tpu.memory_space<vmem>>
    %dma_wait3A_337 = tpu.memref_squeeze %dma_wait3A_336 : memref<1x8x128xf32, #tpu.memory_space<vmem>> -> memref<8x128xf32, #tpu.memory_space<vmem>>
    tpu.wait_dma2 semaphore(%arg13 : memref<!tpu.dma_semaphore, #tpu.memory_space<semaphore_mem>>) src(%dma_wait3A_337 : memref<8x128xf32, #tpu.memory_space<vmem>>) dst(%dma_wait3A_333 : memref<8x128xf32, #tpu.memory_space<hbm>>)
    return
  }
}

</mosaic_0001>

<sc_bundles>
// kernel: _sc_gather.3.cloned.1.call-start
scs
__scs_entry_jumppad:
0x0: {  	(pc) =	sbr.rel $0x88, $3  }
0x1: {  	(tag) =	ssettag $0x0;
	lr =	simm.s32 $0x1  }
0x2: {  	[smem:$0x3F9E] =	sst lr;
	_ =	strace $0xD0000000  }
0x3: {  	_ = 	snop  }
0x4: {  	_ = 	snop  }
0x5: {  	_ = 	snop  }
0x6: {  	_ = 	snop  }
0x7: {  	_ = 	snop  }
__scs_overlays_trampoline_lowered:
0x8: {  	[smem:$0x3FAD] =	sst s0  }
0x9: {  	[smem:$0x3FAE] =	sst s1  }
0xa: {  	[smem:$0x3FAF] =	sst s2  }
0xb: {  	[smem:$0x3FB0] =	sst s3  }
0xc: {  	[smem:$0x3FB1] =	sst s4  }
0xd: {  	[smem:$0x3FB2] =	sst s5  }
0xe: {  	[smem:$0x3FB3] =	sst s6  }
0xf: {  	[smem:$0x3FB4] =	sst s7  }
0x10: {  	[smem:$0x3FB5] =	sst s8  }
0x11: {  	[smem:$0x3FB6] =	sst s9;
	s0 =	simm.s32 @!p0 $0x0  }
0x12: {  	s1 =	sld [smem:$0x3F9C];
	s0 =	simm.s32 @p0 $0x1  }
0x13: {  	[smem:$0x3FB7] =	sst s0;
	s0 =	simm.s32 @!p1 $0x0  }
0x14: {  	s2 =	sld [smem:$0x3F9B];
	s0 =	simm.s32 @p1 $0x1  }
0x15: {  	[smem:$0x3FB8] =	sst s0;
	s0 =	simm.s32 @!p2 $0x0  }
0x16: {  	s3 =	sld [smem:$0x3FDB];
	s0 =	simm.s32 @p2 $0x1  }
0x17: {  	s4 =	simm.s32 $0x1BF5;
	[smem:$0x3FBA] =	sst s0  }
0x18: {  	s0 =	sld [smem:$0x3F9D];
	_ =	swait.ge [sflag:s4], $0x0  }
0x19: {  	s7 =	sld [smem:$0x3F9E]  }
0x1a: {  	s8 =	sadd.s32 $0xFFFFE003, lr  }
0x1b: {  	s9 =	sadd.s32 $0xFFFFFEF7, lr;
	s5 =	simm.s32 $0xFFFFFFFF;
	p2 =	slt.u32 s8, $0xFFFFF086  }
0x1c: {  	p1 =	slt.u32 s9, $0xF7A;
	s5 =	simm.s32 @!p2 $0x0  }
0x1d: {  	s5 =	simm.s32 @p1 $0x1;
	p0 =	seq.s32 s7, s2  }
0x1e: {  	s7 =	smul.u32 @!p0 $0xF7A, s2;
	p2 =	seq.s32 @!p0 s5, $0x0  }
0x1f: {  	s9 =	smul.u32 $0xF7A, s1;
	s8 =	simm.s32 @!p0 $0x1BF5;
	p2 =	por !p2, p0  }
0x20: {  	[sflag:s8] =	ssyncset.s32 @!p0 $0xFFFFF086;
	s6 =	sadd.s32 @!p0 s3, s7;
	s7 =	simm.s32 @!p0 $0x108  }
0x21: {  	s3 =	sadd.s32 s3, s9;
	s6 =	sadd.s32 @!p0 $0x88, s6;
	s7 =	simm.s32 @p2 $0x1082  }
0x22: {  	[simem:s7], [sflag:s8] =	dma.local @!p0 [hbm:s6], $0xF7A  }
0x23: {  	s9 =	sor.u32 $0xD0000000, s2;
	s6 =	simm.s32 $0x108;
	_ =	swait.ge @!p0 [sflag:s8], $0x0  }
0x24: {  	s3 =	sadd.s32 $0x88, s3;
	s6 =	simm.s32 @!p1 $0x1082;
	[sflag:s4] =	ssyncset.s32 $0xFFFFF086  }
0x25: {  	[simem:s6], [sflag:s4] =	dma.local [hbm:s3], $0xF7A  }
0x26: {  	[smem:$0x3F9E] =	sst s1;
	(tag) =	ssettag s2;
	_ =	strace s9  }
0x27: {  	s1 =	sld [smem:$0x3FAE]  }
0x28: {  	s2 =	sld [smem:$0x3FAF]  }
0x29: {  	s4 =	sld [smem:$0x3FB1]  }
0x2a: {  	p0 =	seq.s32 s5, $0x0;
	s5 =	sld [smem:$0x3FB2]  }
0x2b: {  	s6 =	sld [smem:$0x3FB3]  }
0x2c: {  	s7 =	sld [smem:$0x3FB4]  }
0x2d: {  	s3 =	simm.s32 $0x108;
	s8 =	sld [smem:$0x3FB5]  }
0x2e: {  	s3 =	simm.s32 @!p0 $0x1082;
	s9 =	sld [smem:$0x3FB6]  }
0x2f: {  	lr =	sadd.s32 s0, s3;
	s0 =	sld [smem:$0x3FAD]  }
0x30: {  	s3 =	sld [smem:$0x3FB0]  }
0x31: {  	[smem:$0x3FB9] =	sst s10  }
0x32: {  	s10 =	sld [smem:$0x3FB7];
	_ =	sdelay $0x3  }
0x33: {  	p0 =	seq.s32 s10, $0x1;
	s10 =	sld [smem:$0x3FB9];
	_ =	sdelay $0x3  }
0x34: {  	[smem:$0x3FB9] =	sst s10  }
0x35: {  	s10 =	sld [smem:$0x3FB8];
	_ =	sdelay $0x3  }
0x36: {  	p1 =	seq.s32 s10, $0x1;
	s10 =	sld [smem:$0x3FB9];
	_ =	sdelay $0x3  }
0x37: {  	[smem:$0x3FB9] =	sst s10  }
0x38: {  	s10 =	sld [smem:$0x3FBA]  }
0x39: {  	_ = 	snop;
	(pc) =	sbr.ind lr, $3  }
0x3a: {  	_ = 	snop  }
0x3b: {  	_ = 	snop  }
0x3c: {  	p2 =	seq.s32 s10, $0x1;
	s10 =	sld [smem:$0x3FB9]  }
0x3d: {  	_ =	shalt  }
0x3e: {  	_ =	shalt  }
0x3f: {  	_ =	shalt  }
0x40: {  	_ =	shalt  }
0x41: {  	_ =	shalt  }
0x42: {  	_ =	shalt  }
0x43: {  	_ =	shalt  }
0x44: {  	_ =	shalt  }
0x45: {  	_ =	shalt  }
0x46: {  	_ =	shalt  }
0x47: {  	_ =	shalt  }
0x48: {  	_ =	shalt  }
0x49: {  	_ =	shalt  }
0x4a: {  	_ =	shalt  }
0x4b: {  	_ =	shalt  }
0x4c: {  	_ =	shalt  }
0x4d: {  	_ =	shalt  }
0x4e: {  	_ =	shalt  }
0x4f: {  	_ =	shalt  }
0x50: {  	_ =	shalt  }
0x51: {  	_ =	shalt  }
0x52: {  	_ =	shalt  }
0x53: {  	_ =	shalt  }
0x54: {  	_ =	shalt  }
0x55: {  	_ =	shalt  }
0x56: {  	_ =	shalt  }
0x57: {  	_ =	shalt  }
0x58: {  	_ =	shalt  }
0x59: {  	_ =	shalt  }
0x5a: {  	_ =	shalt  }
0x5b: {  	_ =	shalt  }
0x5c: {  	_ =	shalt  }
0x5d: {  	_ =	shalt  }
0x5e: {  	_ =	shalt  }
0x5f: {  	_ =	shalt  }
0x60: {  	_ =	shalt  }
0x61: {  	_ =	shalt  }
0x62: {  	_ =	shalt  }
0x63: {  	_ =	shalt  }
0x64: {  	_ =	shalt  }
0x65: {  	_ =	shalt  }
0x66: {  	_ =	shalt  }
0x67: {  	_ =	shalt  }
0x68: {  	_ =	shalt  }
0x69: {  	_ =	shalt  }
0x6a: {  	_ =	shalt  }
0x6b: {  	_ =	shalt  }
0x6c: {  	_ =	shalt  }
0x6d: {  	_ =	shalt  }
0x6e: {  	_ =	shalt  }
0x6f: {  	_ =	shalt  }
0x70: {  	_ =	shalt  }
0x71: {  	_ =	shalt  }
0x72: {  	_ =	shalt  }
0x73: {  	_ =	shalt  }
0x74: {  	_ =	shalt  }
0x75: {  	_ =	shalt  }
0x76: {  	_ =	shalt  }
0x77: {  	_ =	shalt  }
0x78: {  	_ =	shalt  }
0x79: {  	_ =	shalt  }
0x7a: {  	_ =	shalt  }
0x7b: {  	_ =	shalt  }
0x7c: {  	_ =	shalt  }
0x7d: {  	_ =	shalt  }
0x7e: {  	_ =	shalt  }
0x7f: {  	_ =	shalt  }
0x80: {  	_ =	shalt  }
0x81: {  	_ =	shalt  }
0x82: {  	_ =	shalt  }
0x83: {  	_ =	shalt  }
0x84: {  	_ =	shalt  }
0x85: {  	_ =	shalt  }
0x86: {  	_ =	shalt  }
0x87: {  	_ =	shalt  }
.Lfunc_end0:
.L_simem_size_0:
called_computation_lowered:
.L_overlay_start_0:
0x88: {  	s2 =	sld [smem:$0x3FD9]  }
0x89: {  	s3 =	sld [smem:$0x3FFE];
	_ =	sdelay $0x1  }
0x8a: {  	s1 =	srdreg.scid  }
0x8b: {  	s0 =	sand.u32 $0x1, s1  }
0x8c: {  	s14 =	sshll.u32 s0, $0xA;
	s2 =	sadd.s32 s3, s2  }
0x8d: {  	s2 =	sadd.s32 s2, s14  }
0x8e: {  	[smem:$0x3FC5] =	sst s2  }
0x8f: {  	_ = 	snop  }
0x90: {  	s2 =	sld [smem:$0x3FD0];
	_ =	sdelay $0x2  }
0x91: {  	s4 =	simm.s32 $0xA;
	s5 =	simm.s32 $0x10;
	s15 =	sld [smem:$0x3FC9]  }
0x92: {  	[smem:s5], [sflag:s4] =	dma.local [hbm:s2], $0x1  }
0x93: {  	_ =	swait.eq [sflag:s4], $0x1  }
0x94: {  	[sflag:s4] =	ssyncset.done $0x0  }
0x95: {  	s16 =	sld [smem:$0x10];
	[sflag:s4] =	ssyncadd.s32 $0xFFFFFFFF  }
0x96: {  	s17 =	sld [smem:$0x11];
	(tm) =	ssettm $0x1  }
0x97: {  	s18 =	sld [smem:$0x3FFB];
	_ =	sdelay $0x3  }
0x98: {  	_ =	strace s18  }
0x99: {  	s5 =	sld [smem:$0x3FFC];
	_ =	sdelay $0x3  }
0x9a: {  	_ =	strace s5  }
0x9b: {  	s5 =	sld [smem:$0x3FFD];
	_ =	sdelay $0x3  }
0x9c: {  	_ =	strace s5  }
0x9d: {  	_ =	strace $0x8FFFFFFF  }
0x9e: {  	s19 =	sld [smem:$0x3FDB];
	_ =	sdelay $0x1  }
0x9f: {  	s6 =	simm.s32 $_scs_section_size  }
0xa0: {  	s7 =	simm.s32 $_size__tile_overlayer_lowered;
	s8 =	simm.s32 $_tile_overlayer_lowered  }
0xa1: {  	s22 =	simm.s32 $0x1BFF;
	s21 =	sshll.u32 s8, $0x1;
	s5 =	sadd.s32 s6, s19  }
0xa2: {  	s9 =	simm.s32 $0x0;
	s20 =	sshll.u32 s7, $0x1;
	s7 =	sadd.s32 s21, s5  }
0xa3: {  	[timem:s9], [sflag:s22] =	dma.local [hbm:s7], s20  }
0xa4: {  	_ =	swait.ge [sflag:s22], s20  }
0xa5: {  	s6 =	ssub.s32 $0x0, s20;
	[sflag:s22] =	ssyncset.done $0x0  }
0xa6: {  	[sflag:s22] =	ssyncadd.s32 s6;
	_ =	sdelay $0x1  }
0xa7: {  	s23 =	simm.s32 $0x1B8B  }
0xa8: {  	_ =	swait.ge [sflag:s23], $0x1  }
0xa9: {  	[sflag:s23] =	ssyncset.done $0x0  }
0xaa: {  	s25 =	simm.s32 $0x1B8E;
	s24 =	sld [smem:$0x3FFE];
	[sflag:s23] =	ssyncadd.s32 $0xFFFFFFFF  }
0xab: {  	s26 =	simm.s32 $execute0_lowered;
	[smem:$0x3FD2] =	sst s25  }
0xac: {  	s7 =	sshll.u32 s26, $0x1;
	_ =	strace $0x80000046;
	[dreg:$0x1] =	wrdreg $0xFFFFFFFF  }
0xad: {  	s28 =	simm.s32 $_size_execute0_lowered;
	s5 =	sadd.s32 s5, s7;
	[dreg:$0x0] =	wrdreg $0x0  }
0xae: {  	s7 =	sshll.u32 s28, $0x1;
	[dreg:$0x2] =	wrdreg s5  }
0xaf: {  	[dreg:$0x3] =	wrdreg s7  }
0xb0: {  	[dreg:$0x4] =	wrdreg $0xC0  }
0xb1: {  	_ =	task [dreg:s9], $0x5FFFF  }
0xb2: {  	[dreg:$0x1] =	wrdreg $0xFFFFFFFF  }
0xb3: {  	[dreg:$0x0] =	wrdreg $0x60  }
0xb4: {  	[dreg:$0x2] =	wrdreg s15  }
0xb5: {  	[dreg:$0x3] =	wrdreg s24  }
0xb6: {  	[dreg:$0x4] =	wrdreg s16  }
0xb7: {  	[dreg:$0x5] =	wrdreg s17  }
0xb8: {  	[dreg:$0x6] =	wrdreg $0x9  }
0xb9: {  	_ =	task.clear_ibuf [dreg:s9], $0x7FFFF;
	_ =	strace $0x90000046  }
0xba: {  	s29 =	simm.s32 $0x9;
	_ =	strace $0x80000048  }
0xbb: {  	_ =	swait.ge [sflag:s29], $0x1  }
0xbc: {  	[sflag:s29] =	ssyncadd.s32 $0xFFFFFFFF  }
0xbd: {  	_ =	strace $0x90000048  }
0xbe: {  	_ =	sfence  }
0xbf: {  	s30 =	sld [smem:$0x0];
	_ =	sdelay $0x2  }
0xc0: {  	s31 =	sshll.u32 s1, $0xD;
	s1 =	sshrl.u32 s1, $0x2  }
0xc1: {  	s3 =	sand.u32 $0x4000, s31;
	s1 =	sadd.s32 s1, s30  }
0xc2: {  	s0 =	sor.u32 s3, s0;
	s1 =	sshll.u32 s1, $0x11  }
0xc3: {  	s0 =	sor.u32 s1, s0  }
0xc4: {  	s0 =	sadd.s32 $0x8F2B, s0  }
0xc5: {  	[sflag:s0] =	ssyncadd.remote.s32 $0x1  }
0xc6: {  	_ =	sfence.sel $0xFFFF  }
0xc7: {  	[dreg:$0x0] =	wrdreg $0xFFFFFFFF;
	(pc) =	sbr.abs _section_cstart, $3  }
0xc8: {  	[dreg:$0x1] =	wrdreg $0xFFFFFFFF  }
0xc9: {  	_ =	task.clear_ibuf [dreg:s9], $0x2FFFF;
	_ =	strace $0x9FFFFFFF  }
0xca: {  	(tm) =	ssettm $0x7FFFFFFF  }
0xcb: {  	_ =	shalt  }
tec
execute0_lowered:
.L_overlay_start_1:
0x0: {  	(tag) =	ssettag $0x1  }
0x1: {  	s0 =	rddreg [dreg:$0x0]  }
0x2: {  	s1 =	rddreg [dreg:$0x1]  }
0x3: {  	s5 =	rddreg [dreg:$0x2]  }
0x4: {  	s2 =	srdreg.scid;
	s12 =	stileid.u32  }
0x5: {  	s6 =	rddreg [dreg:$0x3];
	s13 =	simm.s32 $0x5;
	s14 =	simm.s32 $0x6  }
0x6: {  	s16 =	simm.s32 $0x7400;
	s17 =	simm.s32 $0xB800;
	s19 =	simm.s32 $0x7  }
0x7: {  	s20 =	simm.s32 $0x8;
	s15 =	simm.s32 $0x9C00;
	s18 =	simm.s32 $0xBB00  }
0x8: {  	s21 =	simm.s32 $0xAC00;
	s24 =	simm.s32 $0xBB80;
	s28 =	simm.s32 $0x1  }
0x9: {  	s31 =	simm.s32 $0x2;
	s7 =	sand.u32 $0x1, s2;
	s9 =	smul.u32 $0xD00, s12  }
0xa: {  	s3 =	sshll.u32 s12, $0x1;
	s2 =	simm.s32 $0x0;
	s12 =	smul.u32 $0xD000, s12  }
0xb: {  	s4 =	sadd.s32 $0x600, s1;
	s3 =	sor.u32 s7, s3;
	s11 =	smul.u32 $0x680, s7  }
0xc: {  	[smem:$0x7FF] =	sst s2;
	s10 =	ssub.s32 $0x2, s7;
	s29 =	smul.u32 $0x6800, s7  }
0xd: {  	s7 =	simm.s32 $0xBA80;
	s8 =	smul.u32 $0x680, s3;
	_ =	strace $0x80000047  }
0xe: {  	s3 =	sadd.s32 $0x27ACA00, s1;
	s26 =	sshrl.u32 s10, $0x1;
	s30 =	sadd.s32 s9, s6  }
0xf: {  	s5 =	sadd.s32 s12, s5;
	s12 =	simm.s32 $0xB400;
	s6 =	simm.s32 $0xBA00  }
.Ltmp0:
0x10: {  	s1 =	ssub.s32 s10, s26;
	s0 =	sadd.s32 s0, s8;
	(pc) =	sbr.rel .LBB2_1-.Ltmp0, $4  }
0x11: {  	s9 =	simm.s32 $0x0;
	s1 =	smax.u32 s1, $0x1;
	[dreg:$0x5] =	wrdreg s0  }
0x12: {  	s10 =	simm.s32 $0x80;
	[dreg:$0x6] =	wrdreg s1;
	s1 =	sadd.s32 s11, s30  }
0x13: {  	s8 =	simm.s32 $0xA400;
	s0 =	sadd.s32 s29, s5;
	[dreg:$0x7] =	wrdreg s1  }
0x14: {  	s11 =	simm.s32 $0x3400;
	s5 =	simm.s32 $0x9400;
	[dreg:$0x8] =	wrdreg s0  }
.LBB2_10:
0x15: {  	_ =	swait.ge [sflag:s19], $0x4000  }
0x16: {  	[sflag:s19] =	ssyncset.done $0x0  }
0x17: {  	[sflag:s19] =	ssyncadd.s32 $0xFFFFC000  }
0x18: {  	_ =	swait.ge [sflag:s20], $0x400  }
0x19: {  	[sflag:s20] =	ssyncset.done $0x0  }
0x1a: {  	s0 =	simm.s32 $0x3;
	[sflag:s20] =	ssyncadd.s32 $0xFFFFFC00  }
0x1b: {  	_ =	swait.ge [sflag:s0], $0x4000  }
0x1c: {  	[sflag:s0] =	ssyncset.done $0x0  }
0x1d: {  	s1 =	simm.s32 $0x4;
	[sflag:s0] =	ssyncadd.s32 $0xFFFFC000  }
0x1e: {  	_ =	swait.ge [sflag:s1], $0x400  }
0x1f: {  	s9 =	sadd.s32 $0x1, s9;
	s30 =	rddreg [dreg:$0x6]  }
0x20: {  	p0 =	sne.s32 s9, s30  }
.Ltmp1:
0x21: {  	_ = 	snop;
	(pc) =	sbr.rel @!p0 .LBB2_11-.Ltmp1, $3  }
0x22: {  	_ =	sdelay $0x1  }
0x23: {  	[sflag:s1] =	ssyncset.done $0x0  }
0x24: {  	[sflag:s1] =	ssyncadd.s32 $0xFFFFFC00  }
.LBB2_1:
0x25: {  	s0 =	rddreg [dreg:$0x5];
	s30 =	simm.s32 $0x9  }
0x26: {  	[tilespmem:s2], [sflag:$0x9] =	stream.linear.gather [hbm4b:s0+s2], $0x3400, $0x38;
	[tilespmem:$0xBC00] =	vst v63  }
0x27: {  	_ =	swait.ge [sflag:s30], $0x3400  }
0x28: {  	[sflag:s30] =	ssyncset.done $0x0  }
0x29: {  	[sflag:s30] =	ssyncadd.s32 $0xFFFFCC00  }
0x2a: {  	[tilespmem:s11], [sflag:$0x1] =	stream.indirect.gather [hbm4b:s3+s10], $0x10, s2, s10, $0xb8;
	[tilespmem:$0xBC00] =	vst v63  }
0x2b: {  	_ = 	snop  }
0x2c: {  	[tilespmem:s12], [sflag:$0x2] =	stream.indirect.gather [hbm4b:s4+s10], $0x1, s2, s10, $0xb8;
	[tilespmem:$0xBC00] =	vst v63  }
0x2d: {  	s1 =	simm.s32 $0x3C00  }
0x2e: {  	[tilespmem:s1], [sflag:$0x1] =	stream.indirect.gather [hbm4b:s3+s10], $0x10, s10, s10, $0xb8;
	[tilespmem:$0xBC00] =	vst v63  }
0x2f: {  	s22 =	simm.s32 $0xB480  }
0x30: {  	[tilespmem:s22], [sflag:$0x2] =	stream.indirect.gather [hbm4b:s4+s10], $0x1, s10, s10, $0xb8;
	[tilespmem:$0xBC00] =	vst v63  }
0x31: {  	s23 =	simm.s32 $0x100;
	s1 =	simm.s32 $0x4400  }
0x32: {  	[tilespmem:s1], [sflag:$0x1] =	stream.indirect.gather [hbm4b:s3+s10], $0x10, s23, s10, $0xb8;
	[tilespmem:$0xBC00] =	vst v63  }
0x33: {  	s25 =	simm.s32 $0xB500  }
0x34: {  	[tilespmem:s25], [sflag:$0x2] =	stream.indirect.gather [hbm4b:s4+s10], $0x1, s23, s10, $0xb8;
	[tilespmem:$0xBC00] =	vst v63  }
0x35: {  	s26 =	simm.s32 $0x180;
	s29 =	simm.s32 $0x4C00  }
0x36: {  	[tilespmem:s29], [sflag:$0x1] =	stream.indirect.gather [hbm4b:s3+s10], $0x10, s26, s10, $0xb8;
	[tilespmem:$0xBC00] =	vst v63  }
0x37: {  	s30 =	simm.s32 $0xB580  }
0x38: {  	[tilespmem:s30], [sflag:$0x2] =	stream.indirect.gather [hbm4b:s4+s10], $0x1, s26, s10, $0xb8;
	[tilespmem:$0xBC00] =	vst v63  }
0x39: {  	s22 =	simm.s32 $0x200;
	s23 =	simm.s32 $0x5400  }
0x3a: {  	[tilespmem:s23], [sflag:$0x1] =	stream.indirect.gather [hbm4b:s3+s10], $0x10, s22, s10, $0xb8;
	[tilespmem:$0xBC00] =	vst v63  }
0x3b: {  	s25 =	simm.s32 $0xB600  }
0x3c: {  	[tilespmem:s25], [sflag:$0x2] =	stream.indirect.gather [hbm4b:s4+s10], $0x1, s22, s10, $0xb8;
	[tilespmem:$0xBC00] =	vst v63  }
0x3d: {  	s29 =	simm.s32 $0x5C00;
	s26 =	simm.s32 $0x280  }
0x3e: {  	[tilespmem:s29], [sflag:$0x1] =	stream.indirect.gather [hbm4b:s3+s10], $0x10, s26, s10, $0xb8;
	[tilespmem:$0xBC00] =	vst v63  }
0x3f: {  	s30 =	simm.s32 $0xB680  }
0x40: {  	[tilespmem:s30], [sflag:$0x2] =	stream.indirect.gather [hbm4b:s4+s10], $0x1, s26, s10, $0xb8;
	[tilespmem:$0xBC00] =	vst v63  }
0x41: {  	s23 =	simm.s32 $0x6400;
	s22 =	simm.s32 $0x300  }
0x42: {  	[tilespmem:s23], [sflag:$0x1] =	stream.indirect.gather [hbm4b:s3+s10], $0x10, s22, s10, $0xb8;
	[tilespmem:$0xBC00] =	vst v63  }
0x43: {  	s25 =	simm.s32 $0xB700  }
0x44: {  	[tilespmem:s25], [sflag:$0x2] =	stream.indirect.gather [hbm4b:s4+s10], $0x1, s22, s10, $0xb8;
	[tilespmem:$0xBC00] =	vst v63  }
.Ltmp2:
0x45: {  	s29 =	simm.s32 $0x6C00;
	s26 =	simm.s32 $0x380;
	(pc) =	sbr.rel .LBB2_2-.Ltmp2, $4  }
0x46: {  	[tilespmem:s29], [sflag:$0x1] =	stream.indirect.gather [hbm4b:s3+s10], $0x10, s26, s10, $0xb8;
	[tilespmem:$0xBC00] =	vst v63  }
0x47: {  	s30 =	simm.s32 $0xB780;
	s23 =	rddreg [dreg:$0x7]  }
0x48: {  	[tilespmem:s30], [sflag:$0x2] =	stream.indirect.gather [hbm4b:s4+s10], $0x1, s26, s10, $0xb8;
	[tilespmem:$0xBC00] =	vst v63  }
0x49: {  	s22 =	rddreg [dreg:$0x8];
	s25 =	simm.s32 $0x0;
	s26 =	simm.s32 $0x0  }
.LBB2_8:
0x4a: {  	p0 =	seq.s32 s25, $0xC000  }
0x4b: {  	s1 =	simm.s32 @!p0 $0x3  }
0x4c: {  	_ =	swait.ge @!p0 [sflag:s1], $0x4000  }
0x4d: {  	[sflag:s1] =	ssyncset.done @!p0 $0x0  }
0x4e: {  	[sflag:s1] =	ssyncadd.s32 @!p0 $0xFFFFC000;
	s1 =	simm.s32 @!p0 $0x4  }
0x4f: {  	_ =	swait.ge @!p0 [sflag:s1], $0x400  }
0x50: {  	[sflag:s1] =	ssyncset.done @!p0 $0x0  }
0x51: {  	[sflag:s1] =	ssyncadd.s32 @!p0 $0xFFFFFC00;
	s1 =	sshra.s32 @!p0 s25, $0x2  }
0x52: {  	s30 =	simm.s32 @!p0 $0x80;
	s0 =	simm.s32 @!p0 $0x3400;
	s29 =	sadd.s32 @!p0 $0x400, s1  }
0x53: {  	[tilespmem:s0], [sflag:$0x1] =	stream.indirect.gather @!p0 [hbm4b:s3+s30], $0x10, s29, s30, $0xb8;
	[tilespmem:$0xBC00] =	vst v63  }
0x54: {  	s0 =	simm.s32 @!p0 $0xB400  }
0x55: {  	[tilespmem:s0], [sflag:$0x2] =	stream.indirect.gather @!p0 [hbm4b:s4+s30], $0x1, s29, s30, $0xb8;
	[tilespmem:$0xBC00] =	vst v63  }
0x56: {  	s0 =	sadd.s32 @!p0 $0x480, s1;
	s29 =	simm.s32 @!p0 $0x3C00  }
0x57: {  	[tilespmem:s29], [sflag:$0x1] =	stream.indirect.gather @!p0 [hbm4b:s3+s30], $0x10, s0, s30, $0xb8;
	[tilespmem:$0xBC00] =	vst v63  }
0x58: {  	s29 =	simm.s32 @!p0 $0xB480  }
0x59: {  	[tilespmem:s29], [sflag:$0x2] =	stream.indirect.gather @!p0 [hbm4b:s4+s30], $0x1, s0, s30, $0xb8;
	[tilespmem:$0xBC00] =	vst v63  }
0x5a: {  	s0 =	sadd.s32 @!p0 $0x500, s1;
	s29 =	simm.s32 @!p0 $0x4400  }
0x5b: {  	[tilespmem:s29], [sflag:$0x1] =	stream.indirect.gather @!p0 [hbm4b:s3+s30], $0x10, s0, s30, $0xb8;
	[tilespmem:$0xBC00] =	vst v63  }
0x5c: {  	s29 =	simm.s32 @!p0 $0xB500  }
0x5d: {  	[tilespmem:s29], [sflag:$0x2] =	stream.indirect.gather @!p0 [hbm4b:s4+s30], $0x1, s0, s30, $0xb8;
	[tilespmem:$0xBC00] =	vst v63  }
0x5e: {  	s0 =	sadd.s32 @!p0 $0x580, s1;
	s29 =	simm.s32 @!p0 $0x4C00  }
0x5f: {  	[tilespmem:s29], [sflag:$0x1] =	stream.indirect.gather @!p0 [hbm4b:s3+s30], $0x10, s0, s30, $0xb8;
	[tilespmem:$0xBC00] =	vst v63  }
0x60: {  	s29 =	simm.s32 @!p0 $0xB580  }
0x61: {  	[tilespmem:s29], [sflag:$0x2] =	stream.indirect.gather @!p0 [hbm4b:s4+s30], $0x1, s0, s30, $0xb8;
	[tilespmem:$0xBC00] =	vst v63  }
0x62: {  	s0 =	sadd.s32 @!p0 $0x600, s1;
	s29 =	simm.s32 @!p0 $0x5400  }
0x63: {  	[tilespmem:s29], [sflag:$0x1] =	stream.indirect.gather @!p0 [hbm4b:s3+s30], $0x10, s0, s30, $0xb8;
	[tilespmem:$0xBC00] =	vst v63  }
0x64: {  	s29 =	simm.s32 @!p0 $0xB600  }
0x65: {  	[tilespmem:s29], [sflag:$0x2] =	stream.indirect.gather @!p0 [hbm4b:s4+s30], $0x1, s0, s30, $0xb8;
	[tilespmem:$0xBC00] =	vst v63  }
0x66: {  	s0 =	sadd.s32 @!p0 $0x680, s1;
	s29 =	simm.s32 @!p0 $0x5C00  }
0x67: {  	[tilespmem:s29], [sflag:$0x1] =	stream.indirect.gather @!p0 [hbm4b:s3+s30], $0x10, s0, s30, $0xb8;
	[tilespmem:$0xBC00] =	vst v63  }
0x68: {  	s29 =	simm.s32 @!p0 $0xB680  }
0x69: {  	[tilespmem:s29], [sflag:$0x2] =	stream.indirect.gather @!p0 [hbm4b:s4+s30], $0x1, s0, s30, $0xb8;
	[tilespmem:$0xBC00] =	vst v63  }
0x6a: {  	s0 =	sadd.s32 @!p0 $0x700, s1;
	s29 =	simm.s32 @!p0 $0x6400  }
0x6b: {  	[tilespmem:s29], [sflag:$0x1] =	stream.indirect.gather @!p0 [hbm4b:s3+s30], $0x10, s0, s30, $0xb8;
	[tilespmem:$0xBC00] =	vst v63  }
0x6c: {  	s29 =	simm.s32 @!p0 $0xB700  }
0x6d: {  	[tilespmem:s29], [sflag:$0x2] =	stream.indirect.gather @!p0 [hbm4b:s4+s30], $0x1, s0, s30, $0xb8;
	[tilespmem:$0xBC00] =	vst v63  }
0x6e: {  	s0 =	sadd.s32 @!p0 $0x780, s1;
	s1 =	simm.s32 @!p0 $0x6C00  }
0x6f: {  	[tilespmem:s1], [sflag:$0x1] =	stream.indirect.gather @!p0 [hbm4b:s3+s30], $0x10, s0, s30, $0xb8;
	[tilespmem:$0xBC00] =	vst v63  }
0x70: {  	s1 =	simm.s32 @!p0 $0xB780  }
0x71: {  	[tilespmem:s1], [sflag:$0x2] =	stream.indirect.gather @!p0 [hbm4b:s4+s30], $0x1, s0, s30, $0xb8;
	[tilespmem:$0xBC00] =	vst v63  }
0x72: {  	_ =	swait.ge [sflag:s13], $0x800  }
0x73: {  	[sflag:s13] =	ssyncset.done $0x0  }
0x74: {  	[sflag:s13] =	ssyncadd.s32 $0xFFFFF800  }
0x75: {  	_ =	swait.ge [sflag:s14], $0x80  }
0x76: {  	[sflag:s14] =	ssyncset.done $0x0  }
0x77: {  	[sflag:s14] =	ssyncadd.s32 $0xFFFFFF80  }
0x78: {  	_ =	swait.ge [sflag:s13], $0x800  }
0x79: {  	[sflag:s13] =	ssyncset.done $0x0  }
0x7a: {  	[sflag:s13] =	ssyncadd.s32 $0xFFFFF800  }
0x7b: {  	_ =	swait.ge [sflag:s14], $0x80  }
0x7c: {  	[sflag:s14] =	ssyncset.done $0x0  }
0x7d: {  	[sflag:s14] =	ssyncadd.s32 $0xFFFFFF80  }
0x7e: {  	_ =	swait.ge [sflag:s13], $0x800  }
0x7f: {  	[sflag:s13] =	ssyncset.done $0x0  }
0x80: {  	[sflag:s13] =	ssyncadd.s32 $0xFFFFF800  }
0x81: {  	_ =	swait.ge [sflag:s14], $0x80  }
0x82: {  	[sflag:s14] =	ssyncset.done $0x0  }
0x83: {  	[sflag:s14] =	ssyncadd.s32 $0xFFFFFF80  }
0x84: {  	_ =	swait.ge [sflag:s13], $0x800  }
0x85: {  	[sflag:s13] =	ssyncset.done $0x0  }
0x86: {  	[sflag:s13] =	ssyncadd.s32 $0xFFFFF800  }
0x87: {  	_ =	swait.ge [sflag:s14], $0x80  }
0x88: {  	[sflag:s14] =	ssyncset.done $0x0  }
0x89: {  	[sflag:s14] =	ssyncadd.s32 $0xFFFFFF80  }
0x8a: {  	_ =	swait.ge [sflag:s13], $0x800  }
0x8b: {  	[sflag:s13] =	ssyncset.done $0x0  }
0x8c: {  	[sflag:s13] =	ssyncadd.s32 $0xFFFFF800  }
0x8d: {  	_ =	swait.ge [sflag:s14], $0x80  }
0x8e: {  	[sflag:s14] =	ssyncset.done $0x0  }
0x8f: {  	[sflag:s14] =	ssyncadd.s32 $0xFFFFFF80  }
0x90: {  	_ =	swait.ge [sflag:s13], $0x800  }
0x91: {  	[sflag:s13] =	ssyncset.done $0x0  }
0x92: {  	[sflag:s13] =	ssyncadd.s32 $0xFFFFF800  }
0x93: {  	_ =	swait.ge [sflag:s14], $0x80  }
0x94: {  	[sflag:s14] =	ssyncset.done $0x0  }
0x95: {  	[sflag:s14] =	ssyncadd.s32 $0xFFFFFF80  }
0x96: {  	_ =	swait.ge [sflag:s13], $0x800  }
0x97: {  	[sflag:s13] =	ssyncset.done $0x0  }
0x98: {  	[sflag:s13] =	ssyncadd.s32 $0xFFFFF800  }
0x99: {  	_ =	swait.ge [sflag:s14], $0x80  }
0x9a: {  	[sflag:s14] =	ssyncset.done $0x0  }
0x9b: {  	[sflag:s14] =	ssyncadd.s32 $0xFFFFFF80  }
0x9c: {  	_ =	swait.ge [sflag:s13], $0x800  }
0x9d: {  	[sflag:s13] =	ssyncset.done $0x0  }
0x9e: {  	[sflag:s13] =	ssyncadd.s32 $0xFFFFF800  }
0x9f: {  	_ =	swait.ge [sflag:s14], $0x80  }
0xa0: {  	[sflag:s14] =	ssyncset.done $0x0  }
0xa1: {  	[sflag:s14] =	ssyncadd.s32 $0xFFFFFF80  }
0xa2: {  	[hbm4b:s22+s2] =	stream.linear.scatter [tilespmem:s16], [sflag:$0x7], $0x4000, $0x38;
	[tilespmem:$0xBC00] =	vst v63  }
0xa3: {  	_ = 	snop  }
0xa4: {  	[hbm4b:s23+s2] =	stream.linear.scatter [tilespmem:s17], [sflag:$0x8], $0x400, $0x38;
	[tilespmem:$0xBC00] =	vst v63  }
.LBB2_9:
0xa5: {  	s25 =	sadd.s32 $0x1000, s25  }
0xa6: {  	p0 =	sne.s32 s25, $0xD000  }
.Ltmp3:
0xa7: {  	_ = 	snop;
	(pc) =	sbr.rel @!p0 .LBB2_10-.Ltmp3, $2  }
0xa8: {  	_ =	sdelay $0x2  }
0xa9: {  	s26 =	sadd.s32 $0x1, s26;
	s23 =	sadd.s32 $0x80, s23;
	s22 =	sadd.s32 $0x800, s22  }
.LBB2_2:
0xaa: {  	s29 =	sand.u32 $0x1, s26  }
0xab: {  	p0 =	seq.s32 s29, $0x1  }
.Ltmp4:
0xac: {  	_ = 	snop;
	(pc) =	sbr.rel @p0 .LBB2_8-.Ltmp4, $1  }
0xad: {  	_ =	sdelay $0x3  }
0xae: {  	p0 =	seq.s32 s26, $0x0  }
.Ltmp5:
0xaf: {  	_ = 	snop;
	(pc) =	sbr.rel @p0 .LBB2_6-.Ltmp5, $1  }
0xb0: {  	_ =	sdelay $0x3  }
0xb1: {  	p0 =	seq.s32 s26, $0xC  }
.Ltmp6:
0xb2: {  	_ = 	snop;
	(pc) =	sbr.rel @p0 .LBB2_7-.Ltmp6, $1  }
0xb3: {  	_ =	sdelay $0x3  }
0xb4: {  	_ =	swait.ge [sflag:s19], $0x4000  }
0xb5: {  	[sflag:s19] =	ssyncset.done $0x0  }
0xb6: {  	[sflag:s19] =	ssyncadd.s32 $0xFFFFC000  }
0xb7: {  	_ =	swait.ge [sflag:s20], $0x400  }
0xb8: {  	[sflag:s20] =	ssyncset.done $0x0  }
0xb9: {  	[sflag:s20] =	ssyncadd.s32 $0xFFFFFC00  }
.LBB2_6:
0xba: {  	s30 =	sshra.s32 s25, $0x2  }
0xbb: {  	s1 =	sadd.s32 $0x400, s30  }
0xbc: {  	[tilespmem:s16], [sflag:$0x5] =	stream.indirect.gather [hbm4b:s3+s10], $0x10, s1, s10, $0xb8;
	[tilespmem:$0xBC00] =	vst v63  }
0xbd: {  	_ = 	snop  }
0xbe: {  	[tilespmem:s17], [sflag:$0x6] =	stream.indirect.gather [hbm4b:s4+s10], $0x1, s1, s10, $0xb8;
	[tilespmem:$0xBC00] =	vst v63  }
0xbf: {  	s0 =	simm.s32 $0x7C00;
	s1 =	sadd.s32 $0x480, s30  }
0xc0: {  	[tilespmem:s0], [sflag:$0x5] =	stream.indirect.gather [hbm4b:s3+s10], $0x10, s1, s10, $0xb8;
	[tilespmem:$0xBC00] =	vst v63  }
0xc1: {  	s0 =	simm.s32 $0xB880  }
0xc2: {  	[tilespmem:s0], [sflag:$0x6] =	stream.indirect.gather [hbm4b:s4+s10], $0x1, s1, s10, $0xb8;
	[tilespmem:$0xBC00] =	vst v63  }
0xc3: {  	s1 =	sadd.s32 $0x500, s30;
	s0 =	simm.s32 $0x8400  }
0xc4: {  	[tilespmem:s0], [sflag:$0x5] =	stream.indirect.gather [hbm4b:s3+s10], $0x10, s1, s10, $0xb8;
	[tilespmem:$0xBC00] =	vst v63  }
0xc5: {  	s0 =	simm.s32 $0xB900  }
0xc6: {  	[tilespmem:s0], [sflag:$0x6] =	stream.indirect.gather [hbm4b:s4+s10], $0x1, s1, s10, $0xb8;
	[tilespmem:$0xBC00] =	vst v63  }
0xc7: {  	s1 =	sadd.s32 $0x580, s30;
	s0 =	simm.s32 $0x8C00  }
0xc8: {  	[tilespmem:s0], [sflag:$0x5] =	stream.indirect.gather [hbm4b:s3+s10], $0x10, s1, s10, $0xb8;
	[tilespmem:$0xBC00] =	vst v63  }
0xc9: {  	s0 =	simm.s32 $0xB980  }
0xca: {  	[tilespmem:s0], [sflag:$0x6] =	stream.indirect.gather [hbm4b:s4+s10], $0x1, s1, s10, $0xb8;
	[tilespmem:$0xBC00] =	vst v63  }
0xcb: {  	s0 =	sadd.s32 $0x600, s30  }
0xcc: {  	[tilespmem:s5], [sflag:$0x5] =	stream.indirect.gather [hbm4b:s3+s10], $0x10, s0, s10, $0xb8;
	[tilespmem:$0xBC00] =	vst v63  }
0xcd: {  	_ = 	snop  }
0xce: {  	[tilespmem:s6], [sflag:$0x6] =	stream.indirect.gather [hbm4b:s4+s10], $0x1, s0, s10, $0xb8;
	[tilespmem:$0xBC00] =	vst v63  }
0xcf: {  	s0 =	sadd.s32 $0x680, s30  }
0xd0: {  	[tilespmem:s15], [sflag:$0x5] =	stream.indirect.gather [hbm4b:s3+s10], $0x10, s0, s10, $0xb8;
	[tilespmem:$0xBC00] =	vst v63  }
0xd1: {  	_ = 	snop  }
0xd2: {  	[tilespmem:s7], [sflag:$0x6] =	stream.indirect.gather [hbm4b:s4+s10], $0x1, s0, s10, $0xb8;
	[tilespmem:$0xBC00] =	vst v63  }
0xd3: {  	s0 =	sadd.s32 $0x700, s30  }
0xd4: {  	[tilespmem:s8], [sflag:$0x5] =	stream.indirect.gather [hbm4b:s3+s10], $0x10, s0, s10, $0xb8;
	[tilespmem:$0xBC00] =	vst v63  }
0xd5: {  	_ = 	snop  }
0xd6: {  	[tilespmem:s18], [sflag:$0x6] =	stream.indirect.gather [hbm4b:s4+s10], $0x1, s0, s10, $0xb8;
	[tilespmem:$0xBC00] =	vst v63  }
0xd7: {  	s30 =	sadd.s32 $0x780, s30  }
0xd8: {  	[tilespmem:s21], [sflag:$0x5] =	stream.indirect.gather [hbm4b:s3+s10], $0x10, s30, s10, $0xb8;
	[tilespmem:$0xBC00] =	vst v63  }
0xd9: {  	_ = 	snop  }
0xda: {  	[tilespmem:s24], [sflag:$0x6] =	stream.indirect.gather [hbm4b:s4+s10], $0x1, s30, s10, $0xb8;
	[tilespmem:$0xBC00] =	vst v63  }
.LBB2_7:
0xdb: {  	_ =	swait.ge [sflag:s28], $0x800  }
0xdc: {  	[sflag:s28] =	ssyncset.done $0x0  }
0xdd: {  	[sflag:s28] =	ssyncadd.s32 $0xFFFFF800  }
0xde: {  	_ =	swait.ge [sflag:s31], $0x80  }
0xdf: {  	[sflag:s31] =	ssyncset.done $0x0  }
0xe0: {  	[sflag:s31] =	ssyncadd.s32 $0xFFFFFF80  }
0xe1: {  	_ =	swait.ge [sflag:s28], $0x800  }
0xe2: {  	[sflag:s28] =	ssyncset.done $0x0  }
0xe3: {  	[sflag:s28] =	ssyncadd.s32 $0xFFFFF800  }
0xe4: {  	_ =	swait.ge [sflag:s31], $0x80  }
0xe5: {  	[sflag:s31] =	ssyncset.done $0x0  }
0xe6: {  	[sflag:s31] =	ssyncadd.s32 $0xFFFFFF80  }
0xe7: {  	_ =	swait.ge [sflag:s28], $0x800  }
0xe8: {  	[sflag:s28] =	ssyncset.done $0x0  }
0xe9: {  	[sflag:s28] =	ssyncadd.s32 $0xFFFFF800  }
0xea: {  	_ =	swait.ge [sflag:s31], $0x80  }
0xeb: {  	[sflag:s31] =	ssyncset.done $0x0  }
0xec: {  	[sflag:s31] =	ssyncadd.s32 $0xFFFFFF80  }
0xed: {  	_ =	swait.ge [sflag:s28], $0x800  }
0xee: {  	[sflag:s28] =	ssyncset.done $0x0  }
0xef: {  	[sflag:s28] =	ssyncadd.s32 $0xFFFFF800  }
0xf0: {  	_ =	swait.ge [sflag:s31], $0x80  }
0xf1: {  	[sflag:s31] =	ssyncset.done $0x0  }
0xf2: {  	[sflag:s31] =	ssyncadd.s32 $0xFFFFFF80  }
0xf3: {  	_ =	swait.ge [sflag:s28], $0x800  }
0xf4: {  	[sflag:s28] =	ssyncset.done $0x0  }
0xf5: {  	[sflag:s28] =	ssyncadd.s32 $0xFFFFF800  }
0xf6: {  	_ =	swait.ge [sflag:s31], $0x80  }
0xf7: {  	[sflag:s31] =	ssyncset.done $0x0  }
0xf8: {  	[sflag:s31] =	ssyncadd.s32 $0xFFFFFF80  }
0xf9: {  	_ =	swait.ge [sflag:s28], $0x800  }
0xfa: {  	[sflag:s28] =	ssyncset.done $0x0  }
0xfb: {  	[sflag:s28] =	ssyncadd.s32 $0xFFFFF800  }
0xfc: {  	_ =	swait.ge [sflag:s31], $0x80  }
0xfd: {  	[sflag:s31] =	ssyncset.done $0x0  }
0xfe: {  	[sflag:s31] =	ssyncadd.s32 $0xFFFFFF80  }
0xff: {  	_ =	swait.ge [sflag:s28], $0x800  }
0x100: {  	[sflag:s28] =	ssyncset.done $0x0  }
0x101: {  	[sflag:s28] =	ssyncadd.s32 $0xFFFFF800  }
0x102: {  	_ =	swait.ge [sflag:s31], $0x80  }
0x103: {  	[sflag:s31] =	ssyncset.done $0x0  }
0x104: {  	[sflag:s31] =	ssyncadd.s32 $0xFFFFFF80  }
0x105: {  	_ =	swait.ge [sflag:s28], $0x800  }
0x106: {  	[sflag:s28] =	ssyncset.done $0x0  }
0x107: {  	[sflag:s28] =	ssyncadd.s32 $0xFFFFF800  }
0x108: {  	p0 =	seq.s32 s29, $0x0;
	_ =	swait.ge [sflag:s31], $0x80  }
.Ltmp7:
0x109: {  	[sflag:s31] =	ssyncset.done $0x0;
	(pc) =	sbr.rel @p0 .LBB2_9-.Ltmp7, $4  }
.Ltmp8:
0x10a: {  	[sflag:s31] =	ssyncadd.s32 $0xFFFFFF80;
	(pc) =	sbr.rel @!p0 .LBB2_8-.Ltmp8, $4  }
0x10b: {  	[hbm4b:s22+s2] =	stream.linear.scatter [tilespmem:s11], [sflag:$0x3], $0x4000, $0x38;
	[tilespmem:$0xBC00] =	vst v63  }
0x10c: {  	_ = 	snop  }
0x10d: {  	[hbm4b:s23+s2] =	stream.linear.scatter [tilespmem:s12], [sflag:$0x4], $0x400, $0x38;
	[tilespmem:$0xBC00] =	vst v63  }
0x10e: {  	_ = 	snop  }
.LBB2_11:
0x10f: {  	_ =	sfence.sel $0x180000  }
0x110: {  	[bflag:$0x0] =	sbarrier.arrive $0xFFFF  }
0x111: {  	_ =	strace $0x90000047  }
0x112: {  	s0 =	stileid.u32;
	[bflag:$0x2] =	sbarrier.arrive $0xFFFF  }
0x113: {  	p0 =	sne.s32 s0, $0x0;
	s0 =	rddreg [dreg:$0x4]  }
0x114: {  	s0 =	sadd.s32 @!p0 $0x100000, s0  }
0x115: {  	[sflag:s0] =	ssyncadd.tile.s32 @!p0 $0x1;
	_ =	shalt  }
.Lfunc_end2:
_tile_overlayer_lowered:
.L_overlay_start_2:
0x116: {  	(tag) =	ssettag $0x2  }
0x117: {  	s0 =	rddreg [dreg:$0x0];
	s2 =	stileid.u32  }
0x118: {  	s1 =	rddreg [dreg:$0x1];
	p0 =	sne.s32 s2, $0x0  }
0x119: {  	s3 =	rddreg [dreg:$0x2];
	[bflag:$0x3] =	sbarrier.arrive $0xFFFF;
	s2 =	simm.s32 @!p0 $0x1C09  }
0x11a: {  	[timem:s3], [sflag:s2] =	dma.local @!p0 [hbm:s0], s1  }
0x11b: {  	s0 =	simm.s32 @!p0 $0x9  }
0x11c: {  	_ =	swait.ge @!p0 [sflag:s0], s1  }
0x11d: {  	s1 =	ssub.s32 @!p0 $0x0, s1;
	[sflag:s0] =	ssyncset.done @!p0 $0x0  }
0x11e: {  	[sflag:s0] =	ssyncadd.s32 @!p0 s1  }
0x11f: {  	[bflag:$0x3] =	sbarrier.arrive $0xFFFF  }
0x120: {  	_ =	shalt  }

</sc_bundles>
